<compile_context>
chip_gen: v7x
topology: tpu7x:2x2x1
jax: 0.10.2.dev20260603
libtpu: 0.0.44.dev20260713+nightly
codegen_flags: <defaults>
</compile_context>

<pallas_src>
import jax
import jax.numpy as jnp
from jax import lax
from jax.experimental import pallas as pl
from jax.experimental.pallas import tpu as pltpu
from jax.experimental.pallas import tpu_sc as plsc

N_NODES = 10000
N_PAD = 10240
N_EDGES = 320000
D = 128

NC = 2
NS = 16
NW = NC * NS
EPW = N_EDGES // NW
CHUNK = 80
NCHUNK = EPW // CHUNK
CH2 = 128
EPW_PAD = 10240
NCH2 = EPW_PAD // CH2
NCH2H = NCH2 // 2
RPT = N_PAD // NS

_mesh = plsc.VectorSubcoreMesh(core_axis_name="c", subcore_axis_name="s")


def _agg_body(y_hbm, src_hbm, dst_hbm, agg_out, sidx_a, sidx_b, sidx_c,
              sidx_d, didx_a, didx_b, didx_c, didx_d, rows_a, rows_b,
              rows_c, rows_d, acc, gsem, isem, ssem):
  cc = lax.axis_index("c")
  ss = lax.axis_index("s")
  wid = ss * NC + cc
  base = wid * EPW

  zero16 = jnp.zeros((16,), jnp.float32)

  @pl.loop(0, CHUNK)
  def _zero_fill(r):
    @pl.loop(0, D // 16)
    def _(j):
      rows_a[r, pl.ds(j * 16, 16)] = zero16

  @pl.loop(0, RPT // CHUNK)
  def _zero_acc(r):
    pltpu.sync_copy(rows_a, acc.at[pl.ds(ss * RPT + r * CHUNK, CHUNK)])

  plsc.subcore_barrier()

  def _idx_start(i, sbuf, dbuf):
    pltpu.async_copy(src_hbm.at[pl.ds(base + i * CHUNK, CHUNK)], sbuf, isem)
    pltpu.async_copy(dst_hbm.at[pl.ds(base + i * CHUNK, CHUNK)], dbuf, isem)

  def _idx_wait(i, sbuf, dbuf):
    pltpu.make_async_copy(src_hbm.at[pl.ds(base + i * CHUNK, CHUNK)], sbuf,
                          isem).wait()
    pltpu.make_async_copy(dst_hbm.at[pl.ds(base + i * CHUNK, CHUNK)], dbuf,
                          isem).wait()

  def _gather_start(sbuf, buf):
    pltpu.async_copy(y_hbm.at[sbuf], buf, gsem)

  def _gather_wait(sbuf, buf):
    pltpu.make_async_copy(y_hbm.at[sbuf], buf, gsem).wait()

  def _scat_start(dbuf, buf):
    pltpu.async_copy(buf, acc.at[dbuf], ssem, add=True)

  def _scat_wait(dbuf, buf):
    pltpu.make_async_copy(buf, acc.at[dbuf], ssem).wait()

  bufs = [(sidx_a, didx_a, rows_a), (sidx_b, didx_b, rows_b),
          (sidx_c, didx_c, rows_c), (sidx_d, didx_d, rows_d)]

  for b, (sb, db, rb) in enumerate(bufs):
    pltpu.sync_copy(src_hbm.at[pl.ds(base + b * CHUNK, CHUNK)], sb)
    pltpu.sync_copy(dst_hbm.at[pl.ds(base + b * CHUNK, CHUNK)], db)
    _gather_start(sb, rb)

  @pl.loop(0, NCHUNK - 5, step=4)
  def _edges(i):
    for b, (sb, db, rb) in enumerate(bufs):
      _gather_wait(sb, rb)
      _scat_start(db, rb)
    for b, (sb, db, rb) in enumerate(bufs):
      _scat_wait(db, rb)
      _idx_start(i + 4 + b, sb, db)
    for b, (sb, db, rb) in enumerate(bufs):
      _idx_wait(i + 4 + b, sb, db)
      _gather_start(sb, rb)

  for b, (sb, db, rb) in enumerate(bufs):
    _gather_wait(sb, rb)
    _scat_start(db, rb)
  _scat_wait(didx_a, rows_a)
  pltpu.sync_copy(src_hbm.at[pl.ds(base + (NCHUNK - 1) * CHUNK, CHUNK)],
                  sidx_a)
  pltpu.sync_copy(dst_hbm.at[pl.ds(base + (NCHUNK - 1) * CHUNK, CHUNK)],
                  didx_a)
  _gather_start(sidx_a, rows_a)
  _gather_wait(sidx_a, rows_a)
  _scat_start(didx_a, rows_a)
  _scat_wait(didx_a, rows_a)
  for _, (sb, db, rb) in enumerate(bufs[1:]):
    _scat_wait(db, rb)

  plsc.subcore_barrier()

  pltpu.sync_copy(acc.at[pl.ds(ss * RPT, RPT)],
                  agg_out.at[cc, pl.ds(ss * RPT, RPT)])


_agg = pl.kernel(
    _agg_body,
    out_type=[jax.ShapeDtypeStruct((NC, N_PAD, D), jnp.float32)],
    mesh=_mesh,
    scratch_types=(
        [pltpu.VMEM((CHUNK,), jnp.int32)] * 8 +
        [pltpu.VMEM((CHUNK, D), jnp.float32)] * 4 +
        [
            pltpu.VMEM_SHARED((N_PAD, D), jnp.float32),
            pltpu.SemaphoreType.DMA,
            pltpu.SemaphoreType.DMA,
            pltpu.SemaphoreType.DMA,
        ]),
)


def _deg_body(dst3_hbm, deg_out, didx_all, ones, dacc, dsem):
  cc = lax.axis_index("c")
  ss = lax.axis_index("s")
  wid = ss * NC + cc

  zero16 = jnp.zeros((16,), jnp.float32)
  one16 = jnp.ones((16,), jnp.float32)

  @pl.loop(0, CH2)
  def _zero_fill(r):
    @pl.loop(0, D // 16)
    def _(j):
      ones[r, pl.ds(j * 16, 16)] = zero16

  @pl.loop(0, RPT // CH2)
  def _zero_acc(r):
    pltpu.sync_copy(ones, dacc.at[pl.ds(ss * RPT + r * CH2, CH2)])

  @pl.loop(0, CH2)
  def _ones_fill(r):
    @pl.loop(0, D // 16)
    def _(j):
      ones[r, pl.ds(j * 16, 16)] = one16

  plsc.subcore_barrier()

  for h in range(2):
    pltpu.sync_copy(dst3_hbm.at[wid, pl.ds(h * NCH2H, NCH2H)], didx_all)

    @pl.loop(0, NCH2H, step=8)
    def _edges(i):
      for k in range(8):
        pltpu.async_copy(ones, dacc.at[didx_all.at[i + k]], dsem, add=True)
      for k in range(8):
        pltpu.make_async_copy(ones, dacc.at[didx_all.at[i + k]],
                              dsem).wait()

  plsc.subcore_barrier()

  pltpu.sync_copy(dacc.at[pl.ds(ss * RPT, RPT)],
                  deg_out.at[cc, pl.ds(ss * RPT, RPT)])


_deg = pl.kernel(
    _deg_body,
    out_type=[jax.ShapeDtypeStruct((NC, N_PAD, D), jnp.float32)],
    mesh=_mesh,
    scratch_types=[
        pltpu.VMEM((NCH2H, CH2), jnp.int32),
        pltpu.VMEM((CH2, D), jnp.float32),
        pltpu.VMEM_SHARED((N_PAD, D), jnp.float32),
        pltpu.SemaphoreType.DMA,
    ],
)



_R = 2000
_GRID = N_NODES // _R


def _dot(a, b):
  return jnp.dot(a, b, preferred_element_type=jnp.float32,
                 precision=lax.Precision.HIGHEST)


def _pre_body(x_ref, ws_ref, wn_ref, b_ref, z_ref, y_ref):
  xb = x_ref[...]
  z_ref[...] = _dot(xb, ws_ref[...]) + b_ref[...]
  y_ref[...] = _dot(xb, wn_ref[...])


def _mix_body(z_ref, agg_ref, dg_ref, ws_ref, wn_ref, b_ref, z2_ref, y2_ref):
  a = agg_ref[0] + agg_ref[1]
  d = dg_ref[0, :, 0:1] + dg_ref[1, :, 0:1]
  inv = 1.0 / jnp.maximum(d, 1.0)
  h = jnp.maximum(z_ref[...] + a * inv, 0.0)
  z2_ref[...] = _dot(h, ws_ref[...]) + b_ref[...]
  y2_ref[...] = _dot(h, wn_ref[...])


def _fin_body(z_ref, agg_ref, dg_ref, wc_ref, bc_ref, o_ref):
  a = agg_ref[0] + agg_ref[1]
  d = dg_ref[0, :, 0:1] + dg_ref[1, :, 0:1]
  inv = 1.0 / jnp.maximum(d, 1.0)
  h = jnp.maximum(z_ref[...] + a * inv, 0.0)
  o_ref[...] = _dot(h, wc_ref[...]) + bc_ref[...]


def _row_spec(r, d):
  return pl.BlockSpec((r, d), lambda i: (i, 0))


def _part_spec(r, d):
  return pl.BlockSpec((NC, r, d), lambda i: (0, i, 0))


def _deg_spec(r):
  return pl.BlockSpec((NC, r, D), lambda i: (0, i, 0))


def _full_spec(a, b):
  return pl.BlockSpec((a, b), lambda i: (0, 0))


def _pre_call(x, ws, wn, b):
  return pl.pallas_call(
      _pre_body,
      grid=(_GRID,),
      in_specs=[_row_spec(_R, D), _full_spec(D, D), _full_spec(D, D),
                _full_spec(1, D)],
      out_specs=[_row_spec(_R, D), _row_spec(_R, D)],
      out_shape=[jax.ShapeDtypeStruct((N_NODES, D), jnp.float32),
                 jax.ShapeDtypeStruct((N_PAD, D), jnp.float32)],
  )(x, ws, wn, b)


def _mix_call(z, agg, dg, ws, wn, b):
  return pl.pallas_call(
      _mix_body,
      grid=(_GRID,),
      in_specs=[_row_spec(_R, D), _part_spec(_R, D), _deg_spec(_R),
                _full_spec(D, D), _full_spec(D, D), _full_spec(1, D)],
      out_specs=[_row_spec(_R, D), _row_spec(_R, D)],
      out_shape=[jax.ShapeDtypeStruct((N_NODES, D), jnp.float32),
                 jax.ShapeDtypeStruct((N_PAD, D), jnp.float32)],
  )(z, agg, dg, ws, wn, b)


def _fin_call(z, agg, dg, wc, bc):
  return pl.pallas_call(
      _fin_body,
      grid=(_GRID,),
      in_specs=[_row_spec(_R, D), _part_spec(_R, D), _deg_spec(_R),
                _full_spec(D, D), _full_spec(1, D)],
      out_specs=_row_spec(_R, D),
      out_shape=jax.ShapeDtypeStruct((N_NODES, D), jnp.float32),
  )(z, agg, dg, wc, bc)


@jax.jit
def kernel(x, edge_index, W1_self, W1_neigh, b1, W2_self, W2_neigh, b2, Wc,
           bc):
  ei = edge_index.astype(jnp.int32)
  src = ei[0]
  dst = ei[1]
  npad = EPW_PAD - EPW
  pad_dst = jnp.full((NW, npad), N_PAD - 1, jnp.int32)
  dst3 = jnp.concatenate([dst.reshape(NW, EPW), pad_dst],
                         axis=1).reshape(NW, NCH2, CH2)

  (dg,) = _deg(dst3)
  z1, y1 = _pre_call(x, W1_self, W1_neigh, b1.reshape(1, D))
  (agg1,) = _agg(y1, src, dst)
  z2, y2 = _mix_call(z1, agg1, dg, W2_self, W2_neigh, b2.reshape(1, D))
  (agg2,) = _agg(y2, src, dst)

  wc_pad = jnp.zeros((D, D), jnp.float32).at[:, :40].set(Wc)
  bc_pad = jnp.zeros((1, D), jnp.float32).at[0, :40].set(bc)
  out = _fin_call(z2, agg2, dg, wc_pad, bc_pad)
  return out[:, :40]

# --- scband reference (transcript-rebuilt; emitter-appended) ---
"""Pipeline reference for scband-word-sage-56530359550767 (READ-ONLY COPY).

The authoritative reference and input builder live on the scoring server;
editing this copy changes nothing except your own understanding.
"""

import jax, jax.numpy as jnp
import numpy as np

N_NODES = 10000
N_EDGES = 320000
D_IN = 128
D_HID = 128
D_OUT = 128
N_CLASSES = 40

def setup_inputs(seed: int = 0) -> dict:
    key = jax.random.key(seed)
    ks = jax.random.split(key, 10)
    x = jax.random.normal(ks[0], (N_NODES, D_IN), dtype=jnp.float32)
    edge_index = jax.random.randint(ks[1], (2, N_EDGES), 0, N_NODES, dtype=jnp.int64)
    s1 = 1.0 / np.sqrt(D_IN)
    s2 = 1.0 / np.sqrt(D_HID)
    s3 = 1.0 / np.sqrt(D_OUT)
    W1_self = jax.random.uniform(ks[2], (D_IN, D_HID), jnp.float32, -s1, s1)
    W1_neigh = jax.random.uniform(ks[3], (D_IN, D_HID), jnp.float32, -s1, s1)
    b1 = jnp.zeros((D_HID,), jnp.float32)
    W2_self = jax.random.uniform(ks[4], (D_HID, D_OUT), jnp.float32, -s2, s2)
    W2_neigh = jax.random.uniform(ks[5], (D_HID, D_OUT), jnp.float32, -s2, s2)
    b2 = jnp.zeros((D_OUT,), jnp.float32)
    Wc = jax.random.uniform(ks[6], (D_OUT, N_CLASSES), jnp.float32, -s3, s3)
    bc = jax.random.uniform(ks[7], (N_CLASSES,), jnp.float32, -s3, s3)
    return {"x": x, "edge_index": edge_index, "W1_self": W1_self, "W1_neigh": W1_neigh, "b1": b1, "W2_self": W2_self, "W2_neigh": W2_neigh, "b2": b2, "Wc": Wc, "bc": bc}

def _sage_conv_mean(feat, edge_index, W_self, W_neigh, b):
    src = edge_index[0]
    dst = edge_index[1]
    msg = jnp.take(feat, src, axis=0)
    agg = jax.ops.segment_sum(msg, dst, num_segments=N_NODES)
    deg = jax.ops.segment_sum(jnp.ones((msg.shape[0],), jnp.float32), dst, num_segments=N_NODES)
    mean_neigh = agg / jnp.maximum(deg, 1.0)[:, None]
    return feat @ W_self + mean_neigh @ W_neigh + b

def reference(x, edge_index, W1_self, W1_neigh, b1, W2_self, W2_neigh, b2, Wc, bc):
    h = _sage_conv_mean(x, edge_index, W1_self, W1_neigh, b1)
    h = jax.nn.relu(h)
    h = _sage_conv_mean(h, edge_index, W2_self, W2_neigh, b2)
    h = jax.nn.relu(h)
    out = h @ Wc + bc
    return out

if __name__ == "__main__":
    import jax
    _d = setup_inputs()
    print(jax.jit(kernel)(*tuple(_d.values())))

</pallas_src>

<mosaic_0001>
#map = affine_map<(d0, d1) -> (0, 0)>
#map1 = affine_map<(d0, d1) -> (0)>
#map2 = affine_map<(d0, d1) -> (0, 0, 0)>
module attributes {stable_mosaic.version = 14 : i64} {
  func.func @_agg_body(%arg0: i32, %arg1: i32, %arg2: memref<10240x128xf32, #tpu.memory_space<hbm>>, %arg3: memref<320000xi32, #tpu.memory_space<hbm>>, %arg4: memref<320000xi32, #tpu.memory_space<hbm>>, %arg5: memref<2x10240x128xf32, #tpu.memory_space<hbm>>, %arg6: memref<80xi32, #tpu.memory_space<vmem>>, %arg7: memref<80xi32, #tpu.memory_space<vmem>>, %arg8: memref<80xi32, #tpu.memory_space<vmem>>, %arg9: memref<80xi32, #tpu.memory_space<vmem>>, %arg10: memref<80xi32, #tpu.memory_space<vmem>>, %arg11: memref<80xi32, #tpu.memory_space<vmem>>, %arg12: memref<80xi32, #tpu.memory_space<vmem>>, %arg13: memref<80xi32, #tpu.memory_space<vmem>>, %arg14: memref<80x128xf32, #tpu.memory_space<vmem>>, %arg15: memref<80x128xf32, #tpu.memory_space<vmem>>, %arg16: memref<80x128xf32, #tpu.memory_space<vmem>>, %arg17: memref<80x128xf32, #tpu.memory_space<vmem>>, %arg18: memref<10240x128xf32, #tpu.memory_space<vmem_shared>>, %arg19: memref<!tpu.dma_semaphore, #tpu.memory_space<semaphore_mem>>, %arg20: memref<!tpu.dma_semaphore, #tpu.memory_space<semaphore_mem>>, %arg21: memref<!tpu.dma_semaphore, #tpu.memory_space<semaphore_mem>>) attributes {dimension_semantics = [#tpu.dimension_semantics<core_parallel>, #tpu.dimension_semantics<subcore_parallel>], iteration_bounds = array<i64: 2, 16>, scalar_prefetch = 0 : i64, scratch_operands = 16 : i64, tpu.core_type = #tpu.core_type<sc_vector_subcore>, window_params = [{transform_indices = #map}, {transform_indices = #map1}, {transform_indices = #map1}, {transform_indices = #map2}]} {
    %mul3A = arith.constant 2 : i32
    %mul3A_0 = arith.muli %arg1, %mul3A : i32
    %add3A = arith.addi %mul3A_0, %arg0 : i32
    %mul3A_1 = arith.constant 10000 : i32
    %mul3A_2 = arith.muli %add3A, %mul3A_1 : i32
    %broadcast_in_dim3A = arith.constant 0.000000e+00 : f32
    %broadcast_in_dim3A_3 = vector.broadcast %broadcast_in_dim3A : f32 to vector<16xf32>
    %scan3A = arith.constant 0 : i32
    %scan3A_4 = arith.constant 80 : i32
    %scan3A_5 = arith.addi %scan3A, %scan3A_4 : i32
    %scan3A_6 = arith.constant 1 : i32
    scf.for %scan3A_101 = %scan3A to %scan3A_5 step %scan3A_6  : i32 {
      %mul3A_102 = arith.constant 1 : i32
      %mul3A_103 = arith.muli %scan3A_101, %mul3A_102 : i32
      %add3A_104 = arith.constant 0 : i32
      %add3A_105 = arith.addi %add3A_104, %mul3A_103 : i32
      %scan3A_106 = arith.constant 0 : i32
      %scan3A_107 = arith.constant 8 : i32
      %scan3A_108 = arith.addi %scan3A_106, %scan3A_107 : i32
      %scan3A_109 = arith.constant 1 : i32
      scf.for %scan3A_111 = %scan3A_106 to %scan3A_108 step %scan3A_109  : i32 {
        %mul3A_112 = arith.constant 1 : i32
        %mul3A_113 = arith.muli %scan3A_111, %mul3A_112 : i32
        %add3A_114 = arith.constant 0 : i32
        %add3A_115 = arith.addi %add3A_114, %mul3A_113 : i32
        %mul3A_116 = arith.constant 16 : i32
        %mul3A_117 = arith.muli %add3A_115, %mul3A_116 : i32
        %swap3A = arith.index_cast %add3A_105 : i32 to index
        %swap3A_118 = arith.index_cast %mul3A_117 : i32 to index
        %swap3A_119 = tpu.vector_load %arg14[%swap3A, %swap3A_118] {strides = array<i32>} : memref<80x128xf32, #tpu.memory_space<vmem>>, vector<1x16xf32>,
        %swap3A_120 = vector.shape_cast %swap3A_119 : vector<1x16xf32> to vector<16xf32>
        %swap3A_121 = vector.shape_cast %broadcast_in_dim3A_3 : vector<16xf32> to vector<1x16xf32>
        tpu.vector_store %arg14[%swap3A, %swap3A_118], %swap3A_121 {strides = array<i32>} : memref<80x128xf32, #tpu.memory_space<vmem>>, vector<1x16xf32>,
      }
      %scan3A_110 = arith.constant 8 : i32
    }
    %scan3A_7 = arith.constant 80 : i32
    %scan3A_8 = arith.constant 0 : i32
    %scan3A_9 = arith.constant 8 : i32
    %scan3A_10 = arith.addi %scan3A_8, %scan3A_9 : i32
    %scan3A_11 = arith.constant 1 : i32
    scf.for %scan3A_101 = %scan3A_8 to %scan3A_10 step %scan3A_11  : i32 {
      %mul3A_102 = arith.constant 1 : i32
      %mul3A_103 = arith.muli %scan3A_101, %mul3A_102 : i32
      %add3A_104 = arith.constant 0 : i32
      %add3A_105 = arith.addi %add3A_104, %mul3A_103 : i32
      %mul3A_106 = arith.constant 640 : i32
      %mul3A_107 = arith.muli %arg1, %mul3A_106 : i32
      %mul3A_108 = arith.constant 80 : i32
      %mul3A_109 = arith.muli %add3A_105, %mul3A_108 : i32
      %add3A_110 = arith.addi %mul3A_107, %mul3A_109 : i32
      "tpu.region"() ({
        %run_scoped3A = tpu.sem_alloc : memref<!tpu.dma_semaphore, #tpu.memory_space<semaphore_mem>>
        %dma_start3A_111 = arith.constant 0 : i32
        %dma_start3A_112 = tpu.memref_slice %arg18[%add3A_110, %dma_start3A_111] : memref<10240x128xf32, #tpu.memory_space<vmem_shared>> -> memref<80x128xf32, #tpu.memory_space<vmem_shared>>
        %dma_start3A_113 = arith.constant 0 : i32
        %dma_start3A_114 = tpu.memref_slice %arg18[%add3A_110, %dma_start3A_113] : memref<10240x128xf32, #tpu.memory_space<vmem_shared>> -> memref<80x128xf32, #tpu.memory_space<vmem_shared>>
        tpu.enqueue_dma source(%arg14 : memref<80x128xf32, #tpu.memory_space<vmem>>) target(%dma_start3A_114 : memref<80x128xf32, #tpu.memory_space<vmem_shared>>) target_semaphore(%run_scoped3A : memref<!tpu.dma_semaphore, #tpu.memory_space<semaphore_mem>>)
        %dma_wait3A_115 = arith.constant 0 : i32
        %dma_wait3A_116 = tpu.memref_slice %arg18[%add3A_110, %dma_wait3A_115] : memref<10240x128xf32, #tpu.memory_space<vmem_shared>> -> memref<80x128xf32, #tpu.memory_space<vmem_shared>>
        %dma_wait3A_117 = arith.constant 0 : i32
        %dma_wait3A_118 = tpu.memref_slice %arg18[%add3A_110, %dma_wait3A_117] : memref<10240x128xf32, #tpu.memory_space<vmem_shared>> -> memref<80x128xf32, #tpu.memory_space<vmem_shared>>
        tpu.wait_dma2 semaphore(%run_scoped3A : memref<!tpu.dma_semaphore, #tpu.memory_space<semaphore_mem>>) src(%arg14 : memref<80x128xf32, #tpu.memory_space<vmem>>) dst(%dma_wait3A_118 : memref<80x128xf32, #tpu.memory_space<vmem_shared>>)
        tpu.yield
      }) : () -> ()
    }
    %scan3A_12 = arith.constant 8 : i32
    %barrier3A = arith.constant 0 : index
    tpu.barrier barrier_id(%barrier3A)
    %add3A_13 = arith.constant 0 : i32
    %add3A_14 = arith.addi %mul3A_2, %add3A_13 : i32
    "tpu.region"() ({
      %run_scoped3A = tpu.sem_alloc : memref<!tpu.dma_semaphore, #tpu.memory_space<semaphore_mem>>
      %dma_start3A_101 = tpu.memref_slice %arg3[%add3A_14] : memref<320000xi32, #tpu.memory_space<hbm>> -> memref<80xi32, #tpu.memory_space<hbm>>
      %dma_start3A_102 = tpu.memref_slice %arg3[%add3A_14] : memref<320000xi32, #tpu.memory_space<hbm>> -> memref<80xi32, #tpu.memory_space<hbm>>
      tpu.enqueue_dma source(%dma_start3A_102 : memref<80xi32, #tpu.memory_space<hbm>>) target(%arg6 : memref<80xi32, #tpu.memory_space<vmem>>) target_semaphore(%run_scoped3A : memref<!tpu.dma_semaphore, #tpu.memory_space<semaphore_mem>>)
      %dma_wait3A_103 = tpu.memref_slice %arg3[%add3A_14] : memref<320000xi32, #tpu.memory_space<hbm>> -> memref<80xi32, #tpu.memory_space<hbm>>
      %dma_wait3A_104 = tpu.memref_slice %arg3[%add3A_14] : memref<320000xi32, #tpu.memory_space<hbm>> -> memref<80xi32, #tpu.memory_space<hbm>>
      tpu.wait_dma2 semaphore(%run_scoped3A : memref<!tpu.dma_semaphore, #tpu.memory_space<semaphore_mem>>) src(%dma_wait3A_104 : memref<80xi32, #tpu.memory_space<hbm>>) dst(%arg6 : memref<80xi32, #tpu.memory_space<vmem>>)
      tpu.yield
    }) : () -> ()
    %add3A_15 = arith.constant 0 : i32
    %add3A_16 = arith.addi %mul3A_2, %add3A_15 : i32
    "tpu.region"() ({
      %run_scoped3A = tpu.sem_alloc : memref<!tpu.dma_semaphore, #tpu.memory_space<semaphore_mem>>
      %dma_start3A_101 = tpu.memref_slice %arg4[%add3A_16] : memref<320000xi32, #tpu.memory_space<hbm>> -> memref<80xi32, #tpu.memory_space<hbm>>
      %dma_start3A_102 = tpu.memref_slice %arg4[%add3A_16] : memref<320000xi32, #tpu.memory_space<hbm>> -> memref<80xi32, #tpu.memory_space<hbm>>
      tpu.enqueue_dma source(%dma_start3A_102 : memref<80xi32, #tpu.memory_space<hbm>>) target(%arg10 : memref<80xi32, #tpu.memory_space<vmem>>) target_semaphore(%run_scoped3A : memref<!tpu.dma_semaphore, #tpu.memory_space<semaphore_mem>>)
      %dma_wait3A_103 = tpu.memref_slice %arg4[%add3A_16] : memref<320000xi32, #tpu.memory_space<hbm>> -> memref<80xi32, #tpu.memory_space<hbm>>
      %dma_wait3A_104 = tpu.memref_slice %arg4[%add3A_16] : memref<320000xi32, #tpu.memory_space<hbm>> -> memref<80xi32, #tpu.memory_space<hbm>>
      tpu.wait_dma2 semaphore(%run_scoped3A : memref<!tpu.dma_semaphore, #tpu.memory_space<semaphore_mem>>) src(%dma_wait3A_104 : memref<80xi32, #tpu.memory_space<hbm>>) dst(%arg10 : memref<80xi32, #tpu.memory_space<vmem>>)
      tpu.yield
    }) : () -> ()
    %dma_start3A = arith.constant 0 : i32
    %dma_start3A_17 = arith.constant 0 : i32
    %dma_start3A_18 = tpu.memref_slice %arg2[%dma_start3A, %dma_start3A_17] : memref<10240x128xf32, #tpu.memory_space<hbm>> -> memref<10240x128xf32, #tpu.memory_space<hbm>>
    tpu.enqueue_indirect_dma source(%dma_start3A_18 : memref<10240x128xf32, #tpu.memory_space<hbm>>) target(%arg14 : memref<80x128xf32, #tpu.memory_space<vmem>>) offsets(%arg6 : memref<80xi32, #tpu.memory_space<vmem>>) semaphore(%arg19 : memref<!tpu.dma_semaphore, #tpu.memory_space<semaphore_mem>>)
    %add3A_19 = arith.constant 80 : i32
    %add3A_20 = arith.addi %mul3A_2, %add3A_19 : i32
    "tpu.region"() ({
      %run_scoped3A = tpu.sem_alloc : memref<!tpu.dma_semaphore, #tpu.memory_space<semaphore_mem>>
      %dma_start3A_101 = tpu.memref_slice %arg3[%add3A_20] : memref<320000xi32, #tpu.memory_space<hbm>> -> memref<80xi32, #tpu.memory_space<hbm>>
      %dma_start3A_102 = tpu.memref_slice %arg3[%add3A_20] : memref<320000xi32, #tpu.memory_space<hbm>> -> memref<80xi32, #tpu.memory_space<hbm>>
      tpu.enqueue_dma source(%dma_start3A_102 : memref<80xi32, #tpu.memory_space<hbm>>) target(%arg7 : memref<80xi32, #tpu.memory_space<vmem>>) target_semaphore(%run_scoped3A : memref<!tpu.dma_semaphore, #tpu.memory_space<semaphore_mem>>)
      %dma_wait3A_103 = tpu.memref_slice %arg3[%add3A_20] : memref<320000xi32, #tpu.memory_space<hbm>> -> memref<80xi32, #tpu.memory_space<hbm>>
      %dma_wait3A_104 = tpu.memref_slice %arg3[%add3A_20] : memref<320000xi32, #tpu.memory_space<hbm>> -> memref<80xi32, #tpu.memory_space<hbm>>
      tpu.wait_dma2 semaphore(%run_scoped3A : memref<!tpu.dma_semaphore, #tpu.memory_space<semaphore_mem>>) src(%dma_wait3A_104 : memref<80xi32, #tpu.memory_space<hbm>>) dst(%arg7 : memref<80xi32, #tpu.memory_space<vmem>>)
      tpu.yield
    }) : () -> ()
    %add3A_21 = arith.constant 80 : i32
    %add3A_22 = arith.addi %mul3A_2, %add3A_21 : i32
    "tpu.region"() ({
      %run_scoped3A = tpu.sem_alloc : memref<!tpu.dma_semaphore, #tpu.memory_space<semaphore_mem>>
      %dma_start3A_101 = tpu.memref_slice %arg4[%add3A_22] : memref<320000xi32, #tpu.memory_space<hbm>> -> memref<80xi32, #tpu.memory_space<hbm>>
      %dma_start3A_102 = tpu.memref_slice %arg4[%add3A_22] : memref<320000xi32, #tpu.memory_space<hbm>> -> memref<80xi32, #tpu.memory_space<hbm>>
      tpu.enqueue_dma source(%dma_start3A_102 : memref<80xi32, #tpu.memory_space<hbm>>) target(%arg11 : memref<80xi32, #tpu.memory_space<vmem>>) target_semaphore(%run_scoped3A : memref<!tpu.dma_semaphore, #tpu.memory_space<semaphore_mem>>)
      %dma_wait3A_103 = tpu.memref_slice %arg4[%add3A_22] : memref<320000xi32, #tpu.memory_space<hbm>> -> memref<80xi32, #tpu.memory_space<hbm>>
      %dma_wait3A_104 = tpu.memref_slice %arg4[%add3A_22] : memref<320000xi32, #tpu.memory_space<hbm>> -> memref<80xi32, #tpu.memory_space<hbm>>
      tpu.wait_dma2 semaphore(%run_scoped3A : memref<!tpu.dma_semaphore, #tpu.memory_space<semaphore_mem>>) src(%dma_wait3A_104 : memref<80xi32, #tpu.memory_space<hbm>>) dst(%arg11 : memref<80xi32, #tpu.memory_space<vmem>>)
      tpu.yield
    }) : () -> ()
    %dma_start3A_23 = arith.constant 0 : i32
    %dma_start3A_24 = arith.constant 0 : i32
    %dma_start3A_25 = tpu.memref_slice %arg2[%dma_start3A_23, %dma_start3A_24] : memref<10240x128xf32, #tpu.memory_space<hbm>> -> memref<10240x128xf32, #tpu.memory_space<hbm>>
    tpu.enqueue_indirect_dma source(%dma_start3A_25 : memref<10240x128xf32, #tpu.memory_space<hbm>>) target(%arg15 : memref<80x128xf32, #tpu.memory_space<vmem>>) offsets(%arg7 : memref<80xi32, #tpu.memory_space<vmem>>) semaphore(%arg19 : memref<!tpu.dma_semaphore, #tpu.memory_space<semaphore_mem>>)
    %add3A_26 = arith.constant 160 : i32
    %add3A_27 = arith.addi %mul3A_2, %add3A_26 : i32
    "tpu.region"() ({
      %run_scoped3A = tpu.sem_alloc : memref<!tpu.dma_semaphore, #tpu.memory_space<semaphore_mem>>
      %dma_start3A_101 = tpu.memref_slice %arg3[%add3A_27] : memref<320000xi32, #tpu.memory_space<hbm>> -> memref<80xi32, #tpu.memory_space<hbm>>
      %dma_start3A_102 = tpu.memref_slice %arg3[%add3A_27] : memref<320000xi32, #tpu.memory_space<hbm>> -> memref<80xi32, #tpu.memory_space<hbm>>
      tpu.enqueue_dma source(%dma_start3A_102 : memref<80xi32, #tpu.memory_space<hbm>>) target(%arg8 : memref<80xi32, #tpu.memory_space<vmem>>) target_semaphore(%run_scoped3A : memref<!tpu.dma_semaphore, #tpu.memory_space<semaphore_mem>>)
      %dma_wait3A_103 = tpu.memref_slice %arg3[%add3A_27] : memref<320000xi32, #tpu.memory_space<hbm>> -> memref<80xi32, #tpu.memory_space<hbm>>
      %dma_wait3A_104 = tpu.memref_slice %arg3[%add3A_27] : memref<320000xi32, #tpu.memory_space<hbm>> -> memref<80xi32, #tpu.memory_space<hbm>>
      tpu.wait_dma2 semaphore(%run_scoped3A : memref<!tpu.dma_semaphore, #tpu.memory_space<semaphore_mem>>) src(%dma_wait3A_104 : memref<80xi32, #tpu.memory_space<hbm>>) dst(%arg8 : memref<80xi32, #tpu.memory_space<vmem>>)
      tpu.yield
    }) : () -> ()
    %add3A_28 = arith.constant 160 : i32
    %add3A_29 = arith.addi %mul3A_2, %add3A_28 : i32
    "tpu.region"() ({
      %run_scoped3A = tpu.sem_alloc : memref<!tpu.dma_semaphore, #tpu.memory_space<semaphore_mem>>
      %dma_start3A_101 = tpu.memref_slice %arg4[%add3A_29] : memref<320000xi32, #tpu.memory_space<hbm>> -> memref<80xi32, #tpu.memory_space<hbm>>
      %dma_start3A_102 = tpu.memref_slice %arg4[%add3A_29] : memref<320000xi32, #tpu.memory_space<hbm>> -> memref<80xi32, #tpu.memory_space<hbm>>
      tpu.enqueue_dma source(%dma_start3A_102 : memref<80xi32, #tpu.memory_space<hbm>>) target(%arg12 : memref<80xi32, #tpu.memory_space<vmem>>) target_semaphore(%run_scoped3A : memref<!tpu.dma_semaphore, #tpu.memory_space<semaphore_mem>>)
      %dma_wait3A_103 = tpu.memref_slice %arg4[%add3A_29] : memref<320000xi32, #tpu.memory_space<hbm>> -> memref<80xi32, #tpu.memory_space<hbm>>
      %dma_wait3A_104 = tpu.memref_slice %arg4[%add3A_29] : memref<320000xi32, #tpu.memory_space<hbm>> -> memref<80xi32, #tpu.memory_space<hbm>>
      tpu.wait_dma2 semaphore(%run_scoped3A : memref<!tpu.dma_semaphore, #tpu.memory_space<semaphore_mem>>) src(%dma_wait3A_104 : memref<80xi32, #tpu.memory_space<hbm>>) dst(%arg12 : memref<80xi32, #tpu.memory_space<vmem>>)
      tpu.yield
    }) : () -> ()
    %dma_start3A_30 = arith.constant 0 : i32
    %dma_start3A_31 = arith.constant 0 : i32
    %dma_start3A_32 = tpu.memref_slice %arg2[%dma_start3A_30, %dma_start3A_31] : memref<10240x128xf32, #tpu.memory_space<hbm>> -> memref<10240x128xf32, #tpu.memory_space<hbm>>
    tpu.enqueue_indirect_dma source(%dma_start3A_32 : memref<10240x128xf32, #tpu.memory_space<hbm>>) target(%arg16 : memref<80x128xf32, #tpu.memory_space<vmem>>) offsets(%arg8 : memref<80xi32, #tpu.memory_space<vmem>>) semaphore(%arg19 : memref<!tpu.dma_semaphore, #tpu.memory_space<semaphore_mem>>)
    %add3A_33 = arith.constant 240 : i32
    %add3A_34 = arith.addi %mul3A_2, %add3A_33 : i32
    "tpu.region"() ({
      %run_scoped3A = tpu.sem_alloc : memref<!tpu.dma_semaphore, #tpu.memory_space<semaphore_mem>>
      %dma_start3A_101 = tpu.memref_slice %arg3[%add3A_34] : memref<320000xi32, #tpu.memory_space<hbm>> -> memref<80xi32, #tpu.memory_space<hbm>>
      %dma_start3A_102 = tpu.memref_slice %arg3[%add3A_34] : memref<320000xi32, #tpu.memory_space<hbm>> -> memref<80xi32, #tpu.memory_space<hbm>>
      tpu.enqueue_dma source(%dma_start3A_102 : memref<80xi32, #tpu.memory_space<hbm>>) target(%arg9 : memref<80xi32, #tpu.memory_space<vmem>>) target_semaphore(%run_scoped3A : memref<!tpu.dma_semaphore, #tpu.memory_space<semaphore_mem>>)
      %dma_wait3A_103 = tpu.memref_slice %arg3[%add3A_34] : memref<320000xi32, #tpu.memory_space<hbm>> -> memref<80xi32, #tpu.memory_space<hbm>>
      %dma_wait3A_104 = tpu.memref_slice %arg3[%add3A_34] : memref<320000xi32, #tpu.memory_space<hbm>> -> memref<80xi32, #tpu.memory_space<hbm>>
      tpu.wait_dma2 semaphore(%run_scoped3A : memref<!tpu.dma_semaphore, #tpu.memory_space<semaphore_mem>>) src(%dma_wait3A_104 : memref<80xi32, #tpu.memory_space<hbm>>) dst(%arg9 : memref<80xi32, #tpu.memory_space<vmem>>)
      tpu.yield
    }) : () -> ()
    %add3A_35 = arith.constant 240 : i32
    %add3A_36 = arith.addi %mul3A_2, %add3A_35 : i32
    "tpu.region"() ({
      %run_scoped3A = tpu.sem_alloc : memref<!tpu.dma_semaphore, #tpu.memory_space<semaphore_mem>>
      %dma_start3A_101 = tpu.memref_slice %arg4[%add3A_36] : memref<320000xi32, #tpu.memory_space<hbm>> -> memref<80xi32, #tpu.memory_space<hbm>>
      %dma_start3A_102 = tpu.memref_slice %arg4[%add3A_36] : memref<320000xi32, #tpu.memory_space<hbm>> -> memref<80xi32, #tpu.memory_space<hbm>>
      tpu.enqueue_dma source(%dma_start3A_102 : memref<80xi32, #tpu.memory_space<hbm>>) target(%arg13 : memref<80xi32, #tpu.memory_space<vmem>>) target_semaphore(%run_scoped3A : memref<!tpu.dma_semaphore, #tpu.memory_space<semaphore_mem>>)
      %dma_wait3A_103 = tpu.memref_slice %arg4[%add3A_36] : memref<320000xi32, #tpu.memory_space<hbm>> -> memref<80xi32, #tpu.memory_space<hbm>>
      %dma_wait3A_104 = tpu.memref_slice %arg4[%add3A_36] : memref<320000xi32, #tpu.memory_space<hbm>> -> memref<80xi32, #tpu.memory_space<hbm>>
      tpu.wait_dma2 semaphore(%run_scoped3A : memref<!tpu.dma_semaphore, #tpu.memory_space<semaphore_mem>>) src(%dma_wait3A_104 : memref<80xi32, #tpu.memory_space<hbm>>) dst(%arg13 : memref<80xi32, #tpu.memory_space<vmem>>)
      tpu.yield
    }) : () -> ()
    %dma_start3A_37 = arith.constant 0 : i32
    %dma_start3A_38 = arith.constant 0 : i32
    %dma_start3A_39 = tpu.memref_slice %arg2[%dma_start3A_37, %dma_start3A_38] : memref<10240x128xf32, #tpu.memory_space<hbm>> -> memref<10240x128xf32, #tpu.memory_space<hbm>>
    tpu.enqueue_indirect_dma source(%dma_start3A_39 : memref<10240x128xf32, #tpu.memory_space<hbm>>) target(%arg17 : memref<80x128xf32, #tpu.memory_space<vmem>>) offsets(%arg9 : memref<80xi32, #tpu.memory_space<vmem>>) semaphore(%arg19 : memref<!tpu.dma_semaphore, #tpu.memory_space<semaphore_mem>>)
    %scan3A_40 = arith.constant 0 : i32
    %scan3A_41 = arith.constant 30 : i32
    %scan3A_42 = arith.addi %scan3A_40, %scan3A_41 : i32
    %scan3A_43 = arith.constant 1 : i32
    scf.for %scan3A_101 = %scan3A_40 to %scan3A_42 step %scan3A_43  : i32 {
      %mul3A_102 = arith.constant 4 : i32
      %mul3A_103 = arith.muli %scan3A_101, %mul3A_102 : i32
      %add3A_104 = arith.constant 0 : i32
      %add3A_105 = arith.addi %add3A_104, %mul3A_103 : i32
      %dma_wait3A_106 = arith.constant 0 : i32
      %dma_wait3A_107 = arith.constant 0 : i32
      %dma_wait3A_108 = tpu.memref_slice %arg2[%dma_wait3A_106, %dma_wait3A_107] : memref<10240x128xf32, #tpu.memory_space<hbm>> -> memref<10240x128xf32, #tpu.memory_space<hbm>>
      tpu.wait_indirect_dma semaphore(%arg19 : memref<!tpu.dma_semaphore, #tpu.memory_space<semaphore_mem>>) src(%dma_wait3A_108 : memref<10240x128xf32, #tpu.memory_space<hbm>>) dst(%arg14 : memref<80x128xf32, #tpu.memory_space<vmem>>)
      %dma_start3A_109 = arith.constant 0 : i32
      %dma_start3A_110 = arith.constant 0 : i32
      %dma_start3A_111 = tpu.memref_slice %arg18[%dma_start3A_109, %dma_start3A_110] : memref<10240x128xf32, #tpu.memory_space<vmem_shared>> -> memref<10240x128xf32, #tpu.memory_space<vmem_shared>>
      tpu.enqueue_indirect_dma source(%arg14 : memref<80x128xf32, #tpu.memory_space<vmem>>) target(%dma_start3A_111 : memref<10240x128xf32, #tpu.memory_space<vmem_shared>>) offsets(%arg10 : memref<80xi32, #tpu.memory_space<vmem>>) semaphore(%arg21 : memref<!tpu.dma_semaphore, #tpu.memory_space<semaphore_mem>>) {add = true}
      %dma_wait3A_112 = arith.constant 0 : i32
      %dma_wait3A_113 = arith.constant 0 : i32
      %dma_wait3A_114 = tpu.memref_slice %arg2[%dma_wait3A_112, %dma_wait3A_113] : memref<10240x128xf32, #tpu.memory_space<hbm>> -> memref<10240x128xf32, #tpu.memory_space<hbm>>
      tpu.wait_indirect_dma semaphore(%arg19 : memref<!tpu.dma_semaphore, #tpu.memory_space<semaphore_mem>>) src(%dma_wait3A_114 : memref<10240x128xf32, #tpu.memory_space<hbm>>) dst(%arg15 : memref<80x128xf32, #tpu.memory_space<vmem>>)
      %dma_start3A_115 = arith.constant 0 : i32
      %dma_start3A_116 = arith.constant 0 : i32
      %dma_start3A_117 = tpu.memref_slice %arg18[%dma_start3A_115, %dma_start3A_116] : memref<10240x128xf32, #tpu.memory_space<vmem_shared>> -> memref<10240x128xf32, #tpu.memory_space<vmem_shared>>
      tpu.enqueue_indirect_dma source(%arg15 : memref<80x128xf32, #tpu.memory_space<vmem>>) target(%dma_start3A_117 : memref<10240x128xf32, #tpu.memory_space<vmem_shared>>) offsets(%arg11 : memref<80xi32, #tpu.memory_space<vmem>>) semaphore(%arg21 : memref<!tpu.dma_semaphore, #tpu.memory_space<semaphore_mem>>) {add = true}
      %dma_wait3A_118 = arith.constant 0 : i32
      %dma_wait3A_119 = arith.constant 0 : i32
      %dma_wait3A_120 = tpu.memref_slice %arg2[%dma_wait3A_118, %dma_wait3A_119] : memref<10240x128xf32, #tpu.memory_space<hbm>> -> memref<10240x128xf32, #tpu.memory_space<hbm>>
      tpu.wait_indirect_dma semaphore(%arg19 : memref<!tpu.dma_semaphore, #tpu.memory_space<semaphore_mem>>) src(%dma_wait3A_120 : memref<10240x128xf32, #tpu.memory_space<hbm>>) dst(%arg16 : memref<80x128xf32, #tpu.memory_space<vmem>>)
      %dma_start3A_121 = arith.constant 0 : i32
      %dma_start3A_122 = arith.constant 0 : i32
      %dma_start3A_123 = tpu.memref_slice %arg18[%dma_start3A_121, %dma_start3A_122] : memref<10240x128xf32, #tpu.memory_space<vmem_shared>> -> memref<10240x128xf32, #tpu.memory_space<vmem_shared>>
      tpu.enqueue_indirect_dma source(%arg16 : memref<80x128xf32, #tpu.memory_space<vmem>>) target(%dma_start3A_123 : memref<10240x128xf32, #tpu.memory_space<vmem_shared>>) offsets(%arg12 : memref<80xi32, #tpu.memory_space<vmem>>) semaphore(%arg21 : memref<!tpu.dma_semaphore, #tpu.memory_space<semaphore_mem>>) {add = true}
      %dma_wait3A_124 = arith.constant 0 : i32
      %dma_wait3A_125 = arith.constant 0 : i32
      %dma_wait3A_126 = tpu.memref_slice %arg2[%dma_wait3A_124, %dma_wait3A_125] : memref<10240x128xf32, #tpu.memory_space<hbm>> -> memref<10240x128xf32, #tpu.memory_space<hbm>>
      tpu.wait_indirect_dma semaphore(%arg19 : memref<!tpu.dma_semaphore, #tpu.memory_space<semaphore_mem>>) src(%dma_wait3A_126 : memref<10240x128xf32, #tpu.memory_space<hbm>>) dst(%arg17 : memref<80x128xf32, #tpu.memory_space<vmem>>)
      %dma_start3A_127 = arith.constant 0 : i32
      %dma_start3A_128 = arith.constant 0 : i32
      %dma_start3A_129 = tpu.memref_slice %arg18[%dma_start3A_127, %dma_start3A_128] : memref<10240x128xf32, #tpu.memory_space<vmem_shared>> -> memref<10240x128xf32, #tpu.memory_space<vmem_shared>>
      tpu.enqueue_indirect_dma source(%arg17 : memref<80x128xf32, #tpu.memory_space<vmem>>) target(%dma_start3A_129 : memref<10240x128xf32, #tpu.memory_space<vmem_shared>>) offsets(%arg13 : memref<80xi32, #tpu.memory_space<vmem>>) semaphore(%arg21 : memref<!tpu.dma_semaphore, #tpu.memory_space<semaphore_mem>>) {add = true}
      %dma_wait3A_130 = arith.constant 0 : i32
      %dma_wait3A_131 = arith.constant 0 : i32
      %dma_wait3A_132 = tpu.memref_slice %arg18[%dma_wait3A_130, %dma_wait3A_131] : memref<10240x128xf32, #tpu.memory_space<vmem_shared>> -> memref<10240x128xf32, #tpu.memory_space<vmem_shared>>
      tpu.wait_indirect_dma semaphore(%arg21 : memref<!tpu.dma_semaphore, #tpu.memory_space<semaphore_mem>>) src(%arg14 : memref<80x128xf32, #tpu.memory_space<vmem>>) dst(%dma_wait3A_132 : memref<10240x128xf32, #tpu.memory_space<vmem_shared>>)
      %add3A_133 = arith.constant 4 : i32
      %add3A_134 = arith.addi %add3A_105, %add3A_133 : i32
      %add3A_135 = arith.constant 0 : i32
      %add3A_136 = arith.addi %add3A_134, %add3A_135 : i32
      %mul3A_137 = arith.constant 80 : i32
      %mul3A_138 = arith.muli %add3A_136, %mul3A_137 : i32
      %add3A_139 = arith.addi %mul3A_2, %mul3A_138 : i32
      %dma_start3A_140 = tpu.memref_slice %arg3[%add3A_139] : memref<320000xi32, #tpu.memory_space<hbm>> -> memref<80xi32, #tpu.memory_space<hbm>>
      %dma_start3A_141 = tpu.memref_slice %arg3[%add3A_139] : memref<320000xi32, #tpu.memory_space<hbm>> -> memref<80xi32, #tpu.memory_space<hbm>>
      tpu.enqueue_dma source(%dma_start3A_141 : memref<80xi32, #tpu.memory_space<hbm>>) target(%arg6 : memref<80xi32, #tpu.memory_space<vmem>>) target_semaphore(%arg20 : memref<!tpu.dma_semaphore, #tpu.memory_space<semaphore_mem>>)
      %mul3A_142 = arith.constant 80 : i32
      %mul3A_143 = arith.muli %add3A_136, %mul3A_142 : i32
      %add3A_144 = arith.addi %mul3A_2, %mul3A_143 : i32
      %dma_start3A_145 = tpu.memref_slice %arg4[%add3A_144] : memref<320000xi32, #tpu.memory_space<hbm>> -> memref<80xi32, #tpu.memory_space<hbm>>
      %dma_start3A_146 = tpu.memref_slice %arg4[%add3A_144] : memref<320000xi32, #tpu.memory_space<hbm>> -> memref<80xi32, #tpu.memory_space<hbm>>
      tpu.enqueue_dma source(%dma_start3A_146 : memref<80xi32, #tpu.memory_space<hbm>>) target(%arg10 : memref<80xi32, #tpu.memory_space<vmem>>) target_semaphore(%arg20 : memref<!tpu.dma_semaphore, #tpu.memory_space<semaphore_mem>>)
      %dma_wait3A_147 = arith.constant 0 : i32
      %dma_wait3A_148 = arith.constant 0 : i32
      %dma_wait3A_149 = tpu.memref_slice %arg18[%dma_wait3A_147, %dma_wait3A_148] : memref<10240x128xf32, #tpu.memory_space<vmem_shared>> -> memref<10240x128xf32, #tpu.memory_space<vmem_shared>>
      tpu.wait_indirect_dma semaphore(%arg21 : memref<!tpu.dma_semaphore, #tpu.memory_space<semaphore_mem>>) src(%arg15 : memref<80x128xf32, #tpu.memory_space<vmem>>) dst(%dma_wait3A_149 : memref<10240x128xf32, #tpu.memory_space<vmem_shared>>)
      %add3A_150 = arith.constant 4 : i32
      %add3A_151 = arith.addi %add3A_105, %add3A_150 : i32
      %add3A_152 = arith.constant 1 : i32
      %add3A_153 = arith.addi %add3A_151, %add3A_152 : i32
      %mul3A_154 = arith.constant 80 : i32
      %mul3A_155 = arith.muli %add3A_153, %mul3A_154 : i32
      %add3A_156 = arith.addi %mul3A_2, %mul3A_155 : i32
      %dma_start3A_157 = tpu.memref_slice %arg3[%add3A_156] : memref<320000xi32, #tpu.memory_space<hbm>> -> memref<80xi32, #tpu.memory_space<hbm>>
      %dma_start3A_158 = tpu.memref_slice %arg3[%add3A_156] : memref<320000xi32, #tpu.memory_space<hbm>> -> memref<80xi32, #tpu.memory_space<hbm>>
      tpu.enqueue_dma source(%dma_start3A_158 : memref<80xi32, #tpu.memory_space<hbm>>) target(%arg7 : memref<80xi32, #tpu.memory_space<vmem>>) target_semaphore(%arg20 : memref<!tpu.dma_semaphore, #tpu.memory_space<semaphore_mem>>)
      %mul3A_159 = arith.constant 80 : i32
      %mul3A_160 = arith.muli %add3A_153, %mul3A_159 : i32
      %add3A_161 = arith.addi %mul3A_2, %mul3A_160 : i32
      %dma_start3A_162 = tpu.memref_slice %arg4[%add3A_161] : memref<320000xi32, #tpu.memory_space<hbm>> -> memref<80xi32, #tpu.memory_space<hbm>>
      %dma_start3A_163 = tpu.memref_slice %arg4[%add3A_161] : memref<320000xi32, #tpu.memory_space<hbm>> -> memref<80xi32, #tpu.memory_space<hbm>>
      tpu.enqueue_dma source(%dma_start3A_163 : memref<80xi32, #tpu.memory_space<hbm>>) target(%arg11 : memref<80xi32, #tpu.memory_space<vmem>>) target_semaphore(%arg20 : memref<!tpu.dma_semaphore, #tpu.memory_space<semaphore_mem>>)
      %dma_wait3A_164 = arith.constant 0 : i32
      %dma_wait3A_165 = arith.constant 0 : i32
      %dma_wait3A_166 = tpu.memref_slice %arg18[%dma_wait3A_164, %dma_wait3A_165] : memref<10240x128xf32, #tpu.memory_space<vmem_shared>> -> memref<10240x128xf32, #tpu.memory_space<vmem_shared>>
      tpu.wait_indirect_dma semaphore(%arg21 : memref<!tpu.dma_semaphore, #tpu.memory_space<semaphore_mem>>) src(%arg16 : memref<80x128xf32, #tpu.memory_space<vmem>>) dst(%dma_wait3A_166 : memref<10240x128xf32, #tpu.memory_space<vmem_shared>>)
      %add3A_167 = arith.constant 4 : i32
      %add3A_168 = arith.addi %add3A_105, %add3A_167 : i32
      %add3A_169 = arith.constant 2 : i32
      %add3A_170 = arith.addi %add3A_168, %add3A_169 : i32
      %mul3A_171 = arith.constant 80 : i32
      %mul3A_172 = arith.muli %add3A_170, %mul3A_171 : i32
      %add3A_173 = arith.addi %mul3A_2, %mul3A_172 : i32
      %dma_start3A_174 = tpu.memref_slice %arg3[%add3A_173] : memref<320000xi32, #tpu.memory_space<hbm>> -> memref<80xi32, #tpu.memory_space<hbm>>
      %dma_start3A_175 = tpu.memref_slice %arg3[%add3A_173] : memref<320000xi32, #tpu.memory_space<hbm>> -> memref<80xi32, #tpu.memory_space<hbm>>
      tpu.enqueue_dma source(%dma_start3A_175 : memref<80xi32, #tpu.memory_space<hbm>>) target(%arg8 : memref<80xi32, #tpu.memory_space<vmem>>) target_semaphore(%arg20 : memref<!tpu.dma_semaphore, #tpu.memory_space<semaphore_mem>>)
      %mul3A_176 = arith.constant 80 : i32
      %mul3A_177 = arith.muli %add3A_170, %mul3A_176 : i32
      %add3A_178 = arith.addi %mul3A_2, %mul3A_177 : i32
      %dma_start3A_179 = tpu.memref_slice %arg4[%add3A_178] : memref<320000xi32, #tpu.memory_space<hbm>> -> memref<80xi32, #tpu.memory_space<hbm>>
      %dma_start3A_180 = tpu.memref_slice %arg4[%add3A_178] : memref<320000xi32, #tpu.memory_space<hbm>> -> memref<80xi32, #tpu.memory_space<hbm>>
      tpu.enqueue_dma source(%dma_start3A_180 : memref<80xi32, #tpu.memory_space<hbm>>) target(%arg12 : memref<80xi32, #tpu.memory_space<vmem>>) target_semaphore(%arg20 : memref<!tpu.dma_semaphore, #tpu.memory_space<semaphore_mem>>)
      %dma_wait3A_181 = arith.constant 0 : i32
      %dma_wait3A_182 = arith.constant 0 : i32
      %dma_wait3A_183 = tpu.memref_slice %arg18[%dma_wait3A_181, %dma_wait3A_182] : memref<10240x128xf32, #tpu.memory_space<vmem_shared>> -> memref<10240x128xf32, #tpu.memory_space<vmem_shared>>
      tpu.wait_indirect_dma semaphore(%arg21 : memref<!tpu.dma_semaphore, #tpu.memory_space<semaphore_mem>>) src(%arg17 : memref<80x128xf32, #tpu.memory_space<vmem>>) dst(%dma_wait3A_183 : memref<10240x128xf32, #tpu.memory_space<vmem_shared>>)
      %add3A_184 = arith.constant 4 : i32
      %add3A_185 = arith.addi %add3A_105, %add3A_184 : i32
      %add3A_186 = arith.constant 3 : i32
      %add3A_187 = arith.addi %add3A_185, %add3A_186 : i32
      %mul3A_188 = arith.constant 80 : i32
      %mul3A_189 = arith.muli %add3A_187, %mul3A_188 : i32
      %add3A_190 = arith.addi %mul3A_2, %mul3A_189 : i32
      %dma_start3A_191 = tpu.memref_slice %arg3[%add3A_190] : memref<320000xi32, #tpu.memory_space<hbm>> -> memref<80xi32, #tpu.memory_space<hbm>>
      %dma_start3A_192 = tpu.memref_slice %arg3[%add3A_190] : memref<320000xi32, #tpu.memory_space<hbm>> -> memref<80xi32, #tpu.memory_space<hbm>>
      tpu.enqueue_dma source(%dma_start3A_192 : memref<80xi32, #tpu.memory_space<hbm>>) target(%arg9 : memref<80xi32, #tpu.memory_space<vmem>>) target_semaphore(%arg20 : memref<!tpu.dma_semaphore, #tpu.memory_space<semaphore_mem>>)
      %mul3A_193 = arith.constant 80 : i32
      %mul3A_194 = arith.muli %add3A_187, %mul3A_193 : i32
      %add3A_195 = arith.addi %mul3A_2, %mul3A_194 : i32
      %dma_start3A_196 = tpu.memref_slice %arg4[%add3A_195] : memref<320000xi32, #tpu.memory_space<hbm>> -> memref<80xi32, #tpu.memory_space<hbm>>
      %dma_start3A_197 = tpu.memref_slice %arg4[%add3A_195] : memref<320000xi32, #tpu.memory_space<hbm>> -> memref<80xi32, #tpu.memory_space<hbm>>
      tpu.enqueue_dma source(%dma_start3A_197 : memref<80xi32, #tpu.memory_space<hbm>>) target(%arg13 : memref<80xi32, #tpu.memory_space<vmem>>) target_semaphore(%arg20 : memref<!tpu.dma_semaphore, #tpu.memory_space<semaphore_mem>>)
      %add3A_198 = arith.constant 4 : i32
      %add3A_199 = arith.addi %add3A_105, %add3A_198 : i32
      %add3A_200 = arith.constant 0 : i32
      %add3A_201 = arith.addi %add3A_199, %add3A_200 : i32
      %mul3A_202 = arith.constant 80 : i32
      %mul3A_203 = arith.muli %add3A_201, %mul3A_202 : i32
      %add3A_204 = arith.addi %mul3A_2, %mul3A_203 : i32
      %dma_wait3A_205 = tpu.memref_slice %arg3[%add3A_204] : memref<320000xi32, #tpu.memory_space<hbm>> -> memref<80xi32, #tpu.memory_space<hbm>>
      %dma_wait3A_206 = tpu.memref_slice %arg3[%add3A_204] : memref<320000xi32, #tpu.memory_space<hbm>> -> memref<80xi32, #tpu.memory_space<hbm>>
      tpu.wait_dma2 semaphore(%arg20 : memref<!tpu.dma_semaphore, #tpu.memory_space<semaphore_mem>>) src(%dma_wait3A_206 : memref<80xi32, #tpu.memory_space<hbm>>) dst(%arg6 : memref<80xi32, #tpu.memory_space<vmem>>)
      %mul3A_207 = arith.constant 80 : i32
      %mul3A_208 = arith.muli %add3A_201, %mul3A_207 : i32
      %add3A_209 = arith.addi %mul3A_2, %mul3A_208 : i32
      %dma_wait3A_210 = tpu.memref_slice %arg4[%add3A_209] : memref<320000xi32, #tpu.memory_space<hbm>> -> memref<80xi32, #tpu.memory_space<hbm>>
      %dma_wait3A_211 = tpu.memref_slice %arg4[%add3A_209] : memref<320000xi32, #tpu.memory_space<hbm>> -> memref<80xi32, #tpu.memory_space<hbm>>
      tpu.wait_dma2 semaphore(%arg20 : memref<!tpu.dma_semaphore, #tpu.memory_space<semaphore_mem>>) src(%dma_wait3A_211 : memref<80xi32, #tpu.memory_space<hbm>>) dst(%arg10 : memref<80xi32, #tpu.memory_space<vmem>>)
      %dma_start3A_212 = arith.constant 0 : i32
      %dma_start3A_213 = arith.constant 0 : i32
      %dma_start3A_214 = tpu.memref_slice %arg2[%dma_start3A_212, %dma_start3A_213] : memref<10240x128xf32, #tpu.memory_space<hbm>> -> memref<10240x128xf32, #tpu.memory_space<hbm>>
      tpu.enqueue_indirect_dma source(%dma_start3A_214 : memref<10240x128xf32, #tpu.memory_space<hbm>>) target(%arg14 : memref<80x128xf32, #tpu.memory_space<vmem>>) offsets(%arg6 : memref<80xi32, #tpu.memory_space<vmem>>) semaphore(%arg19 : memref<!tpu.dma_semaphore, #tpu.memory_space<semaphore_mem>>)
      %add3A_215 = arith.constant 4 : i32
      %add3A_216 = arith.addi %add3A_105, %add3A_215 : i32
      %add3A_217 = arith.constant 1 : i32
      %add3A_218 = arith.addi %add3A_216, %add3A_217 : i32
      %mul3A_219 = arith.constant 80 : i32
      %mul3A_220 = arith.muli %add3A_218, %mul3A_219 : i32
      %add3A_221 = arith.addi %mul3A_2, %mul3A_220 : i32
      %dma_wait3A_222 = tpu.memref_slice %arg3[%add3A_221] : memref<320000xi32, #tpu.memory_space<hbm>> -> memref<80xi32, #tpu.memory_space<hbm>>
      %dma_wait3A_223 = tpu.memref_slice %arg3[%add3A_221] : memref<320000xi32, #tpu.memory_space<hbm>> -> memref<80xi32, #tpu.memory_space<hbm>>
      tpu.wait_dma2 semaphore(%arg20 : memref<!tpu.dma_semaphore, #tpu.memory_space<semaphore_mem>>) src(%dma_wait3A_223 : memref<80xi32, #tpu.memory_space<hbm>>) dst(%arg7 : memref<80xi32, #tpu.memory_space<vmem>>)
      %mul3A_224 = arith.constant 80 : i32
      %mul3A_225 = arith.muli %add3A_218, %mul3A_224 : i32
      %add3A_226 = arith.addi %mul3A_2, %mul3A_225 : i32
      %dma_wait3A_227 = tpu.memref_slice %arg4[%add3A_226] : memref<320000xi32, #tpu.memory_space<hbm>> -> memref<80xi32, #tpu.memory_space<hbm>>
      %dma_wait3A_228 = tpu.memref_slice %arg4[%add3A_226] : memref<320000xi32, #tpu.memory_space<hbm>> -> memref<80xi32, #tpu.memory_space<hbm>>
      tpu.wait_dma2 semaphore(%arg20 : memref<!tpu.dma_semaphore, #tpu.memory_space<semaphore_mem>>) src(%dma_wait3A_228 : memref<80xi32, #tpu.memory_space<hbm>>) dst(%arg11 : memref<80xi32, #tpu.memory_space<vmem>>)
      %dma_start3A_229 = arith.constant 0 : i32
      %dma_start3A_230 = arith.constant 0 : i32
      %dma_start3A_231 = tpu.memref_slice %arg2[%dma_start3A_229, %dma_start3A_230] : memref<10240x128xf32, #tpu.memory_space<hbm>> -> memref<10240x128xf32, #tpu.memory_space<hbm>>
      tpu.enqueue_indirect_dma source(%dma_start3A_231 : memref<10240x128xf32, #tpu.memory_space<hbm>>) target(%arg15 : memref<80x128xf32, #tpu.memory_space<vmem>>) offsets(%arg7 : memref<80xi32, #tpu.memory_space<vmem>>) semaphore(%arg19 : memref<!tpu.dma_semaphore, #tpu.memory_space<semaphore_mem>>)
      %add3A_232 = arith.constant 4 : i32
      %add3A_233 = arith.addi %add3A_105, %add3A_232 : i32
      %add3A_234 = arith.constant 2 : i32
      %add3A_235 = arith.addi %add3A_233, %add3A_234 : i32
      %mul3A_236 = arith.constant 80 : i32
      %mul3A_237 = arith.muli %add3A_235, %mul3A_236 : i32
      %add3A_238 = arith.addi %mul3A_2, %mul3A_237 : i32
      %dma_wait3A_239 = tpu.memref_slice %arg3[%add3A_238] : memref<320000xi32, #tpu.memory_space<hbm>> -> memref<80xi32, #tpu.memory_space<hbm>>
      %dma_wait3A_240 = tpu.memref_slice %arg3[%add3A_238] : memref<320000xi32, #tpu.memory_space<hbm>> -> memref<80xi32, #tpu.memory_space<hbm>>
      tpu.wait_dma2 semaphore(%arg20 : memref<!tpu.dma_semaphore, #tpu.memory_space<semaphore_mem>>) src(%dma_wait3A_240 : memref<80xi32, #tpu.memory_space<hbm>>) dst(%arg8 : memref<80xi32, #tpu.memory_space<vmem>>)
      %mul3A_241 = arith.constant 80 : i32
      %mul3A_242 = arith.muli %add3A_235, %mul3A_241 : i32
      %add3A_243 = arith.addi %mul3A_2, %mul3A_242 : i32
      %dma_wait3A_244 = tpu.memref_slice %arg4[%add3A_243] : memref<320000xi32, #tpu.memory_space<hbm>> -> memref<80xi32, #tpu.memory_space<hbm>>
      %dma_wait3A_245 = tpu.memref_slice %arg4[%add3A_243] : memref<320000xi32, #tpu.memory_space<hbm>> -> memref<80xi32, #tpu.memory_space<hbm>>
      tpu.wait_dma2 semaphore(%arg20 : memref<!tpu.dma_semaphore, #tpu.memory_space<semaphore_mem>>) src(%dma_wait3A_245 : memref<80xi32, #tpu.memory_space<hbm>>) dst(%arg12 : memref<80xi32, #tpu.memory_space<vmem>>)
      %dma_start3A_246 = arith.constant 0 : i32
      %dma_start3A_247 = arith.constant 0 : i32
      %dma_start3A_248 = tpu.memref_slice %arg2[%dma_start3A_246, %dma_start3A_247] : memref<10240x128xf32, #tpu.memory_space<hbm>> -> memref<10240x128xf32, #tpu.memory_space<hbm>>
      tpu.enqueue_indirect_dma source(%dma_start3A_248 : memref<10240x128xf32, #tpu.memory_space<hbm>>) target(%arg16 : memref<80x128xf32, #tpu.memory_space<vmem>>) offsets(%arg8 : memref<80xi32, #tpu.memory_space<vmem>>) semaphore(%arg19 : memref<!tpu.dma_semaphore, #tpu.memory_space<semaphore_mem>>)
      %add3A_249 = arith.constant 4 : i32
      %add3A_250 = arith.addi %add3A_105, %add3A_249 : i32
      %add3A_251 = arith.constant 3 : i32
      %add3A_252 = arith.addi %add3A_250, %add3A_251 : i32
      %mul3A_253 = arith.constant 80 : i32
      %mul3A_254 = arith.muli %add3A_252, %mul3A_253 : i32
      %add3A_255 = arith.addi %mul3A_2, %mul3A_254 : i32
      %dma_wait3A_256 = tpu.memref_slice %arg3[%add3A_255] : memref<320000xi32, #tpu.memory_space<hbm>> -> memref<80xi32, #tpu.memory_space<hbm>>
      %dma_wait3A_257 = tpu.memref_slice %arg3[%add3A_255] : memref<320000xi32, #tpu.memory_space<hbm>> -> memref<80xi32, #tpu.memory_space<hbm>>
      tpu.wait_dma2 semaphore(%arg20 : memref<!tpu.dma_semaphore, #tpu.memory_space<semaphore_mem>>) src(%dma_wait3A_257 : memref<80xi32, #tpu.memory_space<hbm>>) dst(%arg9 : memref<80xi32, #tpu.memory_space<vmem>>)
      %mul3A_258 = arith.constant 80 : i32
      %mul3A_259 = arith.muli %add3A_252, %mul3A_258 : i32
      %add3A_260 = arith.addi %mul3A_2, %mul3A_259 : i32
      %dma_wait3A_261 = tpu.memref_slice %arg4[%add3A_260] : memref<320000xi32, #tpu.memory_space<hbm>> -> memref<80xi32, #tpu.memory_space<hbm>>
      %dma_wait3A_262 = tpu.memref_slice %arg4[%add3A_260] : memref<320000xi32, #tpu.memory_space<hbm>> -> memref<80xi32, #tpu.memory_space<hbm>>
      tpu.wait_dma2 semaphore(%arg20 : memref<!tpu.dma_semaphore, #tpu.memory_space<semaphore_mem>>) src(%dma_wait3A_262 : memref<80xi32, #tpu.memory_space<hbm>>) dst(%arg13 : memref<80xi32, #tpu.memory_space<vmem>>)
      %dma_start3A_263 = arith.constant 0 : i32
      %dma_start3A_264 = arith.constant 0 : i32
      %dma_start3A_265 = tpu.memref_slice %arg2[%dma_start3A_263, %dma_start3A_264] : memref<10240x128xf32, #tpu.memory_space<hbm>> -> memref<10240x128xf32, #tpu.memory_space<hbm>>
      tpu.enqueue_indirect_dma source(%dma_start3A_265 : memref<10240x128xf32, #tpu.memory_space<hbm>>) target(%arg17 : memref<80x128xf32, #tpu.memory_space<vmem>>) offsets(%arg9 : memref<80xi32, #tpu.memory_space<vmem>>) semaphore(%arg19 : memref<!tpu.dma_semaphore, #tpu.memory_space<semaphore_mem>>)
    }
    %scan3A_44 = arith.constant 30 : i32
    %dma_wait3A = arith.constant 0 : i32
    %dma_wait3A_45 = arith.constant 0 : i32
    %dma_wait3A_46 = tpu.memref_slice %arg2[%dma_wait3A, %dma_wait3A_45] : memref<10240x128xf32, #tpu.memory_space<hbm>> -> memref<10240x128xf32, #tpu.memory_space<hbm>>
    tpu.wait_indirect_dma semaphore(%arg19 : memref<!tpu.dma_semaphore, #tpu.memory_space<semaphore_mem>>) src(%dma_wait3A_46 : memref<10240x128xf32, #tpu.memory_space<hbm>>) dst(%arg14 : memref<80x128xf32, #tpu.memory_space<vmem>>)
    %dma_start3A_47 = arith.constant 0 : i32
    %dma_start3A_48 = arith.constant 0 : i32
    %dma_start3A_49 = tpu.memref_slice %arg18[%dma_start3A_47, %dma_start3A_48] : memref<10240x128xf32, #tpu.memory_space<vmem_shared>> -> memref<10240x128xf32, #tpu.memory_space<vmem_shared>>
    tpu.enqueue_indirect_dma source(%arg14 : memref<80x128xf32, #tpu.memory_space<vmem>>) target(%dma_start3A_49 : memref<10240x128xf32, #tpu.memory_space<vmem_shared>>) offsets(%arg10 : memref<80xi32, #tpu.memory_space<vmem>>) semaphore(%arg21 : memref<!tpu.dma_semaphore, #tpu.memory_space<semaphore_mem>>) {add = true}
    %dma_wait3A_50 = arith.constant 0 : i32
    %dma_wait3A_51 = arith.constant 0 : i32
    %dma_wait3A_52 = tpu.memref_slice %arg2[%dma_wait3A_50, %dma_wait3A_51] : memref<10240x128xf32, #tpu.memory_space<hbm>> -> memref<10240x128xf32, #tpu.memory_space<hbm>>
    tpu.wait_indirect_dma semaphore(%arg19 : memref<!tpu.dma_semaphore, #tpu.memory_space<semaphore_mem>>) src(%dma_wait3A_52 : memref<10240x128xf32, #tpu.memory_space<hbm>>) dst(%arg15 : memref<80x128xf32, #tpu.memory_space<vmem>>)
    %dma_start3A_53 = arith.constant 0 : i32
    %dma_start3A_54 = arith.constant 0 : i32
    %dma_start3A_55 = tpu.memref_slice %arg18[%dma_start3A_53, %dma_start3A_54] : memref<10240x128xf32, #tpu.memory_space<vmem_shared>> -> memref<10240x128xf32, #tpu.memory_space<vmem_shared>>
    tpu.enqueue_indirect_dma source(%arg15 : memref<80x128xf32, #tpu.memory_space<vmem>>) target(%dma_start3A_55 : memref<10240x128xf32, #tpu.memory_space<vmem_shared>>) offsets(%arg11 : memref<80xi32, #tpu.memory_space<vmem>>) semaphore(%arg21 : memref<!tpu.dma_semaphore, #tpu.memory_space<semaphore_mem>>) {add = true}
    %dma_wait3A_56 = arith.constant 0 : i32
    %dma_wait3A_57 = arith.constant 0 : i32
    %dma_wait3A_58 = tpu.memref_slice %arg2[%dma_wait3A_56, %dma_wait3A_57] : memref<10240x128xf32, #tpu.memory_space<hbm>> -> memref<10240x128xf32, #tpu.memory_space<hbm>>
    tpu.wait_indirect_dma semaphore(%arg19 : memref<!tpu.dma_semaphore, #tpu.memory_space<semaphore_mem>>) src(%dma_wait3A_58 : memref<10240x128xf32, #tpu.memory_space<hbm>>) dst(%arg16 : memref<80x128xf32, #tpu.memory_space<vmem>>)
    %dma_start3A_59 = arith.constant 0 : i32
    %dma_start3A_60 = arith.constant 0 : i32
    %dma_start3A_61 = tpu.memref_slice %arg18[%dma_start3A_59, %dma_start3A_60] : memref<10240x128xf32, #tpu.memory_space<vmem_shared>> -> memref<10240x128xf32, #tpu.memory_space<vmem_shared>>
    tpu.enqueue_indirect_dma source(%arg16 : memref<80x128xf32, #tpu.memory_space<vmem>>) target(%dma_start3A_61 : memref<10240x128xf32, #tpu.memory_space<vmem_shared>>) offsets(%arg12 : memref<80xi32, #tpu.memory_space<vmem>>) semaphore(%arg21 : memref<!tpu.dma_semaphore, #tpu.memory_space<semaphore_mem>>) {add = true}
    %dma_wait3A_62 = arith.constant 0 : i32
    %dma_wait3A_63 = arith.constant 0 : i32
    %dma_wait3A_64 = tpu.memref_slice %arg2[%dma_wait3A_62, %dma_wait3A_63] : memref<10240x128xf32, #tpu.memory_space<hbm>> -> memref<10240x128xf32, #tpu.memory_space<hbm>>
    tpu.wait_indirect_dma semaphore(%arg19 : memref<!tpu.dma_semaphore, #tpu.memory_space<semaphore_mem>>) src(%dma_wait3A_64 : memref<10240x128xf32, #tpu.memory_space<hbm>>) dst(%arg17 : memref<80x128xf32, #tpu.memory_space<vmem>>)
    %dma_start3A_65 = arith.constant 0 : i32
    %dma_start3A_66 = arith.constant 0 : i32
    %dma_start3A_67 = tpu.memref_slice %arg18[%dma_start3A_65, %dma_start3A_66] : memref<10240x128xf32, #tpu.memory_space<vmem_shared>> -> memref<10240x128xf32, #tpu.memory_space<vmem_shared>>
    tpu.enqueue_indirect_dma source(%arg17 : memref<80x128xf32, #tpu.memory_space<vmem>>) target(%dma_start3A_67 : memref<10240x128xf32, #tpu.memory_space<vmem_shared>>) offsets(%arg13 : memref<80xi32, #tpu.memory_space<vmem>>) semaphore(%arg21 : memref<!tpu.dma_semaphore, #tpu.memory_space<semaphore_mem>>) {add = true}
    %dma_wait3A_68 = arith.constant 0 : i32
    %dma_wait3A_69 = arith.constant 0 : i32
    %dma_wait3A_70 = tpu.memref_slice %arg18[%dma_wait3A_68, %dma_wait3A_69] : memref<10240x128xf32, #tpu.memory_space<vmem_shared>> -> memref<10240x128xf32, #tpu.memory_space<vmem_shared>>
    tpu.wait_indirect_dma semaphore(%arg21 : memref<!tpu.dma_semaphore, #tpu.memory_space<semaphore_mem>>) src(%arg14 : memref<80x128xf32, #tpu.memory_space<vmem>>) dst(%dma_wait3A_70 : memref<10240x128xf32, #tpu.memory_space<vmem_shared>>)
    %add3A_71 = arith.constant 9920 : i32
    %add3A_72 = arith.addi %mul3A_2, %add3A_71 : i32
    "tpu.region"() ({
      %run_scoped3A = tpu.sem_alloc : memref<!tpu.dma_semaphore, #tpu.memory_space<semaphore_mem>>
      %dma_start3A_101 = tpu.memref_slice %arg3[%add3A_72] : memref<320000xi32, #tpu.memory_space<hbm>> -> memref<80xi32, #tpu.memory_space<hbm>>
      %dma_start3A_102 = tpu.memref_slice %arg3[%add3A_72] : memref<320000xi32, #tpu.memory_space<hbm>> -> memref<80xi32, #tpu.memory_space<hbm>>
      tpu.enqueue_dma source(%dma_start3A_102 : memref<80xi32, #tpu.memory_space<hbm>>) target(%arg6 : memref<80xi32, #tpu.memory_space<vmem>>) target_semaphore(%run_scoped3A : memref<!tpu.dma_semaphore, #tpu.memory_space<semaphore_mem>>)
      %dma_wait3A_103 = tpu.memref_slice %arg3[%add3A_72] : memref<320000xi32, #tpu.memory_space<hbm>> -> memref<80xi32, #tpu.memory_space<hbm>>
      %dma_wait3A_104 = tpu.memref_slice %arg3[%add3A_72] : memref<320000xi32, #tpu.memory_space<hbm>> -> memref<80xi32, #tpu.memory_space<hbm>>
      tpu.wait_dma2 semaphore(%run_scoped3A : memref<!tpu.dma_semaphore, #tpu.memory_space<semaphore_mem>>) src(%dma_wait3A_104 : memref<80xi32, #tpu.memory_space<hbm>>) dst(%arg6 : memref<80xi32, #tpu.memory_space<vmem>>)
      tpu.yield
    }) : () -> ()
    %add3A_73 = arith.constant 9920 : i32
    %add3A_74 = arith.addi %mul3A_2, %add3A_73 : i32
    "tpu.region"() ({
      %run_scoped3A = tpu.sem_alloc : memref<!tpu.dma_semaphore, #tpu.memory_space<semaphore_mem>>
      %dma_start3A_101 = tpu.memref_slice %arg4[%add3A_74] : memref<320000xi32, #tpu.memory_space<hbm>> -> memref<80xi32, #tpu.memory_space<hbm>>
      %dma_start3A_102 = tpu.memref_slice %arg4[%add3A_74] : memref<320000xi32, #tpu.memory_space<hbm>> -> memref<80xi32, #tpu.memory_space<hbm>>
      tpu.enqueue_dma source(%dma_start3A_102 : memref<80xi32, #tpu.memory_space<hbm>>) target(%arg10 : memref<80xi32, #tpu.memory_space<vmem>>) target_semaphore(%run_scoped3A : memref<!tpu.dma_semaphore, #tpu.memory_space<semaphore_mem>>)
      %dma_wait3A_103 = tpu.memref_slice %arg4[%add3A_74] : memref<320000xi32, #tpu.memory_space<hbm>> -> memref<80xi32, #tpu.memory_space<hbm>>
      %dma_wait3A_104 = tpu.memref_slice %arg4[%add3A_74] : memref<320000xi32, #tpu.memory_space<hbm>> -> memref<80xi32, #tpu.memory_space<hbm>>
      tpu.wait_dma2 semaphore(%run_scoped3A : memref<!tpu.dma_semaphore, #tpu.memory_space<semaphore_mem>>) src(%dma_wait3A_104 : memref<80xi32, #tpu.memory_space<hbm>>) dst(%arg10 : memref<80xi32, #tpu.memory_space<vmem>>)
      tpu.yield
    }) : () -> ()
    %dma_start3A_75 = arith.constant 0 : i32
    %dma_start3A_76 = arith.constant 0 : i32
    %dma_start3A_77 = tpu.memref_slice %arg2[%dma_start3A_75, %dma_start3A_76] : memref<10240x128xf32, #tpu.memory_space<hbm>> -> memref<10240x128xf32, #tpu.memory_space<hbm>>
    tpu.enqueue_indirect_dma source(%dma_start3A_77 : memref<10240x128xf32, #tpu.memory_space<hbm>>) target(%arg14 : memref<80x128xf32, #tpu.memory_space<vmem>>) offsets(%arg6 : memref<80xi32, #tpu.memory_space<vmem>>) semaphore(%arg19 : memref<!tpu.dma_semaphore, #tpu.memory_space<semaphore_mem>>)
    %dma_wait3A_78 = arith.constant 0 : i32
    %dma_wait3A_79 = arith.constant 0 : i32
    %dma_wait3A_80 = tpu.memref_slice %arg2[%dma_wait3A_78, %dma_wait3A_79] : memref<10240x128xf32, #tpu.memory_space<hbm>> -> memref<10240x128xf32, #tpu.memory_space<hbm>>
    tpu.wait_indirect_dma semaphore(%arg19 : memref<!tpu.dma_semaphore, #tpu.memory_space<semaphore_mem>>) src(%dma_wait3A_80 : memref<10240x128xf32, #tpu.memory_space<hbm>>) dst(%arg14 : memref<80x128xf32, #tpu.memory_space<vmem>>)
    %dma_start3A_81 = arith.constant 0 : i32
    %dma_start3A_82 = arith.constant 0 : i32
    %dma_start3A_83 = tpu.memref_slice %arg18[%dma_start3A_81, %dma_start3A_82] : memref<10240x128xf32, #tpu.memory_space<vmem_shared>> -> memref<10240x128xf32, #tpu.memory_space<vmem_shared>>
    tpu.enqueue_indirect_dma source(%arg14 : memref<80x128xf32, #tpu.memory_space<vmem>>) target(%dma_start3A_83 : memref<10240x128xf32, #tpu.memory_space<vmem_shared>>) offsets(%arg10 : memref<80xi32, #tpu.memory_space<vmem>>) semaphore(%arg21 : memref<!tpu.dma_semaphore, #tpu.memory_space<semaphore_mem>>) {add = true}
    %dma_wait3A_84 = arith.constant 0 : i32
    %dma_wait3A_85 = arith.constant 0 : i32
    %dma_wait3A_86 = tpu.memref_slice %arg18[%dma_wait3A_84, %dma_wait3A_85] : memref<10240x128xf32, #tpu.memory_space<vmem_shared>> -> memref<10240x128xf32, #tpu.memory_space<vmem_shared>>
    tpu.wait_indirect_dma semaphore(%arg21 : memref<!tpu.dma_semaphore, #tpu.memory_space<semaphore_mem>>) src(%arg14 : memref<80x128xf32, #tpu.memory_space<vmem>>) dst(%dma_wait3A_86 : memref<10240x128xf32, #tpu.memory_space<vmem_shared>>)
    %dma_wait3A_87 = arith.constant 0 : i32
    %dma_wait3A_88 = arith.constant 0 : i32
    %dma_wait3A_89 = tpu.memref_slice %arg18[%dma_wait3A_87, %dma_wait3A_88] : memref<10240x128xf32, #tpu.memory_space<vmem_shared>> -> memref<10240x128xf32, #tpu.memory_space<vmem_shared>>
    tpu.wait_indirect_dma semaphore(%arg21 : memref<!tpu.dma_semaphore, #tpu.memory_space<semaphore_mem>>) src(%arg15 : memref<80x128xf32, #tpu.memory_space<vmem>>) dst(%dma_wait3A_89 : memref<10240x128xf32, #tpu.memory_space<vmem_shared>>)
    %dma_wait3A_90 = arith.constant 0 : i32
    %dma_wait3A_91 = arith.constant 0 : i32
    %dma_wait3A_92 = tpu.memref_slice %arg18[%dma_wait3A_90, %dma_wait3A_91] : memref<10240x128xf32, #tpu.memory_space<vmem_shared>> -> memref<10240x128xf32, #tpu.memory_space<vmem_shared>>
    tpu.wait_indirect_dma semaphore(%arg21 : memref<!tpu.dma_semaphore, #tpu.memory_space<semaphore_mem>>) src(%arg16 : memref<80x128xf32, #tpu.memory_space<vmem>>) dst(%dma_wait3A_92 : memref<10240x128xf32, #tpu.memory_space<vmem_shared>>)
    %dma_wait3A_93 = arith.constant 0 : i32
    %dma_wait3A_94 = arith.constant 0 : i32
    %dma_wait3A_95 = tpu.memref_slice %arg18[%dma_wait3A_93, %dma_wait3A_94] : memref<10240x128xf32, #tpu.memory_space<vmem_shared>> -> memref<10240x128xf32, #tpu.memory_space<vmem_shared>>
    tpu.wait_indirect_dma semaphore(%arg21 : memref<!tpu.dma_semaphore, #tpu.memory_space<semaphore_mem>>) src(%arg17 : memref<80x128xf32, #tpu.memory_space<vmem>>) dst(%dma_wait3A_95 : memref<10240x128xf32, #tpu.memory_space<vmem_shared>>)
    %barrier3A_96 = arith.constant 0 : index
    tpu.barrier barrier_id(%barrier3A_96)
    %mul3A_97 = arith.constant 640 : i32
    %mul3A_98 = arith.muli %arg1, %mul3A_97 : i32
    %mul3A_99 = arith.constant 640 : i32
    %mul3A_100 = arith.muli %arg1, %mul3A_99 : i32
    "tpu.region"() ({
      %run_scoped3A = tpu.sem_alloc : memref<!tpu.dma_semaphore, #tpu.memory_space<semaphore_mem>>
      %dma_start3A_101 = arith.constant 0 : i32
      %dma_start3A_102 = tpu.memref_slice %arg5[%arg0, %mul3A_100, %dma_start3A_101] : memref<2x10240x128xf32, #tpu.memory_space<hbm>> -> memref<1x640x128xf32, #tpu.memory_space<hbm>>
      %dma_start3A_103 = tpu.memref_squeeze %dma_start3A_102 : memref<1x640x128xf32, #tpu.memory_space<hbm>> -> memref<640x128xf32, #tpu.memory_space<hbm>>
      %dma_start3A_104 = arith.constant 0 : i32
      %dma_start3A_105 = tpu.memref_slice %arg18[%mul3A_98, %dma_start3A_104] : memref<10240x128xf32, #tpu.memory_space<vmem_shared>> -> memref<640x128xf32, #tpu.memory_space<vmem_shared>>
      tpu.enqueue_dma source(%dma_start3A_105 : memref<640x128xf32, #tpu.memory_space<vmem_shared>>) target(%dma_start3A_103 : memref<640x128xf32, #tpu.memory_space<hbm>>) target_semaphore(%run_scoped3A : memref<!tpu.dma_semaphore, #tpu.memory_space<semaphore_mem>>)
      %dma_wait3A_106 = arith.constant 0 : i32
      %dma_wait3A_107 = tpu.memref_slice %arg5[%arg0, %mul3A_100, %dma_wait3A_106] : memref<2x10240x128xf32, #tpu.memory_space<hbm>> -> memref<1x640x128xf32, #tpu.memory_space<hbm>>
      %dma_wait3A_108 = tpu.memref_squeeze %dma_wait3A_107 : memref<1x640x128xf32, #tpu.memory_space<hbm>> -> memref<640x128xf32, #tpu.memory_space<hbm>>
      %dma_wait3A_109 = arith.constant 0 : i32
      %dma_wait3A_110 = tpu.memref_slice %arg18[%mul3A_98, %dma_wait3A_109] : memref<10240x128xf32, #tpu.memory_space<vmem_shared>> -> memref<640x128xf32, #tpu.memory_space<vmem_shared>>
      tpu.wait_dma2 semaphore(%run_scoped3A : memref<!tpu.dma_semaphore, #tpu.memory_space<semaphore_mem>>) src(%dma_wait3A_110 : memref<640x128xf32, #tpu.memory_space<vmem_shared>>) dst(%dma_wait3A_108 : memref<640x128xf32, #tpu.memory_space<hbm>>)
      tpu.yield
    }) : () -> ()
    return
  }
}

#map = affine_map<(d0, d1) -> (0, 0)>
#map1 = affine_map<(d0, d1) -> (0)>
#map2 = affine_map<(d0, d1) -> (0, 0, 0)>
module attributes {stable_mosaic.version = 14 : i64} {
  func.func @_agg_body(%arg0: i32, %arg1: i32, %arg2: memref<10240x128xf32, #tpu.memory_space<hbm>>, %arg3: memref<320000xi32, #tpu.memory_space<hbm>>, %arg4: memref<320000xi32, #tpu.memory_space<hbm>>, %arg5: memref<2x10240x128xf32, #tpu.memory_space<hbm>>, %arg6: memref<80xi32, #tpu.memory_space<vmem>>, %arg7: memref<80xi32, #tpu.memory_space<vmem>>, %arg8: memref<80xi32, #tpu.memory_space<vmem>>, %arg9: memref<80xi32, #tpu.memory_space<vmem>>, %arg10: memref<80xi32, #tpu.memory_space<vmem>>, %arg11: memref<80xi32, #tpu.memory_space<vmem>>, %arg12: memref<80xi32, #tpu.memory_space<vmem>>, %arg13: memref<80xi32, #tpu.memory_space<vmem>>, %arg14: memref<80x128xf32, #tpu.memory_space<vmem>>, %arg15: memref<80x128xf32, #tpu.memory_space<vmem>>, %arg16: memref<80x128xf32, #tpu.memory_space<vmem>>, %arg17: memref<80x128xf32, #tpu.memory_space<vmem>>, %arg18: memref<10240x128xf32, #tpu.memory_space<vmem_shared>>, %arg19: memref<!tpu.dma_semaphore, #tpu.memory_space<semaphore_mem>>, %arg20: memref<!tpu.dma_semaphore, #tpu.memory_space<semaphore_mem>>, %arg21: memref<!tpu.dma_semaphore, #tpu.memory_space<semaphore_mem>>) attributes {dimension_semantics = [#tpu.dimension_semantics<core_parallel>, #tpu.dimension_semantics<subcore_parallel>], iteration_bounds = array<i64: 2, 16>, scalar_prefetch = 0 : i64, scratch_operands = 16 : i64, tpu.core_type = #tpu.core_type<sc_vector_subcore>, window_params = [{transform_indices = #map}, {transform_indices = #map1}, {transform_indices = #map1}, {transform_indices = #map2}]} {
    %mul3A = arith.constant 2 : i32
    %mul3A_0 = arith.muli %arg1, %mul3A : i32
    %add3A = arith.addi %mul3A_0, %arg0 : i32
    %mul3A_1 = arith.constant 10000 : i32
    %mul3A_2 = arith.muli %add3A, %mul3A_1 : i32
    %broadcast_in_dim3A = arith.constant 0.000000e+00 : f32
    %broadcast_in_dim3A_3 = vector.broadcast %broadcast_in_dim3A : f32 to vector<16xf32>
    %scan3A = arith.constant 0 : i32
    %scan3A_4 = arith.constant 80 : i32
    %scan3A_5 = arith.addi %scan3A, %scan3A_4 : i32
    %scan3A_6 = arith.constant 1 : i32
    scf.for %scan3A_101 = %scan3A to %scan3A_5 step %scan3A_6  : i32 {
      %mul3A_102 = arith.constant 1 : i32
      %mul3A_103 = arith.muli %scan3A_101, %mul3A_102 : i32
      %add3A_104 = arith.constant 0 : i32
      %add3A_105 = arith.addi %add3A_104, %mul3A_103 : i32
      %scan3A_106 = arith.constant 0 : i32
      %scan3A_107 = arith.constant 8 : i32
      %scan3A_108 = arith.addi %scan3A_106, %scan3A_107 : i32
      %scan3A_109 = arith.constant 1 : i32
      scf.for %scan3A_111 = %scan3A_106 to %scan3A_108 step %scan3A_109  : i32 {
        %mul3A_112 = arith.constant 1 : i32
        %mul3A_113 = arith.muli %scan3A_111, %mul3A_112 : i32
        %add3A_114 = arith.constant 0 : i32
        %add3A_115 = arith.addi %add3A_114, %mul3A_113 : i32
        %mul3A_116 = arith.constant 16 : i32
        %mul3A_117 = arith.muli %add3A_115, %mul3A_116 : i32
        %swap3A = arith.index_cast %add3A_105 : i32 to index
        %swap3A_118 = arith.index_cast %mul3A_117 : i32 to index
        %swap3A_119 = tpu.vector_load %arg14[%swap3A, %swap3A_118] {strides = array<i32>} : memref<80x128xf32, #tpu.memory_space<vmem>>, vector<1x16xf32>,
        %swap3A_120 = vector.shape_cast %swap3A_119 : vector<1x16xf32> to vector<16xf32>
        %swap3A_121 = vector.shape_cast %broadcast_in_dim3A_3 : vector<16xf32> to vector<1x16xf32>
        tpu.vector_store %arg14[%swap3A, %swap3A_118], %swap3A_121 {strides = array<i32>} : memref<80x128xf32, #tpu.memory_space<vmem>>, vector<1x16xf32>,
      }
      %scan3A_110 = arith.constant 8 : i32
    }
    %scan3A_7 = arith.constant 80 : i32
    %scan3A_8 = arith.constant 0 : i32
    %scan3A_9 = arith.constant 8 : i32
    %scan3A_10 = arith.addi %scan3A_8, %scan3A_9 : i32
    %scan3A_11 = arith.constant 1 : i32
    scf.for %scan3A_101 = %scan3A_8 to %scan3A_10 step %scan3A_11  : i32 {
      %mul3A_102 = arith.constant 1 : i32
      %mul3A_103 = arith.muli %scan3A_101, %mul3A_102 : i32
      %add3A_104 = arith.constant 0 : i32
      %add3A_105 = arith.addi %add3A_104, %mul3A_103 : i32
      %mul3A_106 = arith.constant 640 : i32
      %mul3A_107 = arith.muli %arg1, %mul3A_106 : i32
      %mul3A_108 = arith.constant 80 : i32
      %mul3A_109 = arith.muli %add3A_105, %mul3A_108 : i32
      %add3A_110 = arith.addi %mul3A_107, %mul3A_109 : i32
      "tpu.region"() ({
        %run_scoped3A = tpu.sem_alloc : memref<!tpu.dma_semaphore, #tpu.memory_space<semaphore_mem>>
        %dma_start3A_111 = arith.constant 0 : i32
        %dma_start3A_112 = tpu.memref_slice %arg18[%add3A_110, %dma_start3A_111] : memref<10240x128xf32, #tpu.memory_space<vmem_shared>> -> memref<80x128xf32, #tpu.memory_space<vmem_shared>>
        %dma_start3A_113 = arith.constant 0 : i32
        %dma_start3A_114 = tpu.memref_slice %arg18[%add3A_110, %dma_start3A_113] : memref<10240x128xf32, #tpu.memory_space<vmem_shared>> -> memref<80x128xf32, #tpu.memory_space<vmem_shared>>
        tpu.enqueue_dma source(%arg14 : memref<80x128xf32, #tpu.memory_space<vmem>>) target(%dma_start3A_114 : memref<80x128xf32, #tpu.memory_space<vmem_shared>>) target_semaphore(%run_scoped3A : memref<!tpu.dma_semaphore, #tpu.memory_space<semaphore_mem>>)
        %dma_wait3A_115 = arith.constant 0 : i32
        %dma_wait3A_116 = tpu.memref_slice %arg18[%add3A_110, %dma_wait3A_115] : memref<10240x128xf32, #tpu.memory_space<vmem_shared>> -> memref<80x128xf32, #tpu.memory_space<vmem_shared>>
        %dma_wait3A_117 = arith.constant 0 : i32
        %dma_wait3A_118 = tpu.memref_slice %arg18[%add3A_110, %dma_wait3A_117] : memref<10240x128xf32, #tpu.memory_space<vmem_shared>> -> memref<80x128xf32, #tpu.memory_space<vmem_shared>>
        tpu.wait_dma2 semaphore(%run_scoped3A : memref<!tpu.dma_semaphore, #tpu.memory_space<semaphore_mem>>) src(%arg14 : memref<80x128xf32, #tpu.memory_space<vmem>>) dst(%dma_wait3A_118 : memref<80x128xf32, #tpu.memory_space<vmem_shared>>)
        tpu.yield
      }) : () -> ()
    }
    %scan3A_12 = arith.constant 8 : i32
    %barrier3A = arith.constant 0 : index
    tpu.barrier barrier_id(%barrier3A)
    %add3A_13 = arith.constant 0 : i32
    %add3A_14 = arith.addi %mul3A_2, %add3A_13 : i32
    "tpu.region"() ({
      %run_scoped3A = tpu.sem_alloc : memref<!tpu.dma_semaphore, #tpu.memory_space<semaphore_mem>>
      %dma_start3A_101 = tpu.memref_slice %arg3[%add3A_14] : memref<320000xi32, #tpu.memory_space<hbm>> -> memref<80xi32, #tpu.memory_space<hbm>>
      %dma_start3A_102 = tpu.memref_slice %arg3[%add3A_14] : memref<320000xi32, #tpu.memory_space<hbm>> -> memref<80xi32, #tpu.memory_space<hbm>>
      tpu.enqueue_dma source(%dma_start3A_102 : memref<80xi32, #tpu.memory_space<hbm>>) target(%arg6 : memref<80xi32, #tpu.memory_space<vmem>>) target_semaphore(%run_scoped3A : memref<!tpu.dma_semaphore, #tpu.memory_space<semaphore_mem>>)
      %dma_wait3A_103 = tpu.memref_slice %arg3[%add3A_14] : memref<320000xi32, #tpu.memory_space<hbm>> -> memref<80xi32, #tpu.memory_space<hbm>>
      %dma_wait3A_104 = tpu.memref_slice %arg3[%add3A_14] : memref<320000xi32, #tpu.memory_space<hbm>> -> memref<80xi32, #tpu.memory_space<hbm>>
      tpu.wait_dma2 semaphore(%run_scoped3A : memref<!tpu.dma_semaphore, #tpu.memory_space<semaphore_mem>>) src(%dma_wait3A_104 : memref<80xi32, #tpu.memory_space<hbm>>) dst(%arg6 : memref<80xi32, #tpu.memory_space<vmem>>)
      tpu.yield
    }) : () -> ()
    %add3A_15 = arith.constant 0 : i32
    %add3A_16 = arith.addi %mul3A_2, %add3A_15 : i32
    "tpu.region"() ({
      %run_scoped3A = tpu.sem_alloc : memref<!tpu.dma_semaphore, #tpu.memory_space<semaphore_mem>>
      %dma_start3A_101 = tpu.memref_slice %arg4[%add3A_16] : memref<320000xi32, #tpu.memory_space<hbm>> -> memref<80xi32, #tpu.memory_space<hbm>>
      %dma_start3A_102 = tpu.memref_slice %arg4[%add3A_16] : memref<320000xi32, #tpu.memory_space<hbm>> -> memref<80xi32, #tpu.memory_space<hbm>>
      tpu.enqueue_dma source(%dma_start3A_102 : memref<80xi32, #tpu.memory_space<hbm>>) target(%arg10 : memref<80xi32, #tpu.memory_space<vmem>>) target_semaphore(%run_scoped3A : memref<!tpu.dma_semaphore, #tpu.memory_space<semaphore_mem>>)
      %dma_wait3A_103 = tpu.memref_slice %arg4[%add3A_16] : memref<320000xi32, #tpu.memory_space<hbm>> -> memref<80xi32, #tpu.memory_space<hbm>>
      %dma_wait3A_104 = tpu.memref_slice %arg4[%add3A_16] : memref<320000xi32, #tpu.memory_space<hbm>> -> memref<80xi32, #tpu.memory_space<hbm>>
      tpu.wait_dma2 semaphore(%run_scoped3A : memref<!tpu.dma_semaphore, #tpu.memory_space<semaphore_mem>>) src(%dma_wait3A_104 : memref<80xi32, #tpu.memory_space<hbm>>) dst(%arg10 : memref<80xi32, #tpu.memory_space<vmem>>)
      tpu.yield
    }) : () -> ()
    %dma_start3A = arith.constant 0 : i32
    %dma_start3A_17 = arith.constant 0 : i32
    %dma_start3A_18 = tpu.memref_slice %arg2[%dma_start3A, %dma_start3A_17] : memref<10240x128xf32, #tpu.memory_space<hbm>> -> memref<10240x128xf32, #tpu.memory_space<hbm>>
    tpu.enqueue_indirect_dma source(%dma_start3A_18 : memref<10240x128xf32, #tpu.memory_space<hbm>>) target(%arg14 : memref<80x128xf32, #tpu.memory_space<vmem>>) offsets(%arg6 : memref<80xi32, #tpu.memory_space<vmem>>) semaphore(%arg19 : memref<!tpu.dma_semaphore, #tpu.memory_space<semaphore_mem>>)
    %add3A_19 = arith.constant 80 : i32
    %add3A_20 = arith.addi %mul3A_2, %add3A_19 : i32
    "tpu.region"() ({
      %run_scoped3A = tpu.sem_alloc : memref<!tpu.dma_semaphore, #tpu.memory_space<semaphore_mem>>
      %dma_start3A_101 = tpu.memref_slice %arg3[%add3A_20] : memref<320000xi32, #tpu.memory_space<hbm>> -> memref<80xi32, #tpu.memory_space<hbm>>
      %dma_start3A_102 = tpu.memref_slice %arg3[%add3A_20] : memref<320000xi32, #tpu.memory_space<hbm>> -> memref<80xi32, #tpu.memory_space<hbm>>
      tpu.enqueue_dma source(%dma_start3A_102 : memref<80xi32, #tpu.memory_space<hbm>>) target(%arg7 : memref<80xi32, #tpu.memory_space<vmem>>) target_semaphore(%run_scoped3A : memref<!tpu.dma_semaphore, #tpu.memory_space<semaphore_mem>>)
      %dma_wait3A_103 = tpu.memref_slice %arg3[%add3A_20] : memref<320000xi32, #tpu.memory_space<hbm>> -> memref<80xi32, #tpu.memory_space<hbm>>
      %dma_wait3A_104 = tpu.memref_slice %arg3[%add3A_20] : memref<320000xi32, #tpu.memory_space<hbm>> -> memref<80xi32, #tpu.memory_space<hbm>>
      tpu.wait_dma2 semaphore(%run_scoped3A : memref<!tpu.dma_semaphore, #tpu.memory_space<semaphore_mem>>) src(%dma_wait3A_104 : memref<80xi32, #tpu.memory_space<hbm>>) dst(%arg7 : memref<80xi32, #tpu.memory_space<vmem>>)
      tpu.yield
    }) : () -> ()
    %add3A_21 = arith.constant 80 : i32
    %add3A_22 = arith.addi %mul3A_2, %add3A_21 : i32
    "tpu.region"() ({
      %run_scoped3A = tpu.sem_alloc : memref<!tpu.dma_semaphore, #tpu.memory_space<semaphore_mem>>
      %dma_start3A_101 = tpu.memref_slice %arg4[%add3A_22] : memref<320000xi32, #tpu.memory_space<hbm>> -> memref<80xi32, #tpu.memory_space<hbm>>
      %dma_start3A_102 = tpu.memref_slice %arg4[%add3A_22] : memref<320000xi32, #tpu.memory_space<hbm>> -> memref<80xi32, #tpu.memory_space<hbm>>
      tpu.enqueue_dma source(%dma_start3A_102 : memref<80xi32, #tpu.memory_space<hbm>>) target(%arg11 : memref<80xi32, #tpu.memory_space<vmem>>) target_semaphore(%run_scoped3A : memref<!tpu.dma_semaphore, #tpu.memory_space<semaphore_mem>>)
      %dma_wait3A_103 = tpu.memref_slice %arg4[%add3A_22] : memref<320000xi32, #tpu.memory_space<hbm>> -> memref<80xi32, #tpu.memory_space<hbm>>
      %dma_wait3A_104 = tpu.memref_slice %arg4[%add3A_22] : memref<320000xi32, #tpu.memory_space<hbm>> -> memref<80xi32, #tpu.memory_space<hbm>>
      tpu.wait_dma2 semaphore(%run_scoped3A : memref<!tpu.dma_semaphore, #tpu.memory_space<semaphore_mem>>) src(%dma_wait3A_104 : memref<80xi32, #tpu.memory_space<hbm>>) dst(%arg11 : memref<80xi32, #tpu.memory_space<vmem>>)
      tpu.yield
    }) : () -> ()
    %dma_start3A_23 = arith.constant 0 : i32
    %dma_start3A_24 = arith.constant 0 : i32
    %dma_start3A_25 = tpu.memref_slice %arg2[%dma_start3A_23, %dma_start3A_24] : memref<10240x128xf32, #tpu.memory_space<hbm>> -> memref<10240x128xf32, #tpu.memory_space<hbm>>
    tpu.enqueue_indirect_dma source(%dma_start3A_25 : memref<10240x128xf32, #tpu.memory_space<hbm>>) target(%arg15 : memref<80x128xf32, #tpu.memory_space<vmem>>) offsets(%arg7 : memref<80xi32, #tpu.memory_space<vmem>>) semaphore(%arg19 : memref<!tpu.dma_semaphore, #tpu.memory_space<semaphore_mem>>)
    %add3A_26 = arith.constant 160 : i32
    %add3A_27 = arith.addi %mul3A_2, %add3A_26 : i32
    "tpu.region"() ({
      %run_scoped3A = tpu.sem_alloc : memref<!tpu.dma_semaphore, #tpu.memory_space<semaphore_mem>>
      %dma_start3A_101 = tpu.memref_slice %arg3[%add3A_27] : memref<320000xi32, #tpu.memory_space<hbm>> -> memref<80xi32, #tpu.memory_space<hbm>>
      %dma_start3A_102 = tpu.memref_slice %arg3[%add3A_27] : memref<320000xi32, #tpu.memory_space<hbm>> -> memref<80xi32, #tpu.memory_space<hbm>>
      tpu.enqueue_dma source(%dma_start3A_102 : memref<80xi32, #tpu.memory_space<hbm>>) target(%arg8 : memref<80xi32, #tpu.memory_space<vmem>>) target_semaphore(%run_scoped3A : memref<!tpu.dma_semaphore, #tpu.memory_space<semaphore_mem>>)
      %dma_wait3A_103 = tpu.memref_slice %arg3[%add3A_27] : memref<320000xi32, #tpu.memory_space<hbm>> -> memref<80xi32, #tpu.memory_space<hbm>>
      %dma_wait3A_104 = tpu.memref_slice %arg3[%add3A_27] : memref<320000xi32, #tpu.memory_space<hbm>> -> memref<80xi32, #tpu.memory_space<hbm>>
      tpu.wait_dma2 semaphore(%run_scoped3A : memref<!tpu.dma_semaphore, #tpu.memory_space<semaphore_mem>>) src(%dma_wait3A_104 : memref<80xi32, #tpu.memory_space<hbm>>) dst(%arg8 : memref<80xi32, #tpu.memory_space<vmem>>)
      tpu.yield
    }) : () -> ()
    %add3A_28 = arith.constant 160 : i32
    %add3A_29 = arith.addi %mul3A_2, %add3A_28 : i32
    "tpu.region"() ({
      %run_scoped3A = tpu.sem_alloc : memref<!tpu.dma_semaphore, #tpu.memory_space<semaphore_mem>>
      %dma_start3A_101 = tpu.memref_slice %arg4[%add3A_29] : memref<320000xi32, #tpu.memory_space<hbm>> -> memref<80xi32, #tpu.memory_space<hbm>>
      %dma_start3A_102 = tpu.memref_slice %arg4[%add3A_29] : memref<320000xi32, #tpu.memory_space<hbm>> -> memref<80xi32, #tpu.memory_space<hbm>>
      tpu.enqueue_dma source(%dma_start3A_102 : memref<80xi32, #tpu.memory_space<hbm>>) target(%arg12 : memref<80xi32, #tpu.memory_space<vmem>>) target_semaphore(%run_scoped3A : memref<!tpu.dma_semaphore, #tpu.memory_space<semaphore_mem>>)
      %dma_wait3A_103 = tpu.memref_slice %arg4[%add3A_29] : memref<320000xi32, #tpu.memory_space<hbm>> -> memref<80xi32, #tpu.memory_space<hbm>>
      %dma_wait3A_104 = tpu.memref_slice %arg4[%add3A_29] : memref<320000xi32, #tpu.memory_space<hbm>> -> memref<80xi32, #tpu.memory_space<hbm>>
      tpu.wait_dma2 semaphore(%run_scoped3A : memref<!tpu.dma_semaphore, #tpu.memory_space<semaphore_mem>>) src(%dma_wait3A_104 : memref<80xi32, #tpu.memory_space<hbm>>) dst(%arg12 : memref<80xi32, #tpu.memory_space<vmem>>)
      tpu.yield
    }) : () -> ()
    %dma_start3A_30 = arith.constant 0 : i32
    %dma_start3A_31 = arith.constant 0 : i32
    %dma_start3A_32 = tpu.memref_slice %arg2[%dma_start3A_30, %dma_start3A_31] : memref<10240x128xf32, #tpu.memory_space<hbm>> -> memref<10240x128xf32, #tpu.memory_space<hbm>>
    tpu.enqueue_indirect_dma source(%dma_start3A_32 : memref<10240x128xf32, #tpu.memory_space<hbm>>) target(%arg16 : memref<80x128xf32, #tpu.memory_space<vmem>>) offsets(%arg8 : memref<80xi32, #tpu.memory_space<vmem>>) semaphore(%arg19 : memref<!tpu.dma_semaphore, #tpu.memory_space<semaphore_mem>>)
    %add3A_33 = arith.constant 240 : i32
    %add3A_34 = arith.addi %mul3A_2, %add3A_33 : i32
    "tpu.region"() ({
      %run_scoped3A = tpu.sem_alloc : memref<!tpu.dma_semaphore, #tpu.memory_space<semaphore_mem>>
      %dma_start3A_101 = tpu.memref_slice %arg3[%add3A_34] : memref<320000xi32, #tpu.memory_space<hbm>> -> memref<80xi32, #tpu.memory_space<hbm>>
      %dma_start3A_102 = tpu.memref_slice %arg3[%add3A_34] : memref<320000xi32, #tpu.memory_space<hbm>> -> memref<80xi32, #tpu.memory_space<hbm>>
      tpu.enqueue_dma source(%dma_start3A_102 : memref<80xi32, #tpu.memory_space<hbm>>) target(%arg9 : memref<80xi32, #tpu.memory_space<vmem>>) target_semaphore(%run_scoped3A : memref<!tpu.dma_semaphore, #tpu.memory_space<semaphore_mem>>)
      %dma_wait3A_103 = tpu.memref_slice %arg3[%add3A_34] : memref<320000xi32, #tpu.memory_space<hbm>> -> memref<80xi32, #tpu.memory_space<hbm>>
      %dma_wait3A_104 = tpu.memref_slice %arg3[%add3A_34] : memref<320000xi32, #tpu.memory_space<hbm>> -> memref<80xi32, #tpu.memory_space<hbm>>
      tpu.wait_dma2 semaphore(%run_scoped3A : memref<!tpu.dma_semaphore, #tpu.memory_space<semaphore_mem>>) src(%dma_wait3A_104 : memref<80xi32, #tpu.memory_space<hbm>>) dst(%arg9 : memref<80xi32, #tpu.memory_space<vmem>>)
      tpu.yield
    }) : () -> ()
    %add3A_35 = arith.constant 240 : i32
    %add3A_36 = arith.addi %mul3A_2, %add3A_35 : i32
    "tpu.region"() ({
      %run_scoped3A = tpu.sem_alloc : memref<!tpu.dma_semaphore, #tpu.memory_space<semaphore_mem>>
      %dma_start3A_101 = tpu.memref_slice %arg4[%add3A_36] : memref<320000xi32, #tpu.memory_space<hbm>> -> memref<80xi32, #tpu.memory_space<hbm>>
      %dma_start3A_102 = tpu.memref_slice %arg4[%add3A_36] : memref<320000xi32, #tpu.memory_space<hbm>> -> memref<80xi32, #tpu.memory_space<hbm>>
      tpu.enqueue_dma source(%dma_start3A_102 : memref<80xi32, #tpu.memory_space<hbm>>) target(%arg13 : memref<80xi32, #tpu.memory_space<vmem>>) target_semaphore(%run_scoped3A : memref<!tpu.dma_semaphore, #tpu.memory_space<semaphore_mem>>)
      %dma_wait3A_103 = tpu.memref_slice %arg4[%add3A_36] : memref<320000xi32, #tpu.memory_space<hbm>> -> memref<80xi32, #tpu.memory_space<hbm>>
      %dma_wait3A_104 = tpu.memref_slice %arg4[%add3A_36] : memref<320000xi32, #tpu.memory_space<hbm>> -> memref<80xi32, #tpu.memory_space<hbm>>
      tpu.wait_dma2 semaphore(%run_scoped3A : memref<!tpu.dma_semaphore, #tpu.memory_space<semaphore_mem>>) src(%dma_wait3A_104 : memref<80xi32, #tpu.memory_space<hbm>>) dst(%arg13 : memref<80xi32, #tpu.memory_space<vmem>>)
      tpu.yield
    }) : () -> ()
    %dma_start3A_37 = arith.constant 0 : i32
    %dma_start3A_38 = arith.constant 0 : i32
    %dma_start3A_39 = tpu.memref_slice %arg2[%dma_start3A_37, %dma_start3A_38] : memref<10240x128xf32, #tpu.memory_space<hbm>> -> memref<10240x128xf32, #tpu.memory_space<hbm>>
    tpu.enqueue_indirect_dma source(%dma_start3A_39 : memref<10240x128xf32, #tpu.memory_space<hbm>>) target(%arg17 : memref<80x128xf32, #tpu.memory_space<vmem>>) offsets(%arg9 : memref<80xi32, #tpu.memory_space<vmem>>) semaphore(%arg19 : memref<!tpu.dma_semaphore, #tpu.memory_space<semaphore_mem>>)
    %scan3A_40 = arith.constant 0 : i32
    %scan3A_41 = arith.constant 30 : i32
    %scan3A_42 = arith.addi %scan3A_40, %scan3A_41 : i32
    %scan3A_43 = arith.constant 1 : i32
    scf.for %scan3A_101 = %scan3A_40 to %scan3A_42 step %scan3A_43  : i32 {
      %mul3A_102 = arith.constant 4 : i32
      %mul3A_103 = arith.muli %scan3A_101, %mul3A_102 : i32
      %add3A_104 = arith.constant 0 : i32
      %add3A_105 = arith.addi %add3A_104, %mul3A_103 : i32
      %dma_wait3A_106 = arith.constant 0 : i32
      %dma_wait3A_107 = arith.constant 0 : i32
      %dma_wait3A_108 = tpu.memref_slice %arg2[%dma_wait3A_106, %dma_wait3A_107] : memref<10240x128xf32, #tpu.memory_space<hbm>> -> memref<10240x128xf32, #tpu.memory_space<hbm>>
      tpu.wait_indirect_dma semaphore(%arg19 : memref<!tpu.dma_semaphore, #tpu.memory_space<semaphore_mem>>) src(%dma_wait3A_108 : memref<10240x128xf32, #tpu.memory_space<hbm>>) dst(%arg14 : memref<80x128xf32, #tpu.memory_space<vmem>>)
      %dma_start3A_109 = arith.constant 0 : i32
      %dma_start3A_110 = arith.constant 0 : i32
      %dma_start3A_111 = tpu.memref_slice %arg18[%dma_start3A_109, %dma_start3A_110] : memref<10240x128xf32, #tpu.memory_space<vmem_shared>> -> memref<10240x128xf32, #tpu.memory_space<vmem_shared>>
      tpu.enqueue_indirect_dma source(%arg14 : memref<80x128xf32, #tpu.memory_space<vmem>>) target(%dma_start3A_111 : memref<10240x128xf32, #tpu.memory_space<vmem_shared>>) offsets(%arg10 : memref<80xi32, #tpu.memory_space<vmem>>) semaphore(%arg21 : memref<!tpu.dma_semaphore, #tpu.memory_space<semaphore_mem>>) {add = true}
      %dma_wait3A_112 = arith.constant 0 : i32
      %dma_wait3A_113 = arith.constant 0 : i32
      %dma_wait3A_114 = tpu.memref_slice %arg2[%dma_wait3A_112, %dma_wait3A_113] : memref<10240x128xf32, #tpu.memory_space<hbm>> -> memref<10240x128xf32, #tpu.memory_space<hbm>>
      tpu.wait_indirect_dma semaphore(%arg19 : memref<!tpu.dma_semaphore, #tpu.memory_space<semaphore_mem>>) src(%dma_wait3A_114 : memref<10240x128xf32, #tpu.memory_space<hbm>>) dst(%arg15 : memref<80x128xf32, #tpu.memory_space<vmem>>)
      %dma_start3A_115 = arith.constant 0 : i32
      %dma_start3A_116 = arith.constant 0 : i32
      %dma_start3A_117 = tpu.memref_slice %arg18[%dma_start3A_115, %dma_start3A_116] : memref<10240x128xf32, #tpu.memory_space<vmem_shared>> -> memref<10240x128xf32, #tpu.memory_space<vmem_shared>>
      tpu.enqueue_indirect_dma source(%arg15 : memref<80x128xf32, #tpu.memory_space<vmem>>) target(%dma_start3A_117 : memref<10240x128xf32, #tpu.memory_space<vmem_shared>>) offsets(%arg11 : memref<80xi32, #tpu.memory_space<vmem>>) semaphore(%arg21 : memref<!tpu.dma_semaphore, #tpu.memory_space<semaphore_mem>>) {add = true}
      %dma_wait3A_118 = arith.constant 0 : i32
      %dma_wait3A_119 = arith.constant 0 : i32
      %dma_wait3A_120 = tpu.memref_slice %arg2[%dma_wait3A_118, %dma_wait3A_119] : memref<10240x128xf32, #tpu.memory_space<hbm>> -> memref<10240x128xf32, #tpu.memory_space<hbm>>
      tpu.wait_indirect_dma semaphore(%arg19 : memref<!tpu.dma_semaphore, #tpu.memory_space<semaphore_mem>>) src(%dma_wait3A_120 : memref<10240x128xf32, #tpu.memory_space<hbm>>) dst(%arg16 : memref<80x128xf32, #tpu.memory_space<vmem>>)
      %dma_start3A_121 = arith.constant 0 : i32
      %dma_start3A_122 = arith.constant 0 : i32
      %dma_start3A_123 = tpu.memref_slice %arg18[%dma_start3A_121, %dma_start3A_122] : memref<10240x128xf32, #tpu.memory_space<vmem_shared>> -> memref<10240x128xf32, #tpu.memory_space<vmem_shared>>
      tpu.enqueue_indirect_dma source(%arg16 : memref<80x128xf32, #tpu.memory_space<vmem>>) target(%dma_start3A_123 : memref<10240x128xf32, #tpu.memory_space<vmem_shared>>) offsets(%arg12 : memref<80xi32, #tpu.memory_space<vmem>>) semaphore(%arg21 : memref<!tpu.dma_semaphore, #tpu.memory_space<semaphore_mem>>) {add = true}
      %dma_wait3A_124 = arith.constant 0 : i32
      %dma_wait3A_125 = arith.constant 0 : i32
      %dma_wait3A_126 = tpu.memref_slice %arg2[%dma_wait3A_124, %dma_wait3A_125] : memref<10240x128xf32, #tpu.memory_space<hbm>> -> memref<10240x128xf32, #tpu.memory_space<hbm>>
      tpu.wait_indirect_dma semaphore(%arg19 : memref<!tpu.dma_semaphore, #tpu.memory_space<semaphore_mem>>) src(%dma_wait3A_126 : memref<10240x128xf32, #tpu.memory_space<hbm>>) dst(%arg17 : memref<80x128xf32, #tpu.memory_space<vmem>>)
      %dma_start3A_127 = arith.constant 0 : i32
      %dma_start3A_128 = arith.constant 0 : i32
      %dma_start3A_129 = tpu.memref_slice %arg18[%dma_start3A_127, %dma_start3A_128] : memref<10240x128xf32, #tpu.memory_space<vmem_shared>> -> memref<10240x128xf32, #tpu.memory_space<vmem_shared>>
      tpu.enqueue_indirect_dma source(%arg17 : memref<80x128xf32, #tpu.memory_space<vmem>>) target(%dma_start3A_129 : memref<10240x128xf32, #tpu.memory_space<vmem_shared>>) offsets(%arg13 : memref<80xi32, #tpu.memory_space<vmem>>) semaphore(%arg21 : memref<!tpu.dma_semaphore, #tpu.memory_space<semaphore_mem>>) {add = true}
      %dma_wait3A_130 = arith.constant 0 : i32
      %dma_wait3A_131 = arith.constant 0 : i32
      %dma_wait3A_132 = tpu.memref_slice %arg18[%dma_wait3A_130, %dma_wait3A_131] : memref<10240x128xf32, #tpu.memory_space<vmem_shared>> -> memref<10240x128xf32, #tpu.memory_space<vmem_shared>>
      tpu.wait_indirect_dma semaphore(%arg21 : memref<!tpu.dma_semaphore, #tpu.memory_space<semaphore_mem>>) src(%arg14 : memref<80x128xf32, #tpu.memory_space<vmem>>) dst(%dma_wait3A_132 : memref<10240x128xf32, #tpu.memory_space<vmem_shared>>)
      %add3A_133 = arith.constant 4 : i32
      %add3A_134 = arith.addi %add3A_105, %add3A_133 : i32
      %add3A_135 = arith.constant 0 : i32
      %add3A_136 = arith.addi %add3A_134, %add3A_135 : i32
      %mul3A_137 = arith.constant 80 : i32
      %mul3A_138 = arith.muli %add3A_136, %mul3A_137 : i32
      %add3A_139 = arith.addi %mul3A_2, %mul3A_138 : i32
      %dma_start3A_140 = tpu.memref_slice %arg3[%add3A_139] : memref<320000xi32, #tpu.memory_space<hbm>> -> memref<80xi32, #tpu.memory_space<hbm>>
      %dma_start3A_141 = tpu.memref_slice %arg3[%add3A_139] : memref<320000xi32, #tpu.memory_space<hbm>> -> memref<80xi32, #tpu.memory_space<hbm>>
      tpu.enqueue_dma source(%dma_start3A_141 : memref<80xi32, #tpu.memory_space<hbm>>) target(%arg6 : memref<80xi32, #tpu.memory_space<vmem>>) target_semaphore(%arg20 : memref<!tpu.dma_semaphore, #tpu.memory_space<semaphore_mem>>)
      %mul3A_142 = arith.constant 80 : i32
      %mul3A_143 = arith.muli %add3A_136, %mul3A_142 : i32
      %add3A_144 = arith.addi %mul3A_2, %mul3A_143 : i32
      %dma_start3A_145 = tpu.memref_slice %arg4[%add3A_144] : memref<320000xi32, #tpu.memory_space<hbm>> -> memref<80xi32, #tpu.memory_space<hbm>>
      %dma_start3A_146 = tpu.memref_slice %arg4[%add3A_144] : memref<320000xi32, #tpu.memory_space<hbm>> -> memref<80xi32, #tpu.memory_space<hbm>>
      tpu.enqueue_dma source(%dma_start3A_146 : memref<80xi32, #tpu.memory_space<hbm>>) target(%arg10 : memref<80xi32, #tpu.memory_space<vmem>>) target_semaphore(%arg20 : memref<!tpu.dma_semaphore, #tpu.memory_space<semaphore_mem>>)
      %dma_wait3A_147 = arith.constant 0 : i32
      %dma_wait3A_148 = arith.constant 0 : i32
      %dma_wait3A_149 = tpu.memref_slice %arg18[%dma_wait3A_147, %dma_wait3A_148] : memref<10240x128xf32, #tpu.memory_space<vmem_shared>> -> memref<10240x128xf32, #tpu.memory_space<vmem_shared>>
      tpu.wait_indirect_dma semaphore(%arg21 : memref<!tpu.dma_semaphore, #tpu.memory_space<semaphore_mem>>) src(%arg15 : memref<80x128xf32, #tpu.memory_space<vmem>>) dst(%dma_wait3A_149 : memref<10240x128xf32, #tpu.memory_space<vmem_shared>>)
      %add3A_150 = arith.constant 4 : i32
      %add3A_151 = arith.addi %add3A_105, %add3A_150 : i32
      %add3A_152 = arith.constant 1 : i32
      %add3A_153 = arith.addi %add3A_151, %add3A_152 : i32
      %mul3A_154 = arith.constant 80 : i32
      %mul3A_155 = arith.muli %add3A_153, %mul3A_154 : i32
      %add3A_156 = arith.addi %mul3A_2, %mul3A_155 : i32
      %dma_start3A_157 = tpu.memref_slice %arg3[%add3A_156] : memref<320000xi32, #tpu.memory_space<hbm>> -> memref<80xi32, #tpu.memory_space<hbm>>
      %dma_start3A_158 = tpu.memref_slice %arg3[%add3A_156] : memref<320000xi32, #tpu.memory_space<hbm>> -> memref<80xi32, #tpu.memory_space<hbm>>
      tpu.enqueue_dma source(%dma_start3A_158 : memref<80xi32, #tpu.memory_space<hbm>>) target(%arg7 : memref<80xi32, #tpu.memory_space<vmem>>) target_semaphore(%arg20 : memref<!tpu.dma_semaphore, #tpu.memory_space<semaphore_mem>>)
      %mul3A_159 = arith.constant 80 : i32
      %mul3A_160 = arith.muli %add3A_153, %mul3A_159 : i32
      %add3A_161 = arith.addi %mul3A_2, %mul3A_160 : i32
      %dma_start3A_162 = tpu.memref_slice %arg4[%add3A_161] : memref<320000xi32, #tpu.memory_space<hbm>> -> memref<80xi32, #tpu.memory_space<hbm>>
      %dma_start3A_163 = tpu.memref_slice %arg4[%add3A_161] : memref<320000xi32, #tpu.memory_space<hbm>> -> memref<80xi32, #tpu.memory_space<hbm>>
      tpu.enqueue_dma source(%dma_start3A_163 : memref<80xi32, #tpu.memory_space<hbm>>) target(%arg11 : memref<80xi32, #tpu.memory_space<vmem>>) target_semaphore(%arg20 : memref<!tpu.dma_semaphore, #tpu.memory_space<semaphore_mem>>)
      %dma_wait3A_164 = arith.constant 0 : i32
      %dma_wait3A_165 = arith.constant 0 : i32
      %dma_wait3A_166 = tpu.memref_slice %arg18[%dma_wait3A_164, %dma_wait3A_165] : memref<10240x128xf32, #tpu.memory_space<vmem_shared>> -> memref<10240x128xf32, #tpu.memory_space<vmem_shared>>
      tpu.wait_indirect_dma semaphore(%arg21 : memref<!tpu.dma_semaphore, #tpu.memory_space<semaphore_mem>>) src(%arg16 : memref<80x128xf32, #tpu.memory_space<vmem>>) dst(%dma_wait3A_166 : memref<10240x128xf32, #tpu.memory_space<vmem_shared>>)
      %add3A_167 = arith.constant 4 : i32
      %add3A_168 = arith.addi %add3A_105, %add3A_167 : i32
      %add3A_169 = arith.constant 2 : i32
      %add3A_170 = arith.addi %add3A_168, %add3A_169 : i32
      %mul3A_171 = arith.constant 80 : i32
      %mul3A_172 = arith.muli %add3A_170, %mul3A_171 : i32
      %add3A_173 = arith.addi %mul3A_2, %mul3A_172 : i32
      %dma_start3A_174 = tpu.memref_slice %arg3[%add3A_173] : memref<320000xi32, #tpu.memory_space<hbm>> -> memref<80xi32, #tpu.memory_space<hbm>>
      %dma_start3A_175 = tpu.memref_slice %arg3[%add3A_173] : memref<320000xi32, #tpu.memory_space<hbm>> -> memref<80xi32, #tpu.memory_space<hbm>>
      tpu.enqueue_dma source(%dma_start3A_175 : memref<80xi32, #tpu.memory_space<hbm>>) target(%arg8 : memref<80xi32, #tpu.memory_space<vmem>>) target_semaphore(%arg20 : memref<!tpu.dma_semaphore, #tpu.memory_space<semaphore_mem>>)
      %mul3A_176 = arith.constant 80 : i32
      %mul3A_177 = arith.muli %add3A_170, %mul3A_176 : i32
      %add3A_178 = arith.addi %mul3A_2, %mul3A_177 : i32
      %dma_start3A_179 = tpu.memref_slice %arg4[%add3A_178] : memref<320000xi32, #tpu.memory_space<hbm>> -> memref<80xi32, #tpu.memory_space<hbm>>
      %dma_start3A_180 = tpu.memref_slice %arg4[%add3A_178] : memref<320000xi32, #tpu.memory_space<hbm>> -> memref<80xi32, #tpu.memory_space<hbm>>
      tpu.enqueue_dma source(%dma_start3A_180 : memref<80xi32, #tpu.memory_space<hbm>>) target(%arg12 : memref<80xi32, #tpu.memory_space<vmem>>) target_semaphore(%arg20 : memref<!tpu.dma_semaphore, #tpu.memory_space<semaphore_mem>>)
      %dma_wait3A_181 = arith.constant 0 : i32
      %dma_wait3A_182 = arith.constant 0 : i32
      %dma_wait3A_183 = tpu.memref_slice %arg18[%dma_wait3A_181, %dma_wait3A_182] : memref<10240x128xf32, #tpu.memory_space<vmem_shared>> -> memref<10240x128xf32, #tpu.memory_space<vmem_shared>>
      tpu.wait_indirect_dma semaphore(%arg21 : memref<!tpu.dma_semaphore, #tpu.memory_space<semaphore_mem>>) src(%arg17 : memref<80x128xf32, #tpu.memory_space<vmem>>) dst(%dma_wait3A_183 : memref<10240x128xf32, #tpu.memory_space<vmem_shared>>)
      %add3A_184 = arith.constant 4 : i32
      %add3A_185 = arith.addi %add3A_105, %add3A_184 : i32
      %add3A_186 = arith.constant 3 : i32
      %add3A_187 = arith.addi %add3A_185, %add3A_186 : i32
      %mul3A_188 = arith.constant 80 : i32
      %mul3A_189 = arith.muli %add3A_187, %mul3A_188 : i32
      %add3A_190 = arith.addi %mul3A_2, %mul3A_189 : i32
      %dma_start3A_191 = tpu.memref_slice %arg3[%add3A_190] : memref<320000xi32, #tpu.memory_space<hbm>> -> memref<80xi32, #tpu.memory_space<hbm>>
      %dma_start3A_192 = tpu.memref_slice %arg3[%add3A_190] : memref<320000xi32, #tpu.memory_space<hbm>> -> memref<80xi32, #tpu.memory_space<hbm>>
      tpu.enqueue_dma source(%dma_start3A_192 : memref<80xi32, #tpu.memory_space<hbm>>) target(%arg9 : memref<80xi32, #tpu.memory_space<vmem>>) target_semaphore(%arg20 : memref<!tpu.dma_semaphore, #tpu.memory_space<semaphore_mem>>)
      %mul3A_193 = arith.constant 80 : i32
      %mul3A_194 = arith.muli %add3A_187, %mul3A_193 : i32
      %add3A_195 = arith.addi %mul3A_2, %mul3A_194 : i32
      %dma_start3A_196 = tpu.memref_slice %arg4[%add3A_195] : memref<320000xi32, #tpu.memory_space<hbm>> -> memref<80xi32, #tpu.memory_space<hbm>>
      %dma_start3A_197 = tpu.memref_slice %arg4[%add3A_195] : memref<320000xi32, #tpu.memory_space<hbm>> -> memref<80xi32, #tpu.memory_space<hbm>>
      tpu.enqueue_dma source(%dma_start3A_197 : memref<80xi32, #tpu.memory_space<hbm>>) target(%arg13 : memref<80xi32, #tpu.memory_space<vmem>>) target_semaphore(%arg20 : memref<!tpu.dma_semaphore, #tpu.memory_space<semaphore_mem>>)
      %add3A_198 = arith.constant 4 : i32
      %add3A_199 = arith.addi %add3A_105, %add3A_198 : i32
      %add3A_200 = arith.constant 0 : i32
      %add3A_201 = arith.addi %add3A_199, %add3A_200 : i32
      %mul3A_202 = arith.constant 80 : i32
      %mul3A_203 = arith.muli %add3A_201, %mul3A_202 : i32
      %add3A_204 = arith.addi %mul3A_2, %mul3A_203 : i32
      %dma_wait3A_205 = tpu.memref_slice %arg3[%add3A_204] : memref<320000xi32, #tpu.memory_space<hbm>> -> memref<80xi32, #tpu.memory_space<hbm>>
      %dma_wait3A_206 = tpu.memref_slice %arg3[%add3A_204] : memref<320000xi32, #tpu.memory_space<hbm>> -> memref<80xi32, #tpu.memory_space<hbm>>
      tpu.wait_dma2 semaphore(%arg20 : memref<!tpu.dma_semaphore, #tpu.memory_space<semaphore_mem>>) src(%dma_wait3A_206 : memref<80xi32, #tpu.memory_space<hbm>>) dst(%arg6 : memref<80xi32, #tpu.memory_space<vmem>>)
      %mul3A_207 = arith.constant 80 : i32
      %mul3A_208 = arith.muli %add3A_201, %mul3A_207 : i32
      %add3A_209 = arith.addi %mul3A_2, %mul3A_208 : i32
      %dma_wait3A_210 = tpu.memref_slice %arg4[%add3A_209] : memref<320000xi32, #tpu.memory_space<hbm>> -> memref<80xi32, #tpu.memory_space<hbm>>
      %dma_wait3A_211 = tpu.memref_slice %arg4[%add3A_209] : memref<320000xi32, #tpu.memory_space<hbm>> -> memref<80xi32, #tpu.memory_space<hbm>>
      tpu.wait_dma2 semaphore(%arg20 : memref<!tpu.dma_semaphore, #tpu.memory_space<semaphore_mem>>) src(%dma_wait3A_211 : memref<80xi32, #tpu.memory_space<hbm>>) dst(%arg10 : memref<80xi32, #tpu.memory_space<vmem>>)
      %dma_start3A_212 = arith.constant 0 : i32
      %dma_start3A_213 = arith.constant 0 : i32
      %dma_start3A_214 = tpu.memref_slice %arg2[%dma_start3A_212, %dma_start3A_213] : memref<10240x128xf32, #tpu.memory_space<hbm>> -> memref<10240x128xf32, #tpu.memory_space<hbm>>
      tpu.enqueue_indirect_dma source(%dma_start3A_214 : memref<10240x128xf32, #tpu.memory_space<hbm>>) target(%arg14 : memref<80x128xf32, #tpu.memory_space<vmem>>) offsets(%arg6 : memref<80xi32, #tpu.memory_space<vmem>>) semaphore(%arg19 : memref<!tpu.dma_semaphore, #tpu.memory_space<semaphore_mem>>)
      %add3A_215 = arith.constant 4 : i32
      %add3A_216 = arith.addi %add3A_105, %add3A_215 : i32
      %add3A_217 = arith.constant 1 : i32
      %add3A_218 = arith.addi %add3A_216, %add3A_217 : i32
      %mul3A_219 = arith.constant 80 : i32
      %mul3A_220 = arith.muli %add3A_218, %mul3A_219 : i32
      %add3A_221 = arith.addi %mul3A_2, %mul3A_220 : i32
      %dma_wait3A_222 = tpu.memref_slice %arg3[%add3A_221] : memref<320000xi32, #tpu.memory_space<hbm>> -> memref<80xi32, #tpu.memory_space<hbm>>
      %dma_wait3A_223 = tpu.memref_slice %arg3[%add3A_221] : memref<320000xi32, #tpu.memory_space<hbm>> -> memref<80xi32, #tpu.memory_space<hbm>>
      tpu.wait_dma2 semaphore(%arg20 : memref<!tpu.dma_semaphore, #tpu.memory_space<semaphore_mem>>) src(%dma_wait3A_223 : memref<80xi32, #tpu.memory_space<hbm>>) dst(%arg7 : memref<80xi32, #tpu.memory_space<vmem>>)
      %mul3A_224 = arith.constant 80 : i32
      %mul3A_225 = arith.muli %add3A_218, %mul3A_224 : i32
      %add3A_226 = arith.addi %mul3A_2, %mul3A_225 : i32
      %dma_wait3A_227 = tpu.memref_slice %arg4[%add3A_226] : memref<320000xi32, #tpu.memory_space<hbm>> -> memref<80xi32, #tpu.memory_space<hbm>>
      %dma_wait3A_228 = tpu.memref_slice %arg4[%add3A_226] : memref<320000xi32, #tpu.memory_space<hbm>> -> memref<80xi32, #tpu.memory_space<hbm>>
      tpu.wait_dma2 semaphore(%arg20 : memref<!tpu.dma_semaphore, #tpu.memory_space<semaphore_mem>>) src(%dma_wait3A_228 : memref<80xi32, #tpu.memory_space<hbm>>) dst(%arg11 : memref<80xi32, #tpu.memory_space<vmem>>)
      %dma_start3A_229 = arith.constant 0 : i32
      %dma_start3A_230 = arith.constant 0 : i32
      %dma_start3A_231 = tpu.memref_slice %arg2[%dma_start3A_229, %dma_start3A_230] : memref<10240x128xf32, #tpu.memory_space<hbm>> -> memref<10240x128xf32, #tpu.memory_space<hbm>>
      tpu.enqueue_indirect_dma source(%dma_start3A_231 : memref<10240x128xf32, #tpu.memory_space<hbm>>) target(%arg15 : memref<80x128xf32, #tpu.memory_space<vmem>>) offsets(%arg7 : memref<80xi32, #tpu.memory_space<vmem>>) semaphore(%arg19 : memref<!tpu.dma_semaphore, #tpu.memory_space<semaphore_mem>>)
      %add3A_232 = arith.constant 4 : i32
      %add3A_233 = arith.addi %add3A_105, %add3A_232 : i32
      %add3A_234 = arith.constant 2 : i32
      %add3A_235 = arith.addi %add3A_233, %add3A_234 : i32
      %mul3A_236 = arith.constant 80 : i32
      %mul3A_237 = arith.muli %add3A_235, %mul3A_236 : i32
      %add3A_238 = arith.addi %mul3A_2, %mul3A_237 : i32
      %dma_wait3A_239 = tpu.memref_slice %arg3[%add3A_238] : memref<320000xi32, #tpu.memory_space<hbm>> -> memref<80xi32, #tpu.memory_space<hbm>>
      %dma_wait3A_240 = tpu.memref_slice %arg3[%add3A_238] : memref<320000xi32, #tpu.memory_space<hbm>> -> memref<80xi32, #tpu.memory_space<hbm>>
      tpu.wait_dma2 semaphore(%arg20 : memref<!tpu.dma_semaphore, #tpu.memory_space<semaphore_mem>>) src(%dma_wait3A_240 : memref<80xi32, #tpu.memory_space<hbm>>) dst(%arg8 : memref<80xi32, #tpu.memory_space<vmem>>)
      %mul3A_241 = arith.constant 80 : i32
      %mul3A_242 = arith.muli %add3A_235, %mul3A_241 : i32
      %add3A_243 = arith.addi %mul3A_2, %mul3A_242 : i32
      %dma_wait3A_244 = tpu.memref_slice %arg4[%add3A_243] : memref<320000xi32, #tpu.memory_space<hbm>> -> memref<80xi32, #tpu.memory_space<hbm>>
      %dma_wait3A_245 = tpu.memref_slice %arg4[%add3A_243] : memref<320000xi32, #tpu.memory_space<hbm>> -> memref<80xi32, #tpu.memory_space<hbm>>
      tpu.wait_dma2 semaphore(%arg20 : memref<!tpu.dma_semaphore, #tpu.memory_space<semaphore_mem>>) src(%dma_wait3A_245 : memref<80xi32, #tpu.memory_space<hbm>>) dst(%arg12 : memref<80xi32, #tpu.memory_space<vmem>>)
      %dma_start3A_246 = arith.constant 0 : i32
      %dma_start3A_247 = arith.constant 0 : i32
      %dma_start3A_248 = tpu.memref_slice %arg2[%dma_start3A_246, %dma_start3A_247] : memref<10240x128xf32, #tpu.memory_space<hbm>> -> memref<10240x128xf32, #tpu.memory_space<hbm>>
      tpu.enqueue_indirect_dma source(%dma_start3A_248 : memref<10240x128xf32, #tpu.memory_space<hbm>>) target(%arg16 : memref<80x128xf32, #tpu.memory_space<vmem>>) offsets(%arg8 : memref<80xi32, #tpu.memory_space<vmem>>) semaphore(%arg19 : memref<!tpu.dma_semaphore, #tpu.memory_space<semaphore_mem>>)
      %add3A_249 = arith.constant 4 : i32
      %add3A_250 = arith.addi %add3A_105, %add3A_249 : i32
      %add3A_251 = arith.constant 3 : i32
      %add3A_252 = arith.addi %add3A_250, %add3A_251 : i32
      %mul3A_253 = arith.constant 80 : i32
      %mul3A_254 = arith.muli %add3A_252, %mul3A_253 : i32
      %add3A_255 = arith.addi %mul3A_2, %mul3A_254 : i32
      %dma_wait3A_256 = tpu.memref_slice %arg3[%add3A_255] : memref<320000xi32, #tpu.memory_space<hbm>> -> memref<80xi32, #tpu.memory_space<hbm>>
      %dma_wait3A_257 = tpu.memref_slice %arg3[%add3A_255] : memref<320000xi32, #tpu.memory_space<hbm>> -> memref<80xi32, #tpu.memory_space<hbm>>
      tpu.wait_dma2 semaphore(%arg20 : memref<!tpu.dma_semaphore, #tpu.memory_space<semaphore_mem>>) src(%dma_wait3A_257 : memref<80xi32, #tpu.memory_space<hbm>>) dst(%arg9 : memref<80xi32, #tpu.memory_space<vmem>>)
      %mul3A_258 = arith.constant 80 : i32
      %mul3A_259 = arith.muli %add3A_252, %mul3A_258 : i32
      %add3A_260 = arith.addi %mul3A_2, %mul3A_259 : i32
      %dma_wait3A_261 = tpu.memref_slice %arg4[%add3A_260] : memref<320000xi32, #tpu.memory_space<hbm>> -> memref<80xi32, #tpu.memory_space<hbm>>
      %dma_wait3A_262 = tpu.memref_slice %arg4[%add3A_260] : memref<320000xi32, #tpu.memory_space<hbm>> -> memref<80xi32, #tpu.memory_space<hbm>>
      tpu.wait_dma2 semaphore(%arg20 : memref<!tpu.dma_semaphore, #tpu.memory_space<semaphore_mem>>) src(%dma_wait3A_262 : memref<80xi32, #tpu.memory_space<hbm>>) dst(%arg13 : memref<80xi32, #tpu.memory_space<vmem>>)
      %dma_start3A_263 = arith.constant 0 : i32
      %dma_start3A_264 = arith.constant 0 : i32
      %dma_start3A_265 = tpu.memref_slice %arg2[%dma_start3A_263, %dma_start3A_264] : memref<10240x128xf32, #tpu.memory_space<hbm>> -> memref<10240x128xf32, #tpu.memory_space<hbm>>
      tpu.enqueue_indirect_dma source(%dma_start3A_265 : memref<10240x128xf32, #tpu.memory_space<hbm>>) target(%arg17 : memref<80x128xf32, #tpu.memory_space<vmem>>) offsets(%arg9 : memref<80xi32, #tpu.memory_space<vmem>>) semaphore(%arg19 : memref<!tpu.dma_semaphore, #tpu.memory_space<semaphore_mem>>)
    }
    %scan3A_44 = arith.constant 30 : i32
    %dma_wait3A = arith.constant 0 : i32
    %dma_wait3A_45 = arith.constant 0 : i32
    %dma_wait3A_46 = tpu.memref_slice %arg2[%dma_wait3A, %dma_wait3A_45] : memref<10240x128xf32, #tpu.memory_space<hbm>> -> memref<10240x128xf32, #tpu.memory_space<hbm>>
    tpu.wait_indirect_dma semaphore(%arg19 : memref<!tpu.dma_semaphore, #tpu.memory_space<semaphore_mem>>) src(%dma_wait3A_46 : memref<10240x128xf32, #tpu.memory_space<hbm>>) dst(%arg14 : memref<80x128xf32, #tpu.memory_space<vmem>>)
    %dma_start3A_47 = arith.constant 0 : i32
    %dma_start3A_48 = arith.constant 0 : i32
    %dma_start3A_49 = tpu.memref_slice %arg18[%dma_start3A_47, %dma_start3A_48] : memref<10240x128xf32, #tpu.memory_space<vmem_shared>> -> memref<10240x128xf32, #tpu.memory_space<vmem_shared>>
    tpu.enqueue_indirect_dma source(%arg14 : memref<80x128xf32, #tpu.memory_space<vmem>>) target(%dma_start3A_49 : memref<10240x128xf32, #tpu.memory_space<vmem_shared>>) offsets(%arg10 : memref<80xi32, #tpu.memory_space<vmem>>) semaphore(%arg21 : memref<!tpu.dma_semaphore, #tpu.memory_space<semaphore_mem>>) {add = true}
    %dma_wait3A_50 = arith.constant 0 : i32
    %dma_wait3A_51 = arith.constant 0 : i32
    %dma_wait3A_52 = tpu.memref_slice %arg2[%dma_wait3A_50, %dma_wait3A_51] : memref<10240x128xf32, #tpu.memory_space<hbm>> -> memref<10240x128xf32, #tpu.memory_space<hbm>>
    tpu.wait_indirect_dma semaphore(%arg19 : memref<!tpu.dma_semaphore, #tpu.memory_space<semaphore_mem>>) src(%dma_wait3A_52 : memref<10240x128xf32, #tpu.memory_space<hbm>>) dst(%arg15 : memref<80x128xf32, #tpu.memory_space<vmem>>)
    %dma_start3A_53 = arith.constant 0 : i32
    %dma_start3A_54 = arith.constant 0 : i32
    %dma_start3A_55 = tpu.memref_slice %arg18[%dma_start3A_53, %dma_start3A_54] : memref<10240x128xf32, #tpu.memory_space<vmem_shared>> -> memref<10240x128xf32, #tpu.memory_space<vmem_shared>>
    tpu.enqueue_indirect_dma source(%arg15 : memref<80x128xf32, #tpu.memory_space<vmem>>) target(%dma_start3A_55 : memref<10240x128xf32, #tpu.memory_space<vmem_shared>>) offsets(%arg11 : memref<80xi32, #tpu.memory_space<vmem>>) semaphore(%arg21 : memref<!tpu.dma_semaphore, #tpu.memory_space<semaphore_mem>>) {add = true}
    %dma_wait3A_56 = arith.constant 0 : i32
    %dma_wait3A_57 = arith.constant 0 : i32
    %dma_wait3A_58 = tpu.memref_slice %arg2[%dma_wait3A_56, %dma_wait3A_57] : memref<10240x128xf32, #tpu.memory_space<hbm>> -> memref<10240x128xf32, #tpu.memory_space<hbm>>
    tpu.wait_indirect_dma semaphore(%arg19 : memref<!tpu.dma_semaphore, #tpu.memory_space<semaphore_mem>>) src(%dma_wait3A_58 : memref<10240x128xf32, #tpu.memory_space<hbm>>) dst(%arg16 : memref<80x128xf32, #tpu.memory_space<vmem>>)
    %dma_start3A_59 = arith.constant 0 : i32
    %dma_start3A_60 = arith.constant 0 : i32
    %dma_start3A_61 = tpu.memref_slice %arg18[%dma_start3A_59, %dma_start3A_60] : memref<10240x128xf32, #tpu.memory_space<vmem_shared>> -> memref<10240x128xf32, #tpu.memory_space<vmem_shared>>
    tpu.enqueue_indirect_dma source(%arg16 : memref<80x128xf32, #tpu.memory_space<vmem>>) target(%dma_start3A_61 : memref<10240x128xf32, #tpu.memory_space<vmem_shared>>) offsets(%arg12 : memref<80xi32, #tpu.memory_space<vmem>>) semaphore(%arg21 : memref<!tpu.dma_semaphore, #tpu.memory_space<semaphore_mem>>) {add = true}
    %dma_wait3A_62 = arith.constant 0 : i32
    %dma_wait3A_63 = arith.constant 0 : i32
    %dma_wait3A_64 = tpu.memref_slice %arg2[%dma_wait3A_62, %dma_wait3A_63] : memref<10240x128xf32, #tpu.memory_space<hbm>> -> memref<10240x128xf32, #tpu.memory_space<hbm>>
    tpu.wait_indirect_dma semaphore(%arg19 : memref<!tpu.dma_semaphore, #tpu.memory_space<semaphore_mem>>) src(%dma_wait3A_64 : memref<10240x128xf32, #tpu.memory_space<hbm>>) dst(%arg17 : memref<80x128xf32, #tpu.memory_space<vmem>>)
    %dma_start3A_65 = arith.constant 0 : i32
    %dma_start3A_66 = arith.constant 0 : i32
    %dma_start3A_67 = tpu.memref_slice %arg18[%dma_start3A_65, %dma_start3A_66] : memref<10240x128xf32, #tpu.memory_space<vmem_shared>> -> memref<10240x128xf32, #tpu.memory_space<vmem_shared>>
    tpu.enqueue_indirect_dma source(%arg17 : memref<80x128xf32, #tpu.memory_space<vmem>>) target(%dma_start3A_67 : memref<10240x128xf32, #tpu.memory_space<vmem_shared>>) offsets(%arg13 : memref<80xi32, #tpu.memory_space<vmem>>) semaphore(%arg21 : memref<!tpu.dma_semaphore, #tpu.memory_space<semaphore_mem>>) {add = true}
    %dma_wait3A_68 = arith.constant 0 : i32
    %dma_wait3A_69 = arith.constant 0 : i32
    %dma_wait3A_70 = tpu.memref_slice %arg18[%dma_wait3A_68, %dma_wait3A_69] : memref<10240x128xf32, #tpu.memory_space<vmem_shared>> -> memref<10240x128xf32, #tpu.memory_space<vmem_shared>>
    tpu.wait_indirect_dma semaphore(%arg21 : memref<!tpu.dma_semaphore, #tpu.memory_space<semaphore_mem>>) src(%arg14 : memref<80x128xf32, #tpu.memory_space<vmem>>) dst(%dma_wait3A_70 : memref<10240x128xf32, #tpu.memory_space<vmem_shared>>)
    %add3A_71 = arith.constant 9920 : i32
    %add3A_72 = arith.addi %mul3A_2, %add3A_71 : i32
    "tpu.region"() ({
      %run_scoped3A = tpu.sem_alloc : memref<!tpu.dma_semaphore, #tpu.memory_space<semaphore_mem>>
      %dma_start3A_101 = tpu.memref_slice %arg3[%add3A_72] : memref<320000xi32, #tpu.memory_space<hbm>> -> memref<80xi32, #tpu.memory_space<hbm>>
      %dma_start3A_102 = tpu.memref_slice %arg3[%add3A_72] : memref<320000xi32, #tpu.memory_space<hbm>> -> memref<80xi32, #tpu.memory_space<hbm>>
      tpu.enqueue_dma source(%dma_start3A_102 : memref<80xi32, #tpu.memory_space<hbm>>) target(%arg6 : memref<80xi32, #tpu.memory_space<vmem>>) target_semaphore(%run_scoped3A : memref<!tpu.dma_semaphore, #tpu.memory_space<semaphore_mem>>)
      %dma_wait3A_103 = tpu.memref_slice %arg3[%add3A_72] : memref<320000xi32, #tpu.memory_space<hbm>> -> memref<80xi32, #tpu.memory_space<hbm>>
      %dma_wait3A_104 = tpu.memref_slice %arg3[%add3A_72] : memref<320000xi32, #tpu.memory_space<hbm>> -> memref<80xi32, #tpu.memory_space<hbm>>
      tpu.wait_dma2 semaphore(%run_scoped3A : memref<!tpu.dma_semaphore, #tpu.memory_space<semaphore_mem>>) src(%dma_wait3A_104 : memref<80xi32, #tpu.memory_space<hbm>>) dst(%arg6 : memref<80xi32, #tpu.memory_space<vmem>>)
      tpu.yield
    }) : () -> ()
    %add3A_73 = arith.constant 9920 : i32
    %add3A_74 = arith.addi %mul3A_2, %add3A_73 : i32
    "tpu.region"() ({
      %run_scoped3A = tpu.sem_alloc : memref<!tpu.dma_semaphore, #tpu.memory_space<semaphore_mem>>
      %dma_start3A_101 = tpu.memref_slice %arg4[%add3A_74] : memref<320000xi32, #tpu.memory_space<hbm>> -> memref<80xi32, #tpu.memory_space<hbm>>
      %dma_start3A_102 = tpu.memref_slice %arg4[%add3A_74] : memref<320000xi32, #tpu.memory_space<hbm>> -> memref<80xi32, #tpu.memory_space<hbm>>
      tpu.enqueue_dma source(%dma_start3A_102 : memref<80xi32, #tpu.memory_space<hbm>>) target(%arg10 : memref<80xi32, #tpu.memory_space<vmem>>) target_semaphore(%run_scoped3A : memref<!tpu.dma_semaphore, #tpu.memory_space<semaphore_mem>>)
      %dma_wait3A_103 = tpu.memref_slice %arg4[%add3A_74] : memref<320000xi32, #tpu.memory_space<hbm>> -> memref<80xi32, #tpu.memory_space<hbm>>
      %dma_wait3A_104 = tpu.memref_slice %arg4[%add3A_74] : memref<320000xi32, #tpu.memory_space<hbm>> -> memref<80xi32, #tpu.memory_space<hbm>>
      tpu.wait_dma2 semaphore(%run_scoped3A : memref<!tpu.dma_semaphore, #tpu.memory_space<semaphore_mem>>) src(%dma_wait3A_104 : memref<80xi32, #tpu.memory_space<hbm>>) dst(%arg10 : memref<80xi32, #tpu.memory_space<vmem>>)
      tpu.yield
    }) : () -> ()
    %dma_start3A_75 = arith.constant 0 : i32
    %dma_start3A_76 = arith.constant 0 : i32
    %dma_start3A_77 = tpu.memref_slice %arg2[%dma_start3A_75, %dma_start3A_76] : memref<10240x128xf32, #tpu.memory_space<hbm>> -> memref<10240x128xf32, #tpu.memory_space<hbm>>
    tpu.enqueue_indirect_dma source(%dma_start3A_77 : memref<10240x128xf32, #tpu.memory_space<hbm>>) target(%arg14 : memref<80x128xf32, #tpu.memory_space<vmem>>) offsets(%arg6 : memref<80xi32, #tpu.memory_space<vmem>>) semaphore(%arg19 : memref<!tpu.dma_semaphore, #tpu.memory_space<semaphore_mem>>)
    %dma_wait3A_78 = arith.constant 0 : i32
    %dma_wait3A_79 = arith.constant 0 : i32
    %dma_wait3A_80 = tpu.memref_slice %arg2[%dma_wait3A_78, %dma_wait3A_79] : memref<10240x128xf32, #tpu.memory_space<hbm>> -> memref<10240x128xf32, #tpu.memory_space<hbm>>
    tpu.wait_indirect_dma semaphore(%arg19 : memref<!tpu.dma_semaphore, #tpu.memory_space<semaphore_mem>>) src(%dma_wait3A_80 : memref<10240x128xf32, #tpu.memory_space<hbm>>) dst(%arg14 : memref<80x128xf32, #tpu.memory_space<vmem>>)
    %dma_start3A_81 = arith.constant 0 : i32
    %dma_start3A_82 = arith.constant 0 : i32
    %dma_start3A_83 = tpu.memref_slice %arg18[%dma_start3A_81, %dma_start3A_82] : memref<10240x128xf32, #tpu.memory_space<vmem_shared>> -> memref<10240x128xf32, #tpu.memory_space<vmem_shared>>
    tpu.enqueue_indirect_dma source(%arg14 : memref<80x128xf32, #tpu.memory_space<vmem>>) target(%dma_start3A_83 : memref<10240x128xf32, #tpu.memory_space<vmem_shared>>) offsets(%arg10 : memref<80xi32, #tpu.memory_space<vmem>>) semaphore(%arg21 : memref<!tpu.dma_semaphore, #tpu.memory_space<semaphore_mem>>) {add = true}
    %dma_wait3A_84 = arith.constant 0 : i32
    %dma_wait3A_85 = arith.constant 0 : i32
    %dma_wait3A_86 = tpu.memref_slice %arg18[%dma_wait3A_84, %dma_wait3A_85] : memref<10240x128xf32, #tpu.memory_space<vmem_shared>> -> memref<10240x128xf32, #tpu.memory_space<vmem_shared>>
    tpu.wait_indirect_dma semaphore(%arg21 : memref<!tpu.dma_semaphore, #tpu.memory_space<semaphore_mem>>) src(%arg14 : memref<80x128xf32, #tpu.memory_space<vmem>>) dst(%dma_wait3A_86 : memref<10240x128xf32, #tpu.memory_space<vmem_shared>>)
    %dma_wait3A_87 = arith.constant 0 : i32
    %dma_wait3A_88 = arith.constant 0 : i32
    %dma_wait3A_89 = tpu.memref_slice %arg18[%dma_wait3A_87, %dma_wait3A_88] : memref<10240x128xf32, #tpu.memory_space<vmem_shared>> -> memref<10240x128xf32, #tpu.memory_space<vmem_shared>>
    tpu.wait_indirect_dma semaphore(%arg21 : memref<!tpu.dma_semaphore, #tpu.memory_space<semaphore_mem>>) src(%arg15 : memref<80x128xf32, #tpu.memory_space<vmem>>) dst(%dma_wait3A_89 : memref<10240x128xf32, #tpu.memory_space<vmem_shared>>)
    %dma_wait3A_90 = arith.constant 0 : i32
    %dma_wait3A_91 = arith.constant 0 : i32
    %dma_wait3A_92 = tpu.memref_slice %arg18[%dma_wait3A_90, %dma_wait3A_91] : memref<10240x128xf32, #tpu.memory_space<vmem_shared>> -> memref<10240x128xf32, #tpu.memory_space<vmem_shared>>
    tpu.wait_indirect_dma semaphore(%arg21 : memref<!tpu.dma_semaphore, #tpu.memory_space<semaphore_mem>>) src(%arg16 : memref<80x128xf32, #tpu.memory_space<vmem>>) dst(%dma_wait3A_92 : memref<10240x128xf32, #tpu.memory_space<vmem_shared>>)
    %dma_wait3A_93 = arith.constant 0 : i32
    %dma_wait3A_94 = arith.constant 0 : i32
    %dma_wait3A_95 = tpu.memref_slice %arg18[%dma_wait3A_93, %dma_wait3A_94] : memref<10240x128xf32, #tpu.memory_space<vmem_shared>> -> memref<10240x128xf32, #tpu.memory_space<vmem_shared>>
    tpu.wait_indirect_dma semaphore(%arg21 : memref<!tpu.dma_semaphore, #tpu.memory_space<semaphore_mem>>) src(%arg17 : memref<80x128xf32, #tpu.memory_space<vmem>>) dst(%dma_wait3A_95 : memref<10240x128xf32, #tpu.memory_space<vmem_shared>>)
    %barrier3A_96 = arith.constant 0 : index
    tpu.barrier barrier_id(%barrier3A_96)
    %mul3A_97 = arith.constant 640 : i32
    %mul3A_98 = arith.muli %arg1, %mul3A_97 : i32
    %mul3A_99 = arith.constant 640 : i32
    %mul3A_100 = arith.muli %arg1, %mul3A_99 : i32
    "tpu.region"() ({
      %run_scoped3A = tpu.sem_alloc : memref<!tpu.dma_semaphore, #tpu.memory_space<semaphore_mem>>
      %dma_start3A_101 = arith.constant 0 : i32
      %dma_start3A_102 = tpu.memref_slice %arg5[%arg0, %mul3A_100, %dma_start3A_101] : memref<2x10240x128xf32, #tpu.memory_space<hbm>> -> memref<1x640x128xf32, #tpu.memory_space<hbm>>
      %dma_start3A_103 = tpu.memref_squeeze %dma_start3A_102 : memref<1x640x128xf32, #tpu.memory_space<hbm>> -> memref<640x128xf32, #tpu.memory_space<hbm>>
      %dma_start3A_104 = arith.constant 0 : i32
      %dma_start3A_105 = tpu.memref_slice %arg18[%mul3A_98, %dma_start3A_104] : memref<10240x128xf32, #tpu.memory_space<vmem_shared>> -> memref<640x128xf32, #tpu.memory_space<vmem_shared>>
      tpu.enqueue_dma source(%dma_start3A_105 : memref<640x128xf32, #tpu.memory_space<vmem_shared>>) target(%dma_start3A_103 : memref<640x128xf32, #tpu.memory_space<hbm>>) target_semaphore(%run_scoped3A : memref<!tpu.dma_semaphore, #tpu.memory_space<semaphore_mem>>)
      %dma_wait3A_106 = arith.constant 0 : i32
      %dma_wait3A_107 = tpu.memref_slice %arg5[%arg0, %mul3A_100, %dma_wait3A_106] : memref<2x10240x128xf32, #tpu.memory_space<hbm>> -> memref<1x640x128xf32, #tpu.memory_space<hbm>>
      %dma_wait3A_108 = tpu.memref_squeeze %dma_wait3A_107 : memref<1x640x128xf32, #tpu.memory_space<hbm>> -> memref<640x128xf32, #tpu.memory_space<hbm>>
      %dma_wait3A_109 = arith.constant 0 : i32
      %dma_wait3A_110 = tpu.memref_slice %arg18[%mul3A_98, %dma_wait3A_109] : memref<10240x128xf32, #tpu.memory_space<vmem_shared>> -> memref<640x128xf32, #tpu.memory_space<vmem_shared>>
      tpu.wait_dma2 semaphore(%run_scoped3A : memref<!tpu.dma_semaphore, #tpu.memory_space<semaphore_mem>>) src(%dma_wait3A_110 : memref<640x128xf32, #tpu.memory_space<vmem_shared>>) dst(%dma_wait3A_108 : memref<640x128xf32, #tpu.memory_space<hbm>>)
      tpu.yield
    }) : () -> ()
    return
  }
}

#map = affine_map<(d0, d1) -> (0, 0, 0)>
module attributes {stable_mosaic.version = 14 : i64} {
  func.func @_deg_body(%arg0: i32, %arg1: i32, %arg2: memref<32x80x128xi32, #tpu.memory_space<hbm>>, %arg3: memref<2x10240x128xf32, #tpu.memory_space<hbm>>, %arg4: memref<40x128xi32, #tpu.memory_space<vmem>>, %arg5: memref<128x128xf32, #tpu.memory_space<vmem>>, %arg6: memref<10240x128xf32, #tpu.memory_space<vmem_shared>>, %arg7: memref<!tpu.dma_semaphore, #tpu.memory_space<semaphore_mem>>) attributes {dimension_semantics = [#tpu.dimension_semantics<core_parallel>, #tpu.dimension_semantics<subcore_parallel>], iteration_bounds = array<i64: 2, 16>, scalar_prefetch = 0 : i64, scratch_operands = 4 : i64, tpu.core_type = #tpu.core_type<sc_vector_subcore>, window_params = [{transform_indices = #map}, {transform_indices = #map}]} {
    %mul3A = arith.constant 2 : i32
    %mul3A_0 = arith.muli %arg1, %mul3A : i32
    %add3A = arith.addi %mul3A_0, %arg0 : i32
    %broadcast_in_dim3A = arith.constant 0.000000e+00 : f32
    %broadcast_in_dim3A_1 = vector.broadcast %broadcast_in_dim3A : f32 to vector<16xf32>
    %broadcast_in_dim3A_2 = arith.constant 1.000000e+00 : f32
    %broadcast_in_dim3A_3 = vector.broadcast %broadcast_in_dim3A_2 : f32 to vector<16xf32>
    %scan3A = arith.constant 0 : i32
    %scan3A_4 = arith.constant 128 : i32
    %scan3A_5 = arith.addi %scan3A, %scan3A_4 : i32
    %scan3A_6 = arith.constant 1 : i32
    scf.for %scan3A_33 = %scan3A to %scan3A_5 step %scan3A_6  : i32 {
      %mul3A_34 = arith.constant 1 : i32
      %mul3A_35 = arith.muli %scan3A_33, %mul3A_34 : i32
      %add3A_36 = arith.constant 0 : i32
      %add3A_37 = arith.addi %add3A_36, %mul3A_35 : i32
      %scan3A_38 = arith.constant 0 : i32
      %scan3A_39 = arith.constant 8 : i32
      %scan3A_40 = arith.addi %scan3A_38, %scan3A_39 : i32
      %scan3A_41 = arith.constant 1 : i32
      scf.for %scan3A_43 = %scan3A_38 to %scan3A_40 step %scan3A_41  : i32 {
        %mul3A_44 = arith.constant 1 : i32
        %mul3A_45 = arith.muli %scan3A_43, %mul3A_44 : i32
        %add3A_46 = arith.constant 0 : i32
        %add3A_47 = arith.addi %add3A_46, %mul3A_45 : i32
        %mul3A_48 = arith.constant 16 : i32
        %mul3A_49 = arith.muli %add3A_47, %mul3A_48 : i32
        %swap3A = arith.index_cast %add3A_37 : i32 to index
        %swap3A_50 = arith.index_cast %mul3A_49 : i32 to index
        %swap3A_51 = tpu.vector_load %arg5[%swap3A, %swap3A_50] {strides = array<i32>} : memref<128x128xf32, #tpu.memory_space<vmem>>, vector<1x16xf32>,
        %swap3A_52 = vector.shape_cast %swap3A_51 : vector<1x16xf32> to vector<16xf32>
        %swap3A_53 = vector.shape_cast %broadcast_in_dim3A_1 : vector<16xf32> to vector<1x16xf32>
        tpu.vector_store %arg5[%swap3A, %swap3A_50], %swap3A_53 {strides = array<i32>} : memref<128x128xf32, #tpu.memory_space<vmem>>, vector<1x16xf32>,
      }
      %scan3A_42 = arith.constant 8 : i32
    }
    %scan3A_7 = arith.constant 128 : i32
    %scan3A_8 = arith.constant 0 : i32
    %scan3A_9 = arith.constant 5 : i32
    %scan3A_10 = arith.addi %scan3A_8, %scan3A_9 : i32
    %scan3A_11 = arith.constant 1 : i32
    scf.for %scan3A_33 = %scan3A_8 to %scan3A_10 step %scan3A_11  : i32 {
      %mul3A_34 = arith.constant 1 : i32
      %mul3A_35 = arith.muli %scan3A_33, %mul3A_34 : i32
      %add3A_36 = arith.constant 0 : i32
      %add3A_37 = arith.addi %add3A_36, %mul3A_35 : i32
      %mul3A_38 = arith.constant 640 : i32
      %mul3A_39 = arith.muli %arg1, %mul3A_38 : i32
      %mul3A_40 = arith.constant 128 : i32
      %mul3A_41 = arith.muli %add3A_37, %mul3A_40 : i32
      %add3A_42 = arith.addi %mul3A_39, %mul3A_41 : i32
      "tpu.region"() ({
        %run_scoped3A = tpu.sem_alloc : memref<!tpu.dma_semaphore, #tpu.memory_space<semaphore_mem>>
        %dma_start3A = arith.constant 0 : i32
        %dma_start3A_43 = tpu.memref_slice %arg6[%add3A_42, %dma_start3A] : memref<10240x128xf32, #tpu.memory_space<vmem_shared>> -> memref<128x128xf32, #tpu.memory_space<vmem_shared>>
        %dma_start3A_44 = arith.constant 0 : i32
        %dma_start3A_45 = tpu.memref_slice %arg6[%add3A_42, %dma_start3A_44] : memref<10240x128xf32, #tpu.memory_space<vmem_shared>> -> memref<128x128xf32, #tpu.memory_space<vmem_shared>>
        tpu.enqueue_dma source(%arg5 : memref<128x128xf32, #tpu.memory_space<vmem>>) target(%dma_start3A_45 : memref<128x128xf32, #tpu.memory_space<vmem_shared>>) target_semaphore(%run_scoped3A : memref<!tpu.dma_semaphore, #tpu.memory_space<semaphore_mem>>)
        %dma_wait3A = arith.constant 0 : i32
        %dma_wait3A_46 = tpu.memref_slice %arg6[%add3A_42, %dma_wait3A] : memref<10240x128xf32, #tpu.memory_space<vmem_shared>> -> memref<128x128xf32, #tpu.memory_space<vmem_shared>>
        %dma_wait3A_47 = arith.constant 0 : i32
        %dma_wait3A_48 = tpu.memref_slice %arg6[%add3A_42, %dma_wait3A_47] : memref<10240x128xf32, #tpu.memory_space<vmem_shared>> -> memref<128x128xf32, #tpu.memory_space<vmem_shared>>
        tpu.wait_dma2 semaphore(%run_scoped3A : memref<!tpu.dma_semaphore, #tpu.memory_space<semaphore_mem>>) src(%arg5 : memref<128x128xf32, #tpu.memory_space<vmem>>) dst(%dma_wait3A_48 : memref<128x128xf32, #tpu.memory_space<vmem_shared>>)
        tpu.yield
      }) : () -> ()
    }
    %scan3A_12 = arith.constant 5 : i32
    %scan3A_13 = arith.constant 0 : i32
    %scan3A_14 = arith.constant 128 : i32
    %scan3A_15 = arith.addi %scan3A_13, %scan3A_14 : i32
    %scan3A_16 = arith.constant 1 : i32
    scf.for %scan3A_33 = %scan3A_13 to %scan3A_15 step %scan3A_16  : i32 {
      %mul3A_34 = arith.constant 1 : i32
      %mul3A_35 = arith.muli %scan3A_33, %mul3A_34 : i32
      %add3A_36 = arith.constant 0 : i32
      %add3A_37 = arith.addi %add3A_36, %mul3A_35 : i32
      %scan3A_38 = arith.constant 0 : i32
      %scan3A_39 = arith.constant 8 : i32
      %scan3A_40 = arith.addi %scan3A_38, %scan3A_39 : i32
      %scan3A_41 = arith.constant 1 : i32
      scf.for %scan3A_43 = %scan3A_38 to %scan3A_40 step %scan3A_41  : i32 {
        %mul3A_44 = arith.constant 1 : i32
        %mul3A_45 = arith.muli %scan3A_43, %mul3A_44 : i32
        %add3A_46 = arith.constant 0 : i32
        %add3A_47 = arith.addi %add3A_46, %mul3A_45 : i32
        %mul3A_48 = arith.constant 16 : i32
        %mul3A_49 = arith.muli %add3A_47, %mul3A_48 : i32
        %swap3A = arith.index_cast %add3A_37 : i32 to index
        %swap3A_50 = arith.index_cast %mul3A_49 : i32 to index
        %swap3A_51 = tpu.vector_load %arg5[%swap3A, %swap3A_50] {strides = array<i32>} : memref<128x128xf32, #tpu.memory_space<vmem>>, vector<1x16xf32>,
        %swap3A_52 = vector.shape_cast %swap3A_51 : vector<1x16xf32> to vector<16xf32>
        %swap3A_53 = vector.shape_cast %broadcast_in_dim3A_3 : vector<16xf32> to vector<1x16xf32>
        tpu.vector_store %arg5[%swap3A, %swap3A_50], %swap3A_53 {strides = array<i32>} : memref<128x128xf32, #tpu.memory_space<vmem>>, vector<1x16xf32>,
      }
      %scan3A_42 = arith.constant 8 : i32
    }
    %scan3A_17 = arith.constant 128 : i32
    %barrier3A = arith.constant 0 : index
    tpu.barrier barrier_id(%barrier3A)
    "tpu.region"() ({
      %run_scoped3A = tpu.sem_alloc : memref<!tpu.dma_semaphore, #tpu.memory_space<semaphore_mem>>
      %dma_start3A = arith.constant 0 : i32
      %dma_start3A_33 = arith.constant 0 : i32
      %dma_start3A_34 = tpu.memref_slice %arg2[%add3A, %dma_start3A, %dma_start3A_33] : memref<32x80x128xi32, #tpu.memory_space<hbm>> -> memref<1x40x128xi32, #tpu.memory_space<hbm>>
      %dma_start3A_35 = tpu.memref_squeeze %dma_start3A_34 : memref<1x40x128xi32, #tpu.memory_space<hbm>> -> memref<40x128xi32, #tpu.memory_space<hbm>>
      %dma_start3A_36 = arith.constant 0 : i32
      %dma_start3A_37 = arith.constant 0 : i32
      %dma_start3A_38 = tpu.memref_slice %arg2[%add3A, %dma_start3A_36, %dma_start3A_37] : memref<32x80x128xi32, #tpu.memory_space<hbm>> -> memref<1x40x128xi32, #tpu.memory_space<hbm>>
      %dma_start3A_39 = tpu.memref_squeeze %dma_start3A_38 : memref<1x40x128xi32, #tpu.memory_space<hbm>> -> memref<40x128xi32, #tpu.memory_space<hbm>>
      tpu.enqueue_dma source(%dma_start3A_39 : memref<40x128xi32, #tpu.memory_space<hbm>>) target(%arg4 : memref<40x128xi32, #tpu.memory_space<vmem>>) target_semaphore(%run_scoped3A : memref<!tpu.dma_semaphore, #tpu.memory_space<semaphore_mem>>)
      %dma_wait3A = arith.constant 0 : i32
      %dma_wait3A_40 = arith.constant 0 : i32
      %dma_wait3A_41 = tpu.memref_slice %arg2[%add3A, %dma_wait3A, %dma_wait3A_40] : memref<32x80x128xi32, #tpu.memory_space<hbm>> -> memref<1x40x128xi32, #tpu.memory_space<hbm>>
      %dma_wait3A_42 = tpu.memref_squeeze %dma_wait3A_41 : memref<1x40x128xi32, #tpu.memory_space<hbm>> -> memref<40x128xi32, #tpu.memory_space<hbm>>
      %dma_wait3A_43 = arith.constant 0 : i32
      %dma_wait3A_44 = arith.constant 0 : i32
      %dma_wait3A_45 = tpu.memref_slice %arg2[%add3A, %dma_wait3A_43, %dma_wait3A_44] : memref<32x80x128xi32, #tpu.memory_space<hbm>> -> memref<1x40x128xi32, #tpu.memory_space<hbm>>
      %dma_wait3A_46 = tpu.memref_squeeze %dma_wait3A_45 : memref<1x40x128xi32, #tpu.memory_space<hbm>> -> memref<40x128xi32, #tpu.memory_space<hbm>>
      tpu.wait_dma2 semaphore(%run_scoped3A : memref<!tpu.dma_semaphore, #tpu.memory_space<semaphore_mem>>) src(%dma_wait3A_46 : memref<40x128xi32, #tpu.memory_space<hbm>>) dst(%arg4 : memref<40x128xi32, #tpu.memory_space<vmem>>)
      tpu.yield
    }) : () -> ()
    %scan3A_18 = arith.constant 0 : i32
    %scan3A_19 = arith.constant 5 : i32
    %scan3A_20 = arith.addi %scan3A_18, %scan3A_19 : i32
    %scan3A_21 = arith.constant 1 : i32
    scf.for %scan3A_33 = %scan3A_18 to %scan3A_20 step %scan3A_21  : i32 {
      %mul3A_34 = arith.constant 8 : i32
      %mul3A_35 = arith.muli %scan3A_33, %mul3A_34 : i32
      %add3A_36 = arith.constant 0 : i32
      %add3A_37 = arith.addi %add3A_36, %mul3A_35 : i32
      %add3A_38 = arith.constant 0 : i32
      %add3A_39 = arith.addi %add3A_37, %add3A_38 : i32
      %dma_start3A = arith.constant 0 : i32
      %dma_start3A_40 = tpu.memref_slice %arg4[%add3A_39, %dma_start3A] : memref<40x128xi32, #tpu.memory_space<vmem>> -> memref<1x128xi32, #tpu.memory_space<vmem>>
      %dma_start3A_41 = tpu.memref_squeeze %dma_start3A_40 : memref<1x128xi32, #tpu.memory_space<vmem>> -> memref<128xi32, #tpu.memory_space<vmem>>
      %dma_start3A_42 = arith.constant 0 : i32
      %dma_start3A_43 = arith.constant 0 : i32
      %dma_start3A_44 = tpu.memref_slice %arg6[%dma_start3A_42, %dma_start3A_43] : memref<10240x128xf32, #tpu.memory_space<vmem_shared>> -> memref<10240x128xf32, #tpu.memory_space<vmem_shared>>
      tpu.enqueue_indirect_dma source(%arg5 : memref<128x128xf32, #tpu.memory_space<vmem>>) target(%dma_start3A_44 : memref<10240x128xf32, #tpu.memory_space<vmem_shared>>) offsets(%dma_start3A_41 : memref<128xi32, #tpu.memory_space<vmem>>) semaphore(%arg7 : memref<!tpu.dma_semaphore, #tpu.memory_space<semaphore_mem>>) {add = true}
      %add3A_45 = arith.constant 1 : i32
      %add3A_46 = arith.addi %add3A_37, %add3A_45 : i32
      %dma_start3A_47 = arith.constant 0 : i32
      %dma_start3A_48 = tpu.memref_slice %arg4[%add3A_46, %dma_start3A_47] : memref<40x128xi32, #tpu.memory_space<vmem>> -> memref<1x128xi32, #tpu.memory_space<vmem>>
      %dma_start3A_49 = tpu.memref_squeeze %dma_start3A_48 : memref<1x128xi32, #tpu.memory_space<vmem>> -> memref<128xi32, #tpu.memory_space<vmem>>
      %dma_start3A_50 = arith.constant 0 : i32
      %dma_start3A_51 = arith.constant 0 : i32
      %dma_start3A_52 = tpu.memref_slice %arg6[%dma_start3A_50, %dma_start3A_51] : memref<10240x128xf32, #tpu.memory_space<vmem_shared>> -> memref<10240x128xf32, #tpu.memory_space<vmem_shared>>
      tpu.enqueue_indirect_dma source(%arg5 : memref<128x128xf32, #tpu.memory_space<vmem>>) target(%dma_start3A_52 : memref<10240x128xf32, #tpu.memory_space<vmem_shared>>) offsets(%dma_start3A_49 : memref<128xi32, #tpu.memory_space<vmem>>) semaphore(%arg7 : memref<!tpu.dma_semaphore, #tpu.memory_space<semaphore_mem>>) {add = true}
      %add3A_53 = arith.constant 2 : i32
      %add3A_54 = arith.addi %add3A_37, %add3A_53 : i32
      %dma_start3A_55 = arith.constant 0 : i32
      %dma_start3A_56 = tpu.memref_slice %arg4[%add3A_54, %dma_start3A_55] : memref<40x128xi32, #tpu.memory_space<vmem>> -> memref<1x128xi32, #tpu.memory_space<vmem>>
      %dma_start3A_57 = tpu.memref_squeeze %dma_start3A_56 : memref<1x128xi32, #tpu.memory_space<vmem>> -> memref<128xi32, #tpu.memory_space<vmem>>
      %dma_start3A_58 = arith.constant 0 : i32
      %dma_start3A_59 = arith.constant 0 : i32
      %dma_start3A_60 = tpu.memref_slice %arg6[%dma_start3A_58, %dma_start3A_59] : memref<10240x128xf32, #tpu.memory_space<vmem_shared>> -> memref<10240x128xf32, #tpu.memory_space<vmem_shared>>
      tpu.enqueue_indirect_dma source(%arg5 : memref<128x128xf32, #tpu.memory_space<vmem>>) target(%dma_start3A_60 : memref<10240x128xf32, #tpu.memory_space<vmem_shared>>) offsets(%dma_start3A_57 : memref<128xi32, #tpu.memory_space<vmem>>) semaphore(%arg7 : memref<!tpu.dma_semaphore, #tpu.memory_space<semaphore_mem>>) {add = true}
      %add3A_61 = arith.constant 3 : i32
      %add3A_62 = arith.addi %add3A_37, %add3A_61 : i32
      %dma_start3A_63 = arith.constant 0 : i32
      %dma_start3A_64 = tpu.memref_slice %arg4[%add3A_62, %dma_start3A_63] : memref<40x128xi32, #tpu.memory_space<vmem>> -> memref<1x128xi32, #tpu.memory_space<vmem>>
      %dma_start3A_65 = tpu.memref_squeeze %dma_start3A_64 : memref<1x128xi32, #tpu.memory_space<vmem>> -> memref<128xi32, #tpu.memory_space<vmem>>
      %dma_start3A_66 = arith.constant 0 : i32
      %dma_start3A_67 = arith.constant 0 : i32
      %dma_start3A_68 = tpu.memref_slice %arg6[%dma_start3A_66, %dma_start3A_67] : memref<10240x128xf32, #tpu.memory_space<vmem_shared>> -> memref<10240x128xf32, #tpu.memory_space<vmem_shared>>
      tpu.enqueue_indirect_dma source(%arg5 : memref<128x128xf32, #tpu.memory_space<vmem>>) target(%dma_start3A_68 : memref<10240x128xf32, #tpu.memory_space<vmem_shared>>) offsets(%dma_start3A_65 : memref<128xi32, #tpu.memory_space<vmem>>) semaphore(%arg7 : memref<!tpu.dma_semaphore, #tpu.memory_space<semaphore_mem>>) {add = true}
      %add3A_69 = arith.constant 4 : i32
      %add3A_70 = arith.addi %add3A_37, %add3A_69 : i32
      %dma_start3A_71 = arith.constant 0 : i32
      %dma_start3A_72 = tpu.memref_slice %arg4[%add3A_70, %dma_start3A_71] : memref<40x128xi32, #tpu.memory_space<vmem>> -> memref<1x128xi32, #tpu.memory_space<vmem>>
      %dma_start3A_73 = tpu.memref_squeeze %dma_start3A_72 : memref<1x128xi32, #tpu.memory_space<vmem>> -> memref<128xi32, #tpu.memory_space<vmem>>
      %dma_start3A_74 = arith.constant 0 : i32
      %dma_start3A_75 = arith.constant 0 : i32
      %dma_start3A_76 = tpu.memref_slice %arg6[%dma_start3A_74, %dma_start3A_75] : memref<10240x128xf32, #tpu.memory_space<vmem_shared>> -> memref<10240x128xf32, #tpu.memory_space<vmem_shared>>
      tpu.enqueue_indirect_dma source(%arg5 : memref<128x128xf32, #tpu.memory_space<vmem>>) target(%dma_start3A_76 : memref<10240x128xf32, #tpu.memory_space<vmem_shared>>) offsets(%dma_start3A_73 : memref<128xi32, #tpu.memory_space<vmem>>) semaphore(%arg7 : memref<!tpu.dma_semaphore, #tpu.memory_space<semaphore_mem>>) {add = true}
      %add3A_77 = arith.constant 5 : i32
      %add3A_78 = arith.addi %add3A_37, %add3A_77 : i32
      %dma_start3A_79 = arith.constant 0 : i32
      %dma_start3A_80 = tpu.memref_slice %arg4[%add3A_78, %dma_start3A_79] : memref<40x128xi32, #tpu.memory_space<vmem>> -> memref<1x128xi32, #tpu.memory_space<vmem>>
      %dma_start3A_81 = tpu.memref_squeeze %dma_start3A_80 : memref<1x128xi32, #tpu.memory_space<vmem>> -> memref<128xi32, #tpu.memory_space<vmem>>
      %dma_start3A_82 = arith.constant 0 : i32
      %dma_start3A_83 = arith.constant 0 : i32
      %dma_start3A_84 = tpu.memref_slice %arg6[%dma_start3A_82, %dma_start3A_83] : memref<10240x128xf32, #tpu.memory_space<vmem_shared>> -> memref<10240x128xf32, #tpu.memory_space<vmem_shared>>
      tpu.enqueue_indirect_dma source(%arg5 : memref<128x128xf32, #tpu.memory_space<vmem>>) target(%dma_start3A_84 : memref<10240x128xf32, #tpu.memory_space<vmem_shared>>) offsets(%dma_start3A_81 : memref<128xi32, #tpu.memory_space<vmem>>) semaphore(%arg7 : memref<!tpu.dma_semaphore, #tpu.memory_space<semaphore_mem>>) {add = true}
      %add3A_85 = arith.constant 6 : i32
      %add3A_86 = arith.addi %add3A_37, %add3A_85 : i32
      %dma_start3A_87 = arith.constant 0 : i32
      %dma_start3A_88 = tpu.memref_slice %arg4[%add3A_86, %dma_start3A_87] : memref<40x128xi32, #tpu.memory_space<vmem>> -> memref<1x128xi32, #tpu.memory_space<vmem>>
      %dma_start3A_89 = tpu.memref_squeeze %dma_start3A_88 : memref<1x128xi32, #tpu.memory_space<vmem>> -> memref<128xi32, #tpu.memory_space<vmem>>
      %dma_start3A_90 = arith.constant 0 : i32
      %dma_start3A_91 = arith.constant 0 : i32
      %dma_start3A_92 = tpu.memref_slice %arg6[%dma_start3A_90, %dma_start3A_91] : memref<10240x128xf32, #tpu.memory_space<vmem_shared>> -> memref<10240x128xf32, #tpu.memory_space<vmem_shared>>
      tpu.enqueue_indirect_dma source(%arg5 : memref<128x128xf32, #tpu.memory_space<vmem>>) target(%dma_start3A_92 : memref<10240x128xf32, #tpu.memory_space<vmem_shared>>) offsets(%dma_start3A_89 : memref<128xi32, #tpu.memory_space<vmem>>) semaphore(%arg7 : memref<!tpu.dma_semaphore, #tpu.memory_space<semaphore_mem>>) {add = true}
      %add3A_93 = arith.constant 7 : i32
      %add3A_94 = arith.addi %add3A_37, %add3A_93 : i32
      %dma_start3A_95 = arith.constant 0 : i32
      %dma_start3A_96 = tpu.memref_slice %arg4[%add3A_94, %dma_start3A_95] : memref<40x128xi32, #tpu.memory_space<vmem>> -> memref<1x128xi32, #tpu.memory_space<vmem>>
      %dma_start3A_97 = tpu.memref_squeeze %dma_start3A_96 : memref<1x128xi32, #tpu.memory_space<vmem>> -> memref<128xi32, #tpu.memory_space<vmem>>
      %dma_start3A_98 = arith.constant 0 : i32
      %dma_start3A_99 = arith.constant 0 : i32
      %dma_start3A_100 = tpu.memref_slice %arg6[%dma_start3A_98, %dma_start3A_99] : memref<10240x128xf32, #tpu.memory_space<vmem_shared>> -> memref<10240x128xf32, #tpu.memory_space<vmem_shared>>
      tpu.enqueue_indirect_dma source(%arg5 : memref<128x128xf32, #tpu.memory_space<vmem>>) target(%dma_start3A_100 : memref<10240x128xf32, #tpu.memory_space<vmem_shared>>) offsets(%dma_start3A_97 : memref<128xi32, #tpu.memory_space<vmem>>) semaphore(%arg7 : memref<!tpu.dma_semaphore, #tpu.memory_space<semaphore_mem>>) {add = true}
      %add3A_101 = arith.constant 0 : i32
      %add3A_102 = arith.addi %add3A_37, %add3A_101 : i32
      %dma_wait3A = arith.constant 0 : i32
      %dma_wait3A_103 = tpu.memref_slice %arg4[%add3A_102, %dma_wait3A] : memref<40x128xi32, #tpu.memory_space<vmem>> -> memref<1x128xi32, #tpu.memory_space<vmem>>
      %dma_wait3A_104 = tpu.memref_squeeze %dma_wait3A_103 : memref<1x128xi32, #tpu.memory_space<vmem>> -> memref<128xi32, #tpu.memory_space<vmem>>
      %dma_wait3A_105 = arith.constant 0 : i32
      %dma_wait3A_106 = arith.constant 0 : i32
      %dma_wait3A_107 = tpu.memref_slice %arg6[%dma_wait3A_105, %dma_wait3A_106] : memref<10240x128xf32, #tpu.memory_space<vmem_shared>> -> memref<10240x128xf32, #tpu.memory_space<vmem_shared>>
      tpu.wait_indirect_dma semaphore(%arg7 : memref<!tpu.dma_semaphore, #tpu.memory_space<semaphore_mem>>) src(%arg5 : memref<128x128xf32, #tpu.memory_space<vmem>>) dst(%dma_wait3A_107 : memref<10240x128xf32, #tpu.memory_space<vmem_shared>>)
      %add3A_108 = arith.constant 1 : i32
      %add3A_109 = arith.addi %add3A_37, %add3A_108 : i32
      %dma_wait3A_110 = arith.constant 0 : i32
      %dma_wait3A_111 = tpu.memref_slice %arg4[%add3A_109, %dma_wait3A_110] : memref<40x128xi32, #tpu.memory_space<vmem>> -> memref<1x128xi32, #tpu.memory_space<vmem>>
      %dma_wait3A_112 = tpu.memref_squeeze %dma_wait3A_111 : memref<1x128xi32, #tpu.memory_space<vmem>> -> memref<128xi32, #tpu.memory_space<vmem>>
      %dma_wait3A_113 = arith.constant 0 : i32
      %dma_wait3A_114 = arith.constant 0 : i32
      %dma_wait3A_115 = tpu.memref_slice %arg6[%dma_wait3A_113, %dma_wait3A_114] : memref<10240x128xf32, #tpu.memory_space<vmem_shared>> -> memref<10240x128xf32, #tpu.memory_space<vmem_shared>>
      tpu.wait_indirect_dma semaphore(%arg7 : memref<!tpu.dma_semaphore, #tpu.memory_space<semaphore_mem>>) src(%arg5 : memref<128x128xf32, #tpu.memory_space<vmem>>) dst(%dma_wait3A_115 : memref<10240x128xf32, #tpu.memory_space<vmem_shared>>)
      %add3A_116 = arith.constant 2 : i32
      %add3A_117 = arith.addi %add3A_37, %add3A_116 : i32
      %dma_wait3A_118 = arith.constant 0 : i32
      %dma_wait3A_119 = tpu.memref_slice %arg4[%add3A_117, %dma_wait3A_118] : memref<40x128xi32, #tpu.memory_space<vmem>> -> memref<1x128xi32, #tpu.memory_space<vmem>>
      %dma_wait3A_120 = tpu.memref_squeeze %dma_wait3A_119 : memref<1x128xi32, #tpu.memory_space<vmem>> -> memref<128xi32, #tpu.memory_space<vmem>>
      %dma_wait3A_121 = arith.constant 0 : i32
      %dma_wait3A_122 = arith.constant 0 : i32
      %dma_wait3A_123 = tpu.memref_slice %arg6[%dma_wait3A_121, %dma_wait3A_122] : memref<10240x128xf32, #tpu.memory_space<vmem_shared>> -> memref<10240x128xf32, #tpu.memory_space<vmem_shared>>
      tpu.wait_indirect_dma semaphore(%arg7 : memref<!tpu.dma_semaphore, #tpu.memory_space<semaphore_mem>>) src(%arg5 : memref<128x128xf32, #tpu.memory_space<vmem>>) dst(%dma_wait3A_123 : memref<10240x128xf32, #tpu.memory_space<vmem_shared>>)
      %add3A_124 = arith.constant 3 : i32
      %add3A_125 = arith.addi %add3A_37, %add3A_124 : i32
      %dma_wait3A_126 = arith.constant 0 : i32
      %dma_wait3A_127 = tpu.memref_slice %arg4[%add3A_125, %dma_wait3A_126] : memref<40x128xi32, #tpu.memory_space<vmem>> -> memref<1x128xi32, #tpu.memory_space<vmem>>
      %dma_wait3A_128 = tpu.memref_squeeze %dma_wait3A_127 : memref<1x128xi32, #tpu.memory_space<vmem>> -> memref<128xi32, #tpu.memory_space<vmem>>
      %dma_wait3A_129 = arith.constant 0 : i32
      %dma_wait3A_130 = arith.constant 0 : i32
      %dma_wait3A_131 = tpu.memref_slice %arg6[%dma_wait3A_129, %dma_wait3A_130] : memref<10240x128xf32, #tpu.memory_space<vmem_shared>> -> memref<10240x128xf32, #tpu.memory_space<vmem_shared>>
      tpu.wait_indirect_dma semaphore(%arg7 : memref<!tpu.dma_semaphore, #tpu.memory_space<semaphore_mem>>) src(%arg5 : memref<128x128xf32, #tpu.memory_space<vmem>>) dst(%dma_wait3A_131 : memref<10240x128xf32, #tpu.memory_space<vmem_shared>>)
      %add3A_132 = arith.constant 4 : i32
      %add3A_133 = arith.addi %add3A_37, %add3A_132 : i32
      %dma_wait3A_134 = arith.constant 0 : i32
      %dma_wait3A_135 = tpu.memref_slice %arg4[%add3A_133, %dma_wait3A_134] : memref<40x128xi32, #tpu.memory_space<vmem>> -> memref<1x128xi32, #tpu.memory_space<vmem>>
      %dma_wait3A_136 = tpu.memref_squeeze %dma_wait3A_135 : memref<1x128xi32, #tpu.memory_space<vmem>> -> memref<128xi32, #tpu.memory_space<vmem>>
      %dma_wait3A_137 = arith.constant 0 : i32
      %dma_wait3A_138 = arith.constant 0 : i32
      %dma_wait3A_139 = tpu.memref_slice %arg6[%dma_wait3A_137, %dma_wait3A_138] : memref<10240x128xf32, #tpu.memory_space<vmem_shared>> -> memref<10240x128xf32, #tpu.memory_space<vmem_shared>>
      tpu.wait_indirect_dma semaphore(%arg7 : memref<!tpu.dma_semaphore, #tpu.memory_space<semaphore_mem>>) src(%arg5 : memref<128x128xf32, #tpu.memory_space<vmem>>) dst(%dma_wait3A_139 : memref<10240x128xf32, #tpu.memory_space<vmem_shared>>)
      %add3A_140 = arith.constant 5 : i32
      %add3A_141 = arith.addi %add3A_37, %add3A_140 : i32
      %dma_wait3A_142 = arith.constant 0 : i32
      %dma_wait3A_143 = tpu.memref_slice %arg4[%add3A_141, %dma_wait3A_142] : memref<40x128xi32, #tpu.memory_space<vmem>> -> memref<1x128xi32, #tpu.memory_space<vmem>>
      %dma_wait3A_144 = tpu.memref_squeeze %dma_wait3A_143 : memref<1x128xi32, #tpu.memory_space<vmem>> -> memref<128xi32, #tpu.memory_space<vmem>>
      %dma_wait3A_145 = arith.constant 0 : i32
      %dma_wait3A_146 = arith.constant 0 : i32
      %dma_wait3A_147 = tpu.memref_slice %arg6[%dma_wait3A_145, %dma_wait3A_146] : memref<10240x128xf32, #tpu.memory_space<vmem_shared>> -> memref<10240x128xf32, #tpu.memory_space<vmem_shared>>
      tpu.wait_indirect_dma semaphore(%arg7 : memref<!tpu.dma_semaphore, #tpu.memory_space<semaphore_mem>>) src(%arg5 : memref<128x128xf32, #tpu.memory_space<vmem>>) dst(%dma_wait3A_147 : memref<10240x128xf32, #tpu.memory_space<vmem_shared>>)
      %add3A_148 = arith.constant 6 : i32
      %add3A_149 = arith.addi %add3A_37, %add3A_148 : i32
      %dma_wait3A_150 = arith.constant 0 : i32
      %dma_wait3A_151 = tpu.memref_slice %arg4[%add3A_149, %dma_wait3A_150] : memref<40x128xi32, #tpu.memory_space<vmem>> -> memref<1x128xi32, #tpu.memory_space<vmem>>
      %dma_wait3A_152 = tpu.memref_squeeze %dma_wait3A_151 : memref<1x128xi32, #tpu.memory_space<vmem>> -> memref<128xi32, #tpu.memory_space<vmem>>
      %dma_wait3A_153 = arith.constant 0 : i32
      %dma_wait3A_154 = arith.constant 0 : i32
      %dma_wait3A_155 = tpu.memref_slice %arg6[%dma_wait3A_153, %dma_wait3A_154] : memref<10240x128xf32, #tpu.memory_space<vmem_shared>> -> memref<10240x128xf32, #tpu.memory_space<vmem_shared>>
      tpu.wait_indirect_dma semaphore(%arg7 : memref<!tpu.dma_semaphore, #tpu.memory_space<semaphore_mem>>) src(%arg5 : memref<128x128xf32, #tpu.memory_space<vmem>>) dst(%dma_wait3A_155 : memref<10240x128xf32, #tpu.memory_space<vmem_shared>>)
      %add3A_156 = arith.constant 7 : i32
      %add3A_157 = arith.addi %add3A_37, %add3A_156 : i32
      %dma_wait3A_158 = arith.constant 0 : i32
      %dma_wait3A_159 = tpu.memref_slice %arg4[%add3A_157, %dma_wait3A_158] : memref<40x128xi32, #tpu.memory_space<vmem>> -> memref<1x128xi32, #tpu.memory_space<vmem>>
      %dma_wait3A_160 = tpu.memref_squeeze %dma_wait3A_159 : memref<1x128xi32, #tpu.memory_space<vmem>> -> memref<128xi32, #tpu.memory_space<vmem>>
      %dma_wait3A_161 = arith.constant 0 : i32
      %dma_wait3A_162 = arith.constant 0 : i32
      %dma_wait3A_163 = tpu.memref_slice %arg6[%dma_wait3A_161, %dma_wait3A_162] : memref<10240x128xf32, #tpu.memory_space<vmem_shared>> -> memref<10240x128xf32, #tpu.memory_space<vmem_shared>>
      tpu.wait_indirect_dma semaphore(%arg7 : memref<!tpu.dma_semaphore, #tpu.memory_space<semaphore_mem>>) src(%arg5 : memref<128x128xf32, #tpu.memory_space<vmem>>) dst(%dma_wait3A_163 : memref<10240x128xf32, #tpu.memory_space<vmem_shared>>)
    }
    %scan3A_22 = arith.constant 5 : i32
    "tpu.region"() ({
      %run_scoped3A = tpu.sem_alloc : memref<!tpu.dma_semaphore, #tpu.memory_space<semaphore_mem>>
      %dma_start3A = arith.constant 40 : i32
      %dma_start3A_33 = arith.constant 0 : i32
      %dma_start3A_34 = tpu.memref_slice %arg2[%add3A, %dma_start3A, %dma_start3A_33] : memref<32x80x128xi32, #tpu.memory_space<hbm>> -> memref<1x40x128xi32, #tpu.memory_space<hbm>>
      %dma_start3A_35 = tpu.memref_squeeze %dma_start3A_34 : memref<1x40x128xi32, #tpu.memory_space<hbm>> -> memref<40x128xi32, #tpu.memory_space<hbm>>
      %dma_start3A_36 = arith.constant 40 : i32
      %dma_start3A_37 = arith.constant 0 : i32
      %dma_start3A_38 = tpu.memref_slice %arg2[%add3A, %dma_start3A_36, %dma_start3A_37] : memref<32x80x128xi32, #tpu.memory_space<hbm>> -> memref<1x40x128xi32, #tpu.memory_space<hbm>>
      %dma_start3A_39 = tpu.memref_squeeze %dma_start3A_38 : memref<1x40x128xi32, #tpu.memory_space<hbm>> -> memref<40x128xi32, #tpu.memory_space<hbm>>
      tpu.enqueue_dma source(%dma_start3A_39 : memref<40x128xi32, #tpu.memory_space<hbm>>) target(%arg4 : memref<40x128xi32, #tpu.memory_space<vmem>>) target_semaphore(%run_scoped3A : memref<!tpu.dma_semaphore, #tpu.memory_space<semaphore_mem>>)
      %dma_wait3A = arith.constant 40 : i32
      %dma_wait3A_40 = arith.constant 0 : i32
      %dma_wait3A_41 = tpu.memref_slice %arg2[%add3A, %dma_wait3A, %dma_wait3A_40] : memref<32x80x128xi32, #tpu.memory_space<hbm>> -> memref<1x40x128xi32, #tpu.memory_space<hbm>>
      %dma_wait3A_42 = tpu.memref_squeeze %dma_wait3A_41 : memref<1x40x128xi32, #tpu.memory_space<hbm>> -> memref<40x128xi32, #tpu.memory_space<hbm>>
      %dma_wait3A_43 = arith.constant 40 : i32
      %dma_wait3A_44 = arith.constant 0 : i32
      %dma_wait3A_45 = tpu.memref_slice %arg2[%add3A, %dma_wait3A_43, %dma_wait3A_44] : memref<32x80x128xi32, #tpu.memory_space<hbm>> -> memref<1x40x128xi32, #tpu.memory_space<hbm>>
      %dma_wait3A_46 = tpu.memref_squeeze %dma_wait3A_45 : memref<1x40x128xi32, #tpu.memory_space<hbm>> -> memref<40x128xi32, #tpu.memory_space<hbm>>
      tpu.wait_dma2 semaphore(%run_scoped3A : memref<!tpu.dma_semaphore, #tpu.memory_space<semaphore_mem>>) src(%dma_wait3A_46 : memref<40x128xi32, #tpu.memory_space<hbm>>) dst(%arg4 : memref<40x128xi32, #tpu.memory_space<vmem>>)
      tpu.yield
    }) : () -> ()
    %scan3A_23 = arith.constant 0 : i32
    %scan3A_24 = arith.constant 5 : i32
    %scan3A_25 = arith.addi %scan3A_23, %scan3A_24 : i32
    %scan3A_26 = arith.constant 1 : i32
    scf.for %scan3A_33 = %scan3A_23 to %scan3A_25 step %scan3A_26  : i32 {
      %mul3A_34 = arith.constant 8 : i32
      %mul3A_35 = arith.muli %scan3A_33, %mul3A_34 : i32
      %add3A_36 = arith.constant 0 : i32
      %add3A_37 = arith.addi %add3A_36, %mul3A_35 : i32
      %add3A_38 = arith.constant 0 : i32
      %add3A_39 = arith.addi %add3A_37, %add3A_38 : i32
      %dma_start3A = arith.constant 0 : i32
      %dma_start3A_40 = tpu.memref_slice %arg4[%add3A_39, %dma_start3A] : memref<40x128xi32, #tpu.memory_space<vmem>> -> memref<1x128xi32, #tpu.memory_space<vmem>>
      %dma_start3A_41 = tpu.memref_squeeze %dma_start3A_40 : memref<1x128xi32, #tpu.memory_space<vmem>> -> memref<128xi32, #tpu.memory_space<vmem>>
      %dma_start3A_42 = arith.constant 0 : i32
      %dma_start3A_43 = arith.constant 0 : i32
      %dma_start3A_44 = tpu.memref_slice %arg6[%dma_start3A_42, %dma_start3A_43] : memref<10240x128xf32, #tpu.memory_space<vmem_shared>> -> memref<10240x128xf32, #tpu.memory_space<vmem_shared>>
      tpu.enqueue_indirect_dma source(%arg5 : memref<128x128xf32, #tpu.memory_space<vmem>>) target(%dma_start3A_44 : memref<10240x128xf32, #tpu.memory_space<vmem_shared>>) offsets(%dma_start3A_41 : memref<128xi32, #tpu.memory_space<vmem>>) semaphore(%arg7 : memref<!tpu.dma_semaphore, #tpu.memory_space<semaphore_mem>>) {add = true}
      %add3A_45 = arith.constant 1 : i32
      %add3A_46 = arith.addi %add3A_37, %add3A_45 : i32
      %dma_start3A_47 = arith.constant 0 : i32
      %dma_start3A_48 = tpu.memref_slice %arg4[%add3A_46, %dma_start3A_47] : memref<40x128xi32, #tpu.memory_space<vmem>> -> memref<1x128xi32, #tpu.memory_space<vmem>>
      %dma_start3A_49 = tpu.memref_squeeze %dma_start3A_48 : memref<1x128xi32, #tpu.memory_space<vmem>> -> memref<128xi32, #tpu.memory_space<vmem>>
      %dma_start3A_50 = arith.constant 0 : i32
      %dma_start3A_51 = arith.constant 0 : i32
      %dma_start3A_52 = tpu.memref_slice %arg6[%dma_start3A_50, %dma_start3A_51] : memref<10240x128xf32, #tpu.memory_space<vmem_shared>> -> memref<10240x128xf32, #tpu.memory_space<vmem_shared>>
      tpu.enqueue_indirect_dma source(%arg5 : memref<128x128xf32, #tpu.memory_space<vmem>>) target(%dma_start3A_52 : memref<10240x128xf32, #tpu.memory_space<vmem_shared>>) offsets(%dma_start3A_49 : memref<128xi32, #tpu.memory_space<vmem>>) semaphore(%arg7 : memref<!tpu.dma_semaphore, #tpu.memory_space<semaphore_mem>>) {add = true}
      %add3A_53 = arith.constant 2 : i32
      %add3A_54 = arith.addi %add3A_37, %add3A_53 : i32
      %dma_start3A_55 = arith.constant 0 : i32
      %dma_start3A_56 = tpu.memref_slice %arg4[%add3A_54, %dma_start3A_55] : memref<40x128xi32, #tpu.memory_space<vmem>> -> memref<1x128xi32, #tpu.memory_space<vmem>>
      %dma_start3A_57 = tpu.memref_squeeze %dma_start3A_56 : memref<1x128xi32, #tpu.memory_space<vmem>> -> memref<128xi32, #tpu.memory_space<vmem>>
      %dma_start3A_58 = arith.constant 0 : i32
      %dma_start3A_59 = arith.constant 0 : i32
      %dma_start3A_60 = tpu.memref_slice %arg6[%dma_start3A_58, %dma_start3A_59] : memref<10240x128xf32, #tpu.memory_space<vmem_shared>> -> memref<10240x128xf32, #tpu.memory_space<vmem_shared>>
      tpu.enqueue_indirect_dma source(%arg5 : memref<128x128xf32, #tpu.memory_space<vmem>>) target(%dma_start3A_60 : memref<10240x128xf32, #tpu.memory_space<vmem_shared>>) offsets(%dma_start3A_57 : memref<128xi32, #tpu.memory_space<vmem>>) semaphore(%arg7 : memref<!tpu.dma_semaphore, #tpu.memory_space<semaphore_mem>>) {add = true}
      %add3A_61 = arith.constant 3 : i32
      %add3A_62 = arith.addi %add3A_37, %add3A_61 : i32
      %dma_start3A_63 = arith.constant 0 : i32
      %dma_start3A_64 = tpu.memref_slice %arg4[%add3A_62, %dma_start3A_63] : memref<40x128xi32, #tpu.memory_space<vmem>> -> memref<1x128xi32, #tpu.memory_space<vmem>>
      %dma_start3A_65 = tpu.memref_squeeze %dma_start3A_64 : memref<1x128xi32, #tpu.memory_space<vmem>> -> memref<128xi32, #tpu.memory_space<vmem>>
      %dma_start3A_66 = arith.constant 0 : i32
      %dma_start3A_67 = arith.constant 0 : i32
      %dma_start3A_68 = tpu.memref_slice %arg6[%dma_start3A_66, %dma_start3A_67] : memref<10240x128xf32, #tpu.memory_space<vmem_shared>> -> memref<10240x128xf32, #tpu.memory_space<vmem_shared>>
      tpu.enqueue_indirect_dma source(%arg5 : memref<128x128xf32, #tpu.memory_space<vmem>>) target(%dma_start3A_68 : memref<10240x128xf32, #tpu.memory_space<vmem_shared>>) offsets(%dma_start3A_65 : memref<128xi32, #tpu.memory_space<vmem>>) semaphore(%arg7 : memref<!tpu.dma_semaphore, #tpu.memory_space<semaphore_mem>>) {add = true}
      %add3A_69 = arith.constant 4 : i32
      %add3A_70 = arith.addi %add3A_37, %add3A_69 : i32
      %dma_start3A_71 = arith.constant 0 : i32
      %dma_start3A_72 = tpu.memref_slice %arg4[%add3A_70, %dma_start3A_71] : memref<40x128xi32, #tpu.memory_space<vmem>> -> memref<1x128xi32, #tpu.memory_space<vmem>>
      %dma_start3A_73 = tpu.memref_squeeze %dma_start3A_72 : memref<1x128xi32, #tpu.memory_space<vmem>> -> memref<128xi32, #tpu.memory_space<vmem>>
      %dma_start3A_74 = arith.constant 0 : i32
      %dma_start3A_75 = arith.constant 0 : i32
      %dma_start3A_76 = tpu.memref_slice %arg6[%dma_start3A_74, %dma_start3A_75] : memref<10240x128xf32, #tpu.memory_space<vmem_shared>> -> memref<10240x128xf32, #tpu.memory_space<vmem_shared>>
      tpu.enqueue_indirect_dma source(%arg5 : memref<128x128xf32, #tpu.memory_space<vmem>>) target(%dma_start3A_76 : memref<10240x128xf32, #tpu.memory_space<vmem_shared>>) offsets(%dma_start3A_73 : memref<128xi32, #tpu.memory_space<vmem>>) semaphore(%arg7 : memref<!tpu.dma_semaphore, #tpu.memory_space<semaphore_mem>>) {add = true}
      %add3A_77 = arith.constant 5 : i32
      %add3A_78 = arith.addi %add3A_37, %add3A_77 : i32
      %dma_start3A_79 = arith.constant 0 : i32
      %dma_start3A_80 = tpu.memref_slice %arg4[%add3A_78, %dma_start3A_79] : memref<40x128xi32, #tpu.memory_space<vmem>> -> memref<1x128xi32, #tpu.memory_space<vmem>>
      %dma_start3A_81 = tpu.memref_squeeze %dma_start3A_80 : memref<1x128xi32, #tpu.memory_space<vmem>> -> memref<128xi32, #tpu.memory_space<vmem>>
      %dma_start3A_82 = arith.constant 0 : i32
      %dma_start3A_83 = arith.constant 0 : i32
      %dma_start3A_84 = tpu.memref_slice %arg6[%dma_start3A_82, %dma_start3A_83] : memref<10240x128xf32, #tpu.memory_space<vmem_shared>> -> memref<10240x128xf32, #tpu.memory_space<vmem_shared>>
      tpu.enqueue_indirect_dma source(%arg5 : memref<128x128xf32, #tpu.memory_space<vmem>>) target(%dma_start3A_84 : memref<10240x128xf32, #tpu.memory_space<vmem_shared>>) offsets(%dma_start3A_81 : memref<128xi32, #tpu.memory_space<vmem>>) semaphore(%arg7 : memref<!tpu.dma_semaphore, #tpu.memory_space<semaphore_mem>>) {add = true}
      %add3A_85 = arith.constant 6 : i32
      %add3A_86 = arith.addi %add3A_37, %add3A_85 : i32
      %dma_start3A_87 = arith.constant 0 : i32
      %dma_start3A_88 = tpu.memref_slice %arg4[%add3A_86, %dma_start3A_87] : memref<40x128xi32, #tpu.memory_space<vmem>> -> memref<1x128xi32, #tpu.memory_space<vmem>>
      %dma_start3A_89 = tpu.memref_squeeze %dma_start3A_88 : memref<1x128xi32, #tpu.memory_space<vmem>> -> memref<128xi32, #tpu.memory_space<vmem>>
      %dma_start3A_90 = arith.constant 0 : i32
      %dma_start3A_91 = arith.constant 0 : i32
      %dma_start3A_92 = tpu.memref_slice %arg6[%dma_start3A_90, %dma_start3A_91] : memref<10240x128xf32, #tpu.memory_space<vmem_shared>> -> memref<10240x128xf32, #tpu.memory_space<vmem_shared>>
      tpu.enqueue_indirect_dma source(%arg5 : memref<128x128xf32, #tpu.memory_space<vmem>>) target(%dma_start3A_92 : memref<10240x128xf32, #tpu.memory_space<vmem_shared>>) offsets(%dma_start3A_89 : memref<128xi32, #tpu.memory_space<vmem>>) semaphore(%arg7 : memref<!tpu.dma_semaphore, #tpu.memory_space<semaphore_mem>>) {add = true}
      %add3A_93 = arith.constant 7 : i32
      %add3A_94 = arith.addi %add3A_37, %add3A_93 : i32
      %dma_start3A_95 = arith.constant 0 : i32
      %dma_start3A_96 = tpu.memref_slice %arg4[%add3A_94, %dma_start3A_95] : memref<40x128xi32, #tpu.memory_space<vmem>> -> memref<1x128xi32, #tpu.memory_space<vmem>>
      %dma_start3A_97 = tpu.memref_squeeze %dma_start3A_96 : memref<1x128xi32, #tpu.memory_space<vmem>> -> memref<128xi32, #tpu.memory_space<vmem>>
      %dma_start3A_98 = arith.constant 0 : i32
      %dma_start3A_99 = arith.constant 0 : i32
      %dma_start3A_100 = tpu.memref_slice %arg6[%dma_start3A_98, %dma_start3A_99] : memref<10240x128xf32, #tpu.memory_space<vmem_shared>> -> memref<10240x128xf32, #tpu.memory_space<vmem_shared>>
      tpu.enqueue_indirect_dma source(%arg5 : memref<128x128xf32, #tpu.memory_space<vmem>>) target(%dma_start3A_100 : memref<10240x128xf32, #tpu.memory_space<vmem_shared>>) offsets(%dma_start3A_97 : memref<128xi32, #tpu.memory_space<vmem>>) semaphore(%arg7 : memref<!tpu.dma_semaphore, #tpu.memory_space<semaphore_mem>>) {add = true}
      %add3A_101 = arith.constant 0 : i32
      %add3A_102 = arith.addi %add3A_37, %add3A_101 : i32
      %dma_wait3A = arith.constant 0 : i32
      %dma_wait3A_103 = tpu.memref_slice %arg4[%add3A_102, %dma_wait3A] : memref<40x128xi32, #tpu.memory_space<vmem>> -> memref<1x128xi32, #tpu.memory_space<vmem>>
      %dma_wait3A_104 = tpu.memref_squeeze %dma_wait3A_103 : memref<1x128xi32, #tpu.memory_space<vmem>> -> memref<128xi32, #tpu.memory_space<vmem>>
      %dma_wait3A_105 = arith.constant 0 : i32
      %dma_wait3A_106 = arith.constant 0 : i32
      %dma_wait3A_107 = tpu.memref_slice %arg6[%dma_wait3A_105, %dma_wait3A_106] : memref<10240x128xf32, #tpu.memory_space<vmem_shared>> -> memref<10240x128xf32, #tpu.memory_space<vmem_shared>>
      tpu.wait_indirect_dma semaphore(%arg7 : memref<!tpu.dma_semaphore, #tpu.memory_space<semaphore_mem>>) src(%arg5 : memref<128x128xf32, #tpu.memory_space<vmem>>) dst(%dma_wait3A_107 : memref<10240x128xf32, #tpu.memory_space<vmem_shared>>)
      %add3A_108 = arith.constant 1 : i32
      %add3A_109 = arith.addi %add3A_37, %add3A_108 : i32
      %dma_wait3A_110 = arith.constant 0 : i32
      %dma_wait3A_111 = tpu.memref_slice %arg4[%add3A_109, %dma_wait3A_110] : memref<40x128xi32, #tpu.memory_space<vmem>> -> memref<1x128xi32, #tpu.memory_space<vmem>>
      %dma_wait3A_112 = tpu.memref_squeeze %dma_wait3A_111 : memref<1x128xi32, #tpu.memory_space<vmem>> -> memref<128xi32, #tpu.memory_space<vmem>>
      %dma_wait3A_113 = arith.constant 0 : i32
      %dma_wait3A_114 = arith.constant 0 : i32
      %dma_wait3A_115 = tpu.memref_slice %arg6[%dma_wait3A_113, %dma_wait3A_114] : memref<10240x128xf32, #tpu.memory_space<vmem_shared>> -> memref<10240x128xf32, #tpu.memory_space<vmem_shared>>
      tpu.wait_indirect_dma semaphore(%arg7 : memref<!tpu.dma_semaphore, #tpu.memory_space<semaphore_mem>>) src(%arg5 : memref<128x128xf32, #tpu.memory_space<vmem>>) dst(%dma_wait3A_115 : memref<10240x128xf32, #tpu.memory_space<vmem_shared>>)
      %add3A_116 = arith.constant 2 : i32
      %add3A_117 = arith.addi %add3A_37, %add3A_116 : i32
      %dma_wait3A_118 = arith.constant 0 : i32
      %dma_wait3A_119 = tpu.memref_slice %arg4[%add3A_117, %dma_wait3A_118] : memref<40x128xi32, #tpu.memory_space<vmem>> -> memref<1x128xi32, #tpu.memory_space<vmem>>
      %dma_wait3A_120 = tpu.memref_squeeze %dma_wait3A_119 : memref<1x128xi32, #tpu.memory_space<vmem>> -> memref<128xi32, #tpu.memory_space<vmem>>
      %dma_wait3A_121 = arith.constant 0 : i32
      %dma_wait3A_122 = arith.constant 0 : i32
      %dma_wait3A_123 = tpu.memref_slice %arg6[%dma_wait3A_121, %dma_wait3A_122] : memref<10240x128xf32, #tpu.memory_space<vmem_shared>> -> memref<10240x128xf32, #tpu.memory_space<vmem_shared>>
      tpu.wait_indirect_dma semaphore(%arg7 : memref<!tpu.dma_semaphore, #tpu.memory_space<semaphore_mem>>) src(%arg5 : memref<128x128xf32, #tpu.memory_space<vmem>>) dst(%dma_wait3A_123 : memref<10240x128xf32, #tpu.memory_space<vmem_shared>>)
      %add3A_124 = arith.constant 3 : i32
      %add3A_125 = arith.addi %add3A_37, %add3A_124 : i32
      %dma_wait3A_126 = arith.constant 0 : i32
      %dma_wait3A_127 = tpu.memref_slice %arg4[%add3A_125, %dma_wait3A_126] : memref<40x128xi32, #tpu.memory_space<vmem>> -> memref<1x128xi32, #tpu.memory_space<vmem>>
      %dma_wait3A_128 = tpu.memref_squeeze %dma_wait3A_127 : memref<1x128xi32, #tpu.memory_space<vmem>> -> memref<128xi32, #tpu.memory_space<vmem>>
      %dma_wait3A_129 = arith.constant 0 : i32
      %dma_wait3A_130 = arith.constant 0 : i32
      %dma_wait3A_131 = tpu.memref_slice %arg6[%dma_wait3A_129, %dma_wait3A_130] : memref<10240x128xf32, #tpu.memory_space<vmem_shared>> -> memref<10240x128xf32, #tpu.memory_space<vmem_shared>>
      tpu.wait_indirect_dma semaphore(%arg7 : memref<!tpu.dma_semaphore, #tpu.memory_space<semaphore_mem>>) src(%arg5 : memref<128x128xf32, #tpu.memory_space<vmem>>) dst(%dma_wait3A_131 : memref<10240x128xf32, #tpu.memory_space<vmem_shared>>)
      %add3A_132 = arith.constant 4 : i32
      %add3A_133 = arith.addi %add3A_37, %add3A_132 : i32
      %dma_wait3A_134 = arith.constant 0 : i32
      %dma_wait3A_135 = tpu.memref_slice %arg4[%add3A_133, %dma_wait3A_134] : memref<40x128xi32, #tpu.memory_space<vmem>> -> memref<1x128xi32, #tpu.memory_space<vmem>>
      %dma_wait3A_136 = tpu.memref_squeeze %dma_wait3A_135 : memref<1x128xi32, #tpu.memory_space<vmem>> -> memref<128xi32, #tpu.memory_space<vmem>>
      %dma_wait3A_137 = arith.constant 0 : i32
      %dma_wait3A_138 = arith.constant 0 : i32
      %dma_wait3A_139 = tpu.memref_slice %arg6[%dma_wait3A_137, %dma_wait3A_138] : memref<10240x128xf32, #tpu.memory_space<vmem_shared>> -> memref<10240x128xf32, #tpu.memory_space<vmem_shared>>
      tpu.wait_indirect_dma semaphore(%arg7 : memref<!tpu.dma_semaphore, #tpu.memory_space<semaphore_mem>>) src(%arg5 : memref<128x128xf32, #tpu.memory_space<vmem>>) dst(%dma_wait3A_139 : memref<10240x128xf32, #tpu.memory_space<vmem_shared>>)
      %add3A_140 = arith.constant 5 : i32
      %add3A_141 = arith.addi %add3A_37, %add3A_140 : i32
      %dma_wait3A_142 = arith.constant 0 : i32
      %dma_wait3A_143 = tpu.memref_slice %arg4[%add3A_141, %dma_wait3A_142] : memref<40x128xi32, #tpu.memory_space<vmem>> -> memref<1x128xi32, #tpu.memory_space<vmem>>
      %dma_wait3A_144 = tpu.memref_squeeze %dma_wait3A_143 : memref<1x128xi32, #tpu.memory_space<vmem>> -> memref<128xi32, #tpu.memory_space<vmem>>
      %dma_wait3A_145 = arith.constant 0 : i32
      %dma_wait3A_146 = arith.constant 0 : i32
      %dma_wait3A_147 = tpu.memref_slice %arg6[%dma_wait3A_145, %dma_wait3A_146] : memref<10240x128xf32, #tpu.memory_space<vmem_shared>> -> memref<10240x128xf32, #tpu.memory_space<vmem_shared>>
      tpu.wait_indirect_dma semaphore(%arg7 : memref<!tpu.dma_semaphore, #tpu.memory_space<semaphore_mem>>) src(%arg5 : memref<128x128xf32, #tpu.memory_space<vmem>>) dst(%dma_wait3A_147 : memref<10240x128xf32, #tpu.memory_space<vmem_shared>>)
      %add3A_148 = arith.constant 6 : i32
      %add3A_149 = arith.addi %add3A_37, %add3A_148 : i32
      %dma_wait3A_150 = arith.constant 0 : i32
      %dma_wait3A_151 = tpu.memref_slice %arg4[%add3A_149, %dma_wait3A_150] : memref<40x128xi32, #tpu.memory_space<vmem>> -> memref<1x128xi32, #tpu.memory_space<vmem>>
      %dma_wait3A_152 = tpu.memref_squeeze %dma_wait3A_151 : memref<1x128xi32, #tpu.memory_space<vmem>> -> memref<128xi32, #tpu.memory_space<vmem>>
      %dma_wait3A_153 = arith.constant 0 : i32
      %dma_wait3A_154 = arith.constant 0 : i32
      %dma_wait3A_155 = tpu.memref_slice %arg6[%dma_wait3A_153, %dma_wait3A_154] : memref<10240x128xf32, #tpu.memory_space<vmem_shared>> -> memref<10240x128xf32, #tpu.memory_space<vmem_shared>>
      tpu.wait_indirect_dma semaphore(%arg7 : memref<!tpu.dma_semaphore, #tpu.memory_space<semaphore_mem>>) src(%arg5 : memref<128x128xf32, #tpu.memory_space<vmem>>) dst(%dma_wait3A_155 : memref<10240x128xf32, #tpu.memory_space<vmem_shared>>)
      %add3A_156 = arith.constant 7 : i32
      %add3A_157 = arith.addi %add3A_37, %add3A_156 : i32
      %dma_wait3A_158 = arith.constant 0 : i32
      %dma_wait3A_159 = tpu.memref_slice %arg4[%add3A_157, %dma_wait3A_158] : memref<40x128xi32, #tpu.memory_space<vmem>> -> memref<1x128xi32, #tpu.memory_space<vmem>>
      %dma_wait3A_160 = tpu.memref_squeeze %dma_wait3A_159 : memref<1x128xi32, #tpu.memory_space<vmem>> -> memref<128xi32, #tpu.memory_space<vmem>>
      %dma_wait3A_161 = arith.constant 0 : i32
      %dma_wait3A_162 = arith.constant 0 : i32
      %dma_wait3A_163 = tpu.memref_slice %arg6[%dma_wait3A_161, %dma_wait3A_162] : memref<10240x128xf32, #tpu.memory_space<vmem_shared>> -> memref<10240x128xf32, #tpu.memory_space<vmem_shared>>
      tpu.wait_indirect_dma semaphore(%arg7 : memref<!tpu.dma_semaphore, #tpu.memory_space<semaphore_mem>>) src(%arg5 : memref<128x128xf32, #tpu.memory_space<vmem>>) dst(%dma_wait3A_163 : memref<10240x128xf32, #tpu.memory_space<vmem_shared>>)
    }
    %scan3A_27 = arith.constant 5 : i32
    %barrier3A_28 = arith.constant 0 : index
    tpu.barrier barrier_id(%barrier3A_28)
    %mul3A_29 = arith.constant 640 : i32
    %mul3A_30 = arith.muli %arg1, %mul3A_29 : i32
    %mul3A_31 = arith.constant 640 : i32
    %mul3A_32 = arith.muli %arg1, %mul3A_31 : i32
    "tpu.region"() ({
      %run_scoped3A = tpu.sem_alloc : memref<!tpu.dma_semaphore, #tpu.memory_space<semaphore_mem>>
      %dma_start3A = arith.constant 0 : i32
      %dma_start3A_33 = tpu.memref_slice %arg3[%arg0, %mul3A_32, %dma_start3A] : memref<2x10240x128xf32, #tpu.memory_space<hbm>> -> memref<1x640x128xf32, #tpu.memory_space<hbm>>
      %dma_start3A_34 = tpu.memref_squeeze %dma_start3A_33 : memref<1x640x128xf32, #tpu.memory_space<hbm>> -> memref<640x128xf32, #tpu.memory_space<hbm>>
      %dma_start3A_35 = arith.constant 0 : i32
      %dma_start3A_36 = tpu.memref_slice %arg6[%mul3A_30, %dma_start3A_35] : memref<10240x128xf32, #tpu.memory_space<vmem_shared>> -> memref<640x128xf32, #tpu.memory_space<vmem_shared>>
      tpu.enqueue_dma source(%dma_start3A_36 : memref<640x128xf32, #tpu.memory_space<vmem_shared>>) target(%dma_start3A_34 : memref<640x128xf32, #tpu.memory_space<hbm>>) target_semaphore(%run_scoped3A : memref<!tpu.dma_semaphore, #tpu.memory_space<semaphore_mem>>)
      %dma_wait3A = arith.constant 0 : i32
      %dma_wait3A_37 = tpu.memref_slice %arg3[%arg0, %mul3A_32, %dma_wait3A] : memref<2x10240x128xf32, #tpu.memory_space<hbm>> -> memref<1x640x128xf32, #tpu.memory_space<hbm>>
      %dma_wait3A_38 = tpu.memref_squeeze %dma_wait3A_37 : memref<1x640x128xf32, #tpu.memory_space<hbm>> -> memref<640x128xf32, #tpu.memory_space<hbm>>
      %dma_wait3A_39 = arith.constant 0 : i32
      %dma_wait3A_40 = tpu.memref_slice %arg6[%mul3A_30, %dma_wait3A_39] : memref<10240x128xf32, #tpu.memory_space<vmem_shared>> -> memref<640x128xf32, #tpu.memory_space<vmem_shared>>
      tpu.wait_dma2 semaphore(%run_scoped3A : memref<!tpu.dma_semaphore, #tpu.memory_space<semaphore_mem>>) src(%dma_wait3A_40 : memref<640x128xf32, #tpu.memory_space<vmem_shared>>) dst(%dma_wait3A_38 : memref<640x128xf32, #tpu.memory_space<hbm>>)
      tpu.yield
    }) : () -> ()
    return
  }
}

module attributes {stable_mosaic.version = 14 : i64} {
  func.func @_pre_body(%arg0: i32, %arg1: memref<2000x128xf32, #tpu.memory_space<vmem>>, %arg2: memref<128x128xf32, #tpu.memory_space<vmem>>, %arg3: memref<128x128xf32, #tpu.memory_space<vmem>>, %arg4: memref<1x128xf32, #tpu.memory_space<vmem>>, %arg5: memref<2000x128xf32, #tpu.memory_space<vmem>>, %arg6: memref<2000x128xf32, #tpu.memory_space<vmem>>) attributes {dimension_semantics = [#tpu.dimension_semantics<arbitrary>], iteration_bounds = array<i64: 5>, scalar_prefetch = 0 : i64, scratch_operands = 0 : i64, tpu.core_type = #tpu.core_type<tc>, window_params = [{transform_indices = @transform_0, window_bounds = array<i64: 2000, 128>}, {pipeline_mode = #tpu.pipeline_mode<synchronous>, transform_indices = @transform_1, window_bounds = array<i64: 128, 128>}, {pipeline_mode = #tpu.pipeline_mode<synchronous>, transform_indices = @transform_2, window_bounds = array<i64: 128, 128>}, {pipeline_mode = #tpu.pipeline_mode<synchronous>, transform_indices = @transform_3, window_bounds = array<i64: 1, 128>}, {transform_indices = @transform_4, window_bounds = array<i64: 2000, 128>}, {transform_indices = @transform_5, window_bounds = array<i64: 2000, 128>}]} {
    %get3A = arith.constant 0 : index
    %get3A_0 = arith.constant 0 : index
    %get3A_1 = vector.load %arg1[%get3A, %get3A_0] : memref<2000x128xf32, #tpu.memory_space<vmem>>, vector<2000x128xf32>
    %get3A_2 = arith.constant 0 : index
    %get3A_3 = arith.constant 0 : index
    %get3A_4 = vector.load %arg2[%get3A_2, %get3A_3] : memref<128x128xf32, #tpu.memory_space<vmem>>, vector<128x128xf32>
    %dot_general3A = arith.constant dense<0.000000e+00> : vector<2000x128xf32>
    %dot_general3A_5 = tpu.matmul %get3A_1, %get3A_4, %dot_general3A {dimension_numbers = #tpu.dot_dimension_numbers<[1], [0], [0], [1], [0, 0, 1, 1], [], []>, precision = #tpu.contract_precision<fp32>, transpose_lhs_hint = false} : vector<2000x128xf32>, vector<128x128xf32>, vector<2000x128xf32> -> vector<2000x128xf32>
    %get3A_6 = arith.constant 0 : index
    %get3A_7 = arith.constant 0 : index
    %get3A_8 = vector.load %arg4[%get3A_6, %get3A_7] : memref<1x128xf32, #tpu.memory_space<vmem>>, vector<1x128xf32>
    %add3A = vector.broadcast %get3A_8 : vector<1x128xf32> to vector<2000x128xf32>
    %add3A_9 = arith.addf %dot_general3A_5, %add3A : vector<2000x128xf32>
    %swap3A = arith.constant 0 : index
    %swap3A_10 = arith.constant 0 : index
    %swap3A_11 = vector.load %arg5[%swap3A, %swap3A_10] : memref<2000x128xf32, #tpu.memory_space<vmem>>, vector<2000x128xf32>
    tpu.vector_store %arg5[%swap3A, %swap3A_10], %add3A_9 {strides = array<i32>} : memref<2000x128xf32, #tpu.memory_space<vmem>>, vector<2000x128xf32>,
    %get3A_12 = arith.constant 0 : index
    %get3A_13 = arith.constant 0 : index
    %get3A_14 = vector.load %arg3[%get3A_12, %get3A_13] : memref<128x128xf32, #tpu.memory_space<vmem>>, vector<128x128xf32>
    %dot_general3A_15 = arith.constant dense<0.000000e+00> : vector<2000x128xf32>
    %dot_general3A_16 = tpu.matmul %get3A_1, %get3A_14, %dot_general3A_15 {dimension_numbers = #tpu.dot_dimension_numbers<[1], [0], [0], [1], [0, 0, 1, 1], [], []>, precision = #tpu.contract_precision<fp32>, transpose_lhs_hint = false} : vector<2000x128xf32>, vector<128x128xf32>, vector<2000x128xf32> -> vector<2000x128xf32>
    %swap3A_17 = arith.constant 0 : index
    %swap3A_18 = arith.constant 0 : index
    %swap3A_19 = vector.load %arg6[%swap3A_17, %swap3A_18] : memref<2000x128xf32, #tpu.memory_space<vmem>>, vector<2000x128xf32>
    tpu.vector_store %arg6[%swap3A_17, %swap3A_18], %dot_general3A_16 {strides = array<i32>} : memref<2000x128xf32, #tpu.memory_space<vmem>>, vector<2000x128xf32>,
    return
  }
  func.func @transform_0(%arg0: i32) -> (i32, i32) {
    %c0_i32 = arith.constant 0 : i32
    %c0_i32_0 = arith.constant 0 : i32
    return %arg0, %c0_i32 : i32, i32
  }
  func.func @transform_1(%arg0: i32) -> (i32, i32) {
    %c0_i32 = arith.constant 0 : i32
    %c0_i32_0 = arith.constant 0 : i32
    %c0_i32_1 = arith.constant 0 : i32
    return %c0_i32, %c0_i32_0 : i32, i32
  }
  func.func @transform_2(%arg0: i32) -> (i32, i32) {
    %c0_i32 = arith.constant 0 : i32
    %c0_i32_0 = arith.constant 0 : i32
    %c0_i32_1 = arith.constant 0 : i32
    return %c0_i32, %c0_i32_0 : i32, i32
  }
  func.func @transform_3(%arg0: i32) -> (i32, i32) {
    %c0_i32 = arith.constant 0 : i32
    %c0_i32_0 = arith.constant 0 : i32
    %c0_i32_1 = arith.constant 0 : i32
    return %c0_i32, %c0_i32_0 : i32, i32
  }
  func.func @transform_4(%arg0: i32) -> (i32, i32) {
    %c0_i32 = arith.constant 0 : i32
    %c0_i32_0 = arith.constant 0 : i32
    return %arg0, %c0_i32 : i32, i32
  }
  func.func @transform_5(%arg0: i32) -> (i32, i32) {
    %c0_i32 = arith.constant 0 : i32
    %c0_i32_0 = arith.constant 0 : i32
    return %arg0, %c0_i32 : i32, i32
  }
}

module attributes {stable_mosaic.version = 14 : i64} {
  func.func @_mix_body(%arg0: i32, %arg1: memref<2000x128xf32, #tpu.memory_space<vmem>>, %arg2: memref<2x2000x128xf32, #tpu.memory_space<vmem>>, %arg3: memref<2x2000x128xf32, #tpu.memory_space<vmem>>, %arg4: memref<128x128xf32, #tpu.memory_space<vmem>>, %arg5: memref<128x128xf32, #tpu.memory_space<vmem>>, %arg6: memref<1x128xf32, #tpu.memory_space<vmem>>, %arg7: memref<2000x128xf32, #tpu.memory_space<vmem>>, %arg8: memref<2000x128xf32, #tpu.memory_space<vmem>>) attributes {dimension_semantics = [#tpu.dimension_semantics<arbitrary>], iteration_bounds = array<i64: 5>, scalar_prefetch = 0 : i64, scratch_operands = 0 : i64, tpu.core_type = #tpu.core_type<tc>, window_params = [{transform_indices = @transform_0, window_bounds = array<i64: 2000, 128>}, {transform_indices = @transform_1, window_bounds = array<i64: 2, 2000, 128>}, {transform_indices = @transform_2, window_bounds = array<i64: 2, 2000, 128>}, {pipeline_mode = #tpu.pipeline_mode<synchronous>, transform_indices = @transform_3, window_bounds = array<i64: 128, 128>}, {pipeline_mode = #tpu.pipeline_mode<synchronous>, transform_indices = @transform_4, window_bounds = array<i64: 128, 128>}, {pipeline_mode = #tpu.pipeline_mode<synchronous>, transform_indices = @transform_5, window_bounds = array<i64: 1, 128>}, {transform_indices = @transform_6, window_bounds = array<i64: 2000, 128>}, {transform_indices = @transform_7, window_bounds = array<i64: 2000, 128>}]} {
    %get3A = arith.constant 0 : index
    %get3A_0 = arith.constant 0 : index
    %get3A_1 = arith.constant 0 : index
    %get3A_2 = vector.load %arg2[%get3A, %get3A_0, %get3A_1] : memref<2x2000x128xf32, #tpu.memory_space<vmem>>, vector<1x2000x128xf32>
    %get3A_3 = vector.shape_cast %get3A_2 : vector<1x2000x128xf32> to vector<2000x128xf32>
    %get3A_4 = arith.constant 1 : index
    %get3A_5 = arith.constant 0 : index
    %get3A_6 = arith.constant 0 : index
    %get3A_7 = vector.load %arg2[%get3A_4, %get3A_5, %get3A_6] : memref<2x2000x128xf32, #tpu.memory_space<vmem>>, vector<1x2000x128xf32>
    %get3A_8 = vector.shape_cast %get3A_7 : vector<1x2000x128xf32> to vector<2000x128xf32>
    %add3A = arith.addf %get3A_3, %get3A_8 : vector<2000x128xf32>
    %get3A_9 = arith.constant 0 : index
    %get3A_10 = arith.constant 0 : index
    %get3A_11 = arith.constant 0 : index
    %get3A_12 = vector.load %arg3[%get3A_9, %get3A_10, %get3A_11] : memref<2x2000x128xf32, #tpu.memory_space<vmem>>, vector<1x2000x1xf32>
    %get3A_13 = vector.shape_cast %get3A_12 : vector<1x2000x1xf32> to vector<2000x1xf32>
    %get3A_14 = arith.constant 1 : index
    %get3A_15 = arith.constant 0 : index
    %get3A_16 = arith.constant 0 : index
    %get3A_17 = vector.load %arg3[%get3A_14, %get3A_15, %get3A_16] : memref<2x2000x128xf32, #tpu.memory_space<vmem>>, vector<1x2000x1xf32>
    %get3A_18 = vector.shape_cast %get3A_17 : vector<1x2000x1xf32> to vector<2000x1xf32>
    %add3A_19 = arith.addf %get3A_13, %get3A_18 : vector<2000x1xf32>
    %max3A = arith.constant 1.000000e+00 : f32
    %max3A_20 = vector.broadcast %max3A : f32 to vector<2000x1xf32>
    %max3A_21 = arith.maximumf %add3A_19, %max3A_20 : vector<2000x1xf32>
    %div3A = arith.constant 1.000000e+00 : f32
    %div3A_22 = vector.broadcast %div3A : f32 to vector<2000x1xf32>
    %div3A_23 = arith.divf %div3A_22, %max3A_21 : vector<2000x1xf32>
    %get3A_24 = arith.constant 0 : index
    %get3A_25 = arith.constant 0 : index
    %get3A_26 = vector.load %arg1[%get3A_24, %get3A_25] : memref<2000x128xf32, #tpu.memory_space<vmem>>, vector<2000x128xf32>
    %mul3A = vector.broadcast %div3A_23 : vector<2000x1xf32> to vector<2000x128xf32>
    %mul3A_27 = arith.mulf %add3A, %mul3A : vector<2000x128xf32>
    %add3A_28 = arith.addf %get3A_26, %mul3A_27 : vector<2000x128xf32>
    %max3A_29 = arith.constant 0.000000e+00 : f32
    %max3A_30 = vector.broadcast %max3A_29 : f32 to vector<2000x128xf32>
    %max3A_31 = arith.maximumf %add3A_28, %max3A_30 : vector<2000x128xf32>
    %get3A_32 = arith.constant 0 : index
    %get3A_33 = arith.constant 0 : index
    %get3A_34 = vector.load %arg4[%get3A_32, %get3A_33] : memref<128x128xf32, #tpu.memory_space<vmem>>, vector<128x128xf32>
    %dot_general3A = arith.constant dense<0.000000e+00> : vector<2000x128xf32>
    %dot_general3A_35 = tpu.matmul %max3A_31, %get3A_34, %dot_general3A {dimension_numbers = #tpu.dot_dimension_numbers<[1], [0], [0], [1], [0, 0, 1, 1], [], []>, precision = #tpu.contract_precision<fp32>, transpose_lhs_hint = false} : vector<2000x128xf32>, vector<128x128xf32>, vector<2000x128xf32> -> vector<2000x128xf32>
    %get3A_36 = arith.constant 0 : index
    %get3A_37 = arith.constant 0 : index
    %get3A_38 = vector.load %arg6[%get3A_36, %get3A_37] : memref<1x128xf32, #tpu.memory_space<vmem>>, vector<1x128xf32>
    %add3A_39 = vector.broadcast %get3A_38 : vector<1x128xf32> to vector<2000x128xf32>
    %add3A_40 = arith.addf %dot_general3A_35, %add3A_39 : vector<2000x128xf32>
    %swap3A = arith.constant 0 : index
    %swap3A_41 = arith.constant 0 : index
    %swap3A_42 = vector.load %arg7[%swap3A, %swap3A_41] : memref<2000x128xf32, #tpu.memory_space<vmem>>, vector<2000x128xf32>
    tpu.vector_store %arg7[%swap3A, %swap3A_41], %add3A_40 {strides = array<i32>} : memref<2000x128xf32, #tpu.memory_space<vmem>>, vector<2000x128xf32>,
    %get3A_43 = arith.constant 0 : index
    %get3A_44 = arith.constant 0 : index
    %get3A_45 = vector.load %arg5[%get3A_43, %get3A_44] : memref<128x128xf32, #tpu.memory_space<vmem>>, vector<128x128xf32>
    %dot_general3A_46 = arith.constant dense<0.000000e+00> : vector<2000x128xf32>
    %dot_general3A_47 = tpu.matmul %max3A_31, %get3A_45, %dot_general3A_46 {dimension_numbers = #tpu.dot_dimension_numbers<[1], [0], [0], [1], [0, 0, 1, 1], [], []>, precision = #tpu.contract_precision<fp32>, transpose_lhs_hint = false} : vector<2000x128xf32>, vector<128x128xf32>, vector<2000x128xf32> -> vector<2000x128xf32>
    %swap3A_48 = arith.constant 0 : index
    %swap3A_49 = arith.constant 0 : index
    %swap3A_50 = vector.load %arg8[%swap3A_48, %swap3A_49] : memref<2000x128xf32, #tpu.memory_space<vmem>>, vector<2000x128xf32>
    tpu.vector_store %arg8[%swap3A_48, %swap3A_49], %dot_general3A_47 {strides = array<i32>} : memref<2000x128xf32, #tpu.memory_space<vmem>>, vector<2000x128xf32>,
    return
  }
  func.func @transform_0(%arg0: i32) -> (i32, i32) {
    %c0_i32 = arith.constant 0 : i32
    %c0_i32_0 = arith.constant 0 : i32
    return %arg0, %c0_i32 : i32, i32
  }
  func.func @transform_1(%arg0: i32) -> (i32, i32, i32) {
    %c0_i32 = arith.constant 0 : i32
    %c0_i32_0 = arith.constant 0 : i32
    %c0_i32_1 = arith.constant 0 : i32
    return %c0_i32, %arg0, %c0_i32_0 : i32, i32, i32
  }
  func.func @transform_2(%arg0: i32) -> (i32, i32, i32) {
    %c0_i32 = arith.constant 0 : i32
    %c0_i32_0 = arith.constant 0 : i32
    %c0_i32_1 = arith.constant 0 : i32
    return %c0_i32, %arg0, %c0_i32_0 : i32, i32, i32
  }
  func.func @transform_3(%arg0: i32) -> (i32, i32) {
    %c0_i32 = arith.constant 0 : i32
    %c0_i32_0 = arith.constant 0 : i32
    %c0_i32_1 = arith.constant 0 : i32
    return %c0_i32, %c0_i32_0 : i32, i32
  }
  func.func @transform_4(%arg0: i32) -> (i32, i32) {
    %c0_i32 = arith.constant 0 : i32
    %c0_i32_0 = arith.constant 0 : i32
    %c0_i32_1 = arith.constant 0 : i32
    return %c0_i32, %c0_i32_0 : i32, i32
  }
  func.func @transform_5(%arg0: i32) -> (i32, i32) {
    %c0_i32 = arith.constant 0 : i32
    %c0_i32_0 = arith.constant 0 : i32
    %c0_i32_1 = arith.constant 0 : i32
    return %c0_i32, %c0_i32_0 : i32, i32
  }
  func.func @transform_6(%arg0: i32) -> (i32, i32) {
    %c0_i32 = arith.constant 0 : i32
    %c0_i32_0 = arith.constant 0 : i32
    return %arg0, %c0_i32 : i32, i32
  }
  func.func @transform_7(%arg0: i32) -> (i32, i32) {
    %c0_i32 = arith.constant 0 : i32
    %c0_i32_0 = arith.constant 0 : i32
    return %arg0, %c0_i32 : i32, i32
  }
}

module attributes {stable_mosaic.version = 14 : i64} {
  func.func @_fin_body(%arg0: i32, %arg1: memref<2000x128xf32, #tpu.memory_space<vmem>>, %arg2: memref<2x2000x128xf32, #tpu.memory_space<vmem>>, %arg3: memref<2x2000x128xf32, #tpu.memory_space<vmem>>, %arg4: memref<128x128xf32, #tpu.memory_space<vmem>>, %arg5: memref<1x128xf32, #tpu.memory_space<vmem>>, %arg6: memref<2000x128xf32, #tpu.memory_space<vmem>>) attributes {dimension_semantics = [#tpu.dimension_semantics<arbitrary>], iteration_bounds = array<i64: 5>, scalar_prefetch = 0 : i64, scratch_operands = 0 : i64, tpu.core_type = #tpu.core_type<tc>, window_params = [{transform_indices = @transform_0, window_bounds = array<i64: 2000, 128>}, {transform_indices = @transform_1, window_bounds = array<i64: 2, 2000, 128>}, {transform_indices = @transform_2, window_bounds = array<i64: 2, 2000, 128>}, {pipeline_mode = #tpu.pipeline_mode<synchronous>, transform_indices = @transform_3, window_bounds = array<i64: 128, 128>}, {pipeline_mode = #tpu.pipeline_mode<synchronous>, transform_indices = @transform_4, window_bounds = array<i64: 1, 128>}, {transform_indices = @transform_5, window_bounds = array<i64: 2000, 128>}]} {
    %get3A = arith.constant 0 : index
    %get3A_0 = arith.constant 0 : index
    %get3A_1 = arith.constant 0 : index
    %get3A_2 = vector.load %arg2[%get3A, %get3A_0, %get3A_1] : memref<2x2000x128xf32, #tpu.memory_space<vmem>>, vector<1x2000x128xf32>
    %get3A_3 = vector.shape_cast %get3A_2 : vector<1x2000x128xf32> to vector<2000x128xf32>
    %get3A_4 = arith.constant 1 : index
    %get3A_5 = arith.constant 0 : index
    %get3A_6 = arith.constant 0 : index
    %get3A_7 = vector.load %arg2[%get3A_4, %get3A_5, %get3A_6] : memref<2x2000x128xf32, #tpu.memory_space<vmem>>, vector<1x2000x128xf32>
    %get3A_8 = vector.shape_cast %get3A_7 : vector<1x2000x128xf32> to vector<2000x128xf32>
    %add3A = arith.addf %get3A_3, %get3A_8 : vector<2000x128xf32>
    %get3A_9 = arith.constant 0 : index
    %get3A_10 = arith.constant 0 : index
    %get3A_11 = arith.constant 0 : index
    %get3A_12 = vector.load %arg3[%get3A_9, %get3A_10, %get3A_11] : memref<2x2000x128xf32, #tpu.memory_space<vmem>>, vector<1x2000x1xf32>
    %get3A_13 = vector.shape_cast %get3A_12 : vector<1x2000x1xf32> to vector<2000x1xf32>
    %get3A_14 = arith.constant 1 : index
    %get3A_15 = arith.constant 0 : index
    %get3A_16 = arith.constant 0 : index
    %get3A_17 = vector.load %arg3[%get3A_14, %get3A_15, %get3A_16] : memref<2x2000x128xf32, #tpu.memory_space<vmem>>, vector<1x2000x1xf32>
    %get3A_18 = vector.shape_cast %get3A_17 : vector<1x2000x1xf32> to vector<2000x1xf32>
    %add3A_19 = arith.addf %get3A_13, %get3A_18 : vector<2000x1xf32>
    %max3A = arith.constant 1.000000e+00 : f32
    %max3A_20 = vector.broadcast %max3A : f32 to vector<2000x1xf32>
    %max3A_21 = arith.maximumf %add3A_19, %max3A_20 : vector<2000x1xf32>
    %div3A = arith.constant 1.000000e+00 : f32
    %div3A_22 = vector.broadcast %div3A : f32 to vector<2000x1xf32>
    %div3A_23 = arith.divf %div3A_22, %max3A_21 : vector<2000x1xf32>
    %get3A_24 = arith.constant 0 : index
    %get3A_25 = arith.constant 0 : index
    %get3A_26 = vector.load %arg1[%get3A_24, %get3A_25] : memref<2000x128xf32, #tpu.memory_space<vmem>>, vector<2000x128xf32>
    %mul3A = vector.broadcast %div3A_23 : vector<2000x1xf32> to vector<2000x128xf32>
    %mul3A_27 = arith.mulf %add3A, %mul3A : vector<2000x128xf32>
    %add3A_28 = arith.addf %get3A_26, %mul3A_27 : vector<2000x128xf32>
    %max3A_29 = arith.constant 0.000000e+00 : f32
    %max3A_30 = vector.broadcast %max3A_29 : f32 to vector<2000x128xf32>
    %max3A_31 = arith.maximumf %add3A_28, %max3A_30 : vector<2000x128xf32>
    %get3A_32 = arith.constant 0 : index
    %get3A_33 = arith.constant 0 : index
    %get3A_34 = vector.load %arg4[%get3A_32, %get3A_33] : memref<128x128xf32, #tpu.memory_space<vmem>>, vector<128x128xf32>
    %dot_general3A = arith.constant dense<0.000000e+00> : vector<2000x128xf32>
    %dot_general3A_35 = tpu.matmul %max3A_31, %get3A_34, %dot_general3A {dimension_numbers = #tpu.dot_dimension_numbers<[1], [0], [0], [1], [0, 0, 1, 1], [], []>, precision = #tpu.contract_precision<fp32>, transpose_lhs_hint = false} : vector<2000x128xf32>, vector<128x128xf32>, vector<2000x128xf32> -> vector<2000x128xf32>
    %get3A_36 = arith.constant 0 : index
    %get3A_37 = arith.constant 0 : index
    %get3A_38 = vector.load %arg5[%get3A_36, %get3A_37] : memref<1x128xf32, #tpu.memory_space<vmem>>, vector<1x128xf32>
    %add3A_39 = vector.broadcast %get3A_38 : vector<1x128xf32> to vector<2000x128xf32>
    %add3A_40 = arith.addf %dot_general3A_35, %add3A_39 : vector<2000x128xf32>
    %swap3A = arith.constant 0 : index
    %swap3A_41 = arith.constant 0 : index
    %swap3A_42 = vector.load %arg6[%swap3A, %swap3A_41] : memref<2000x128xf32, #tpu.memory_space<vmem>>, vector<2000x128xf32>
    tpu.vector_store %arg6[%swap3A, %swap3A_41], %add3A_40 {strides = array<i32>} : memref<2000x128xf32, #tpu.memory_space<vmem>>, vector<2000x128xf32>,
    return
  }
  func.func @transform_0(%arg0: i32) -> (i32, i32) {
    %c0_i32 = arith.constant 0 : i32
    %c0_i32_0 = arith.constant 0 : i32
    return %arg0, %c0_i32 : i32, i32
  }
  func.func @transform_1(%arg0: i32) -> (i32, i32, i32) {
    %c0_i32 = arith.constant 0 : i32
    %c0_i32_0 = arith.constant 0 : i32
    %c0_i32_1 = arith.constant 0 : i32
    return %c0_i32, %arg0, %c0_i32_0 : i32, i32, i32
  }
  func.func @transform_2(%arg0: i32) -> (i32, i32, i32) {
    %c0_i32 = arith.constant 0 : i32
    %c0_i32_0 = arith.constant 0 : i32
    %c0_i32_1 = arith.constant 0 : i32
    return %c0_i32, %arg0, %c0_i32_0 : i32, i32, i32
  }
  func.func @transform_3(%arg0: i32) -> (i32, i32) {
    %c0_i32 = arith.constant 0 : i32
    %c0_i32_0 = arith.constant 0 : i32
    %c0_i32_1 = arith.constant 0 : i32
    return %c0_i32, %c0_i32_0 : i32, i32
  }
  func.func @transform_4(%arg0: i32) -> (i32, i32) {
    %c0_i32 = arith.constant 0 : i32
    %c0_i32_0 = arith.constant 0 : i32
    %c0_i32_1 = arith.constant 0 : i32
    return %c0_i32, %c0_i32_0 : i32, i32
  }
  func.func @transform_5(%arg0: i32) -> (i32, i32) {
    %c0_i32 = arith.constant 0 : i32
    %c0_i32_0 = arith.constant 0 : i32
    return %arg0, %c0_i32 : i32, i32
  }
}

</mosaic_0001>

<sc_bundles>
// kernel: kernel.11.cloned.1.call-start
scs
__scs_entry_jumppad:
0x0: {  	(pc) =	sbr.rel $0x88, $3  }
0x1: {  	(tag) =	ssettag $0x0;
	lr =	simm.s32 $0x1  }
0x2: {  	[smem:$0x3F97] =	sst lr;
	_ =	strace $0xD0000000  }
0x3: {  	_ = 	snop  }
0x4: {  	_ = 	snop  }
0x5: {  	_ = 	snop  }
0x6: {  	_ = 	snop  }
0x7: {  	_ = 	snop  }
__scs_overlays_trampoline_lowered:
0x8: {  	[smem:$0x3FA6] =	sst s0  }
0x9: {  	[smem:$0x3FA7] =	sst s1  }
0xa: {  	[smem:$0x3FA8] =	sst s2  }
0xb: {  	[smem:$0x3FA9] =	sst s3  }
0xc: {  	[smem:$0x3FAA] =	sst s4  }
0xd: {  	[smem:$0x3FAB] =	sst s5  }
0xe: {  	[smem:$0x3FAC] =	sst s6  }
0xf: {  	[smem:$0x3FAD] =	sst s7  }
0x10: {  	[smem:$0x3FAE] =	sst s8  }
0x11: {  	[smem:$0x3FAF] =	sst s9;
	s0 =	simm.s32 @!p0 $0x0  }
0x12: {  	s1 =	sld [smem:$0x3F95];
	s0 =	simm.s32 @p0 $0x1  }
0x13: {  	[smem:$0x3FB0] =	sst s0;
	s0 =	simm.s32 @!p1 $0x0  }
0x14: {  	s2 =	sld [smem:$0x3F94];
	s0 =	simm.s32 @p1 $0x1  }
0x15: {  	[smem:$0x3FB1] =	sst s0;
	s0 =	simm.s32 @!p2 $0x0  }
0x16: {  	s3 =	sld [smem:$0x3FDB];
	s0 =	simm.s32 @p2 $0x1  }
0x17: {  	s4 =	simm.s32 $0x1BF5;
	[smem:$0x3FB3] =	sst s0  }
0x18: {  	s0 =	sld [smem:$0x3F96];
	_ =	swait.ge [sflag:s4], $0x0  }
0x19: {  	s7 =	sld [smem:$0x3F97]  }
0x1a: {  	s8 =	sadd.s32 $0xFFFFE003, lr  }
0x1b: {  	s9 =	sadd.s32 $0xFFFFFEF7, lr;
	s5 =	simm.s32 $0xFFFFFFFF;
	p2 =	slt.u32 s8, $0xFFFFF086  }
0x1c: {  	p1 =	slt.u32 s9, $0xF7A;
	s5 =	simm.s32 @!p2 $0x0  }
0x1d: {  	s5 =	simm.s32 @p1 $0x1;
	p0 =	seq.s32 s7, s2  }
0x1e: {  	s7 =	smul.u32 @!p0 $0xF7A, s2;
	p2 =	seq.s32 @!p0 s5, $0x0  }
0x1f: {  	s9 =	smul.u32 $0xF7A, s1;
	s8 =	simm.s32 @!p0 $0x1BF5;
	p2 =	por !p2, p0  }
0x20: {  	[sflag:s8] =	ssyncset.s32 @!p0 $0xFFFFF086;
	s6 =	sadd.s32 @!p0 s3, s7;
	s7 =	simm.s32 @!p0 $0x108  }
0x21: {  	s3 =	sadd.s32 s3, s9;
	s6 =	sadd.s32 @!p0 $0x88, s6;
	s7 =	simm.s32 @p2 $0x1082  }
0x22: {  	[simem:s7], [sflag:s8] =	dma.local @!p0 [hbm:s6], $0xF7A  }
0x23: {  	s9 =	sor.u32 $0xD0000000, s2;
	s6 =	simm.s32 $0x108;
	_ =	swait.ge @!p0 [sflag:s8], $0x0  }
0x24: {  	s3 =	sadd.s32 $0x88, s3;
	s6 =	simm.s32 @!p1 $0x1082;
	[sflag:s4] =	ssyncset.s32 $0xFFFFF086  }
0x25: {  	[simem:s6], [sflag:s4] =	dma.local [hbm:s3], $0xF7A  }
0x26: {  	[smem:$0x3F97] =	sst s1;
	(tag) =	ssettag s2;
	_ =	strace s9  }
0x27: {  	s1 =	sld [smem:$0x3FA7]  }
0x28: {  	s2 =	sld [smem:$0x3FA8]  }
0x29: {  	s4 =	sld [smem:$0x3FAA]  }
0x2a: {  	p0 =	seq.s32 s5, $0x0;
	s5 =	sld [smem:$0x3FAB]  }
0x2b: {  	s6 =	sld [smem:$0x3FAC]  }
0x2c: {  	s7 =	sld [smem:$0x3FAD]  }
0x2d: {  	s3 =	simm.s32 $0x108;
	s8 =	sld [smem:$0x3FAE]  }
0x2e: {  	s3 =	simm.s32 @!p0 $0x1082;
	s9 =	sld [smem:$0x3FAF]  }
0x2f: {  	lr =	sadd.s32 s0, s3;
	s0 =	sld [smem:$0x3FA6]  }
0x30: {  	s3 =	sld [smem:$0x3FA9]  }
0x31: {  	[smem:$0x3FB2] =	sst s10  }
0x32: {  	s10 =	sld [smem:$0x3FB0];
	_ =	sdelay $0x3  }
0x33: {  	p0 =	seq.s32 s10, $0x1;
	s10 =	sld [smem:$0x3FB2];
	_ =	sdelay $0x3  }
0x34: {  	[smem:$0x3FB2] =	sst s10  }
0x35: {  	s10 =	sld [smem:$0x3FB1];
	_ =	sdelay $0x3  }
0x36: {  	p1 =	seq.s32 s10, $0x1;
	s10 =	sld [smem:$0x3FB2];
	_ =	sdelay $0x3  }
0x37: {  	[smem:$0x3FB2] =	sst s10  }
0x38: {  	s10 =	sld [smem:$0x3FB3]  }
0x39: {  	_ = 	snop;
	(pc) =	sbr.ind lr, $3  }
0x3a: {  	_ = 	snop  }
0x3b: {  	_ = 	snop  }
0x3c: {  	p2 =	seq.s32 s10, $0x1;
	s10 =	sld [smem:$0x3FB2]  }
0x3d: {  	_ =	shalt  }
0x3e: {  	_ =	shalt  }
0x3f: {  	_ =	shalt  }
0x40: {  	_ =	shalt  }
0x41: {  	_ =	shalt  }
0x42: {  	_ =	shalt  }
0x43: {  	_ =	shalt  }
0x44: {  	_ =	shalt  }
0x45: {  	_ =	shalt  }
0x46: {  	_ =	shalt  }
0x47: {  	_ =	shalt  }
0x48: {  	_ =	shalt  }
0x49: {  	_ =	shalt  }
0x4a: {  	_ =	shalt  }
0x4b: {  	_ =	shalt  }
0x4c: {  	_ =	shalt  }
0x4d: {  	_ =	shalt  }
0x4e: {  	_ =	shalt  }
0x4f: {  	_ =	shalt  }
0x50: {  	_ =	shalt  }
0x51: {  	_ =	shalt  }
0x52: {  	_ =	shalt  }
0x53: {  	_ =	shalt  }
0x54: {  	_ =	shalt  }
0x55: {  	_ =	shalt  }
0x56: {  	_ =	shalt  }
0x57: {  	_ =	shalt  }
0x58: {  	_ =	shalt  }
0x59: {  	_ =	shalt  }
0x5a: {  	_ =	shalt  }
0x5b: {  	_ =	shalt  }
0x5c: {  	_ =	shalt  }
0x5d: {  	_ =	shalt  }
0x5e: {  	_ =	shalt  }
0x5f: {  	_ =	shalt  }
0x60: {  	_ =	shalt  }
0x61: {  	_ =	shalt  }
0x62: {  	_ =	shalt  }
0x63: {  	_ =	shalt  }
0x64: {  	_ =	shalt  }
0x65: {  	_ =	shalt  }
0x66: {  	_ =	shalt  }
0x67: {  	_ =	shalt  }
0x68: {  	_ =	shalt  }
0x69: {  	_ =	shalt  }
0x6a: {  	_ =	shalt  }
0x6b: {  	_ =	shalt  }
0x6c: {  	_ =	shalt  }
0x6d: {  	_ =	shalt  }
0x6e: {  	_ =	shalt  }
0x6f: {  	_ =	shalt  }
0x70: {  	_ =	shalt  }
0x71: {  	_ =	shalt  }
0x72: {  	_ =	shalt  }
0x73: {  	_ =	shalt  }
0x74: {  	_ =	shalt  }
0x75: {  	_ =	shalt  }
0x76: {  	_ =	shalt  }
0x77: {  	_ =	shalt  }
0x78: {  	_ =	shalt  }
0x79: {  	_ =	shalt  }
0x7a: {  	_ =	shalt  }
0x7b: {  	_ =	shalt  }
0x7c: {  	_ =	shalt  }
0x7d: {  	_ =	shalt  }
0x7e: {  	_ =	shalt  }
0x7f: {  	_ =	shalt  }
0x80: {  	_ =	shalt  }
0x81: {  	_ =	shalt  }
0x82: {  	_ =	shalt  }
0x83: {  	_ =	shalt  }
0x84: {  	_ =	shalt  }
0x85: {  	_ =	shalt  }
0x86: {  	_ =	shalt  }
0x87: {  	_ =	shalt  }
.Lfunc_end0:
.L_simem_size_0:
called_computation.1_lowered:
.L_overlay_start_0:
0x88: {  	s2 =	sld [smem:$0x3FD9]  }
0x89: {  	s3 =	sld [smem:$0x3FFE];
	_ =	sdelay $0x1  }
0x8a: {  	s1 =	srdreg.scid  }
0x8b: {  	s0 =	sand.u32 $0x1, s1  }
0x8c: {  	s16 =	sshll.u32 s0, $0xA;
	s2 =	sadd.s32 s3, s2  }
0x8d: {  	s2 =	sadd.s32 s2, s16  }
0x8e: {  	[smem:$0x3FBE] =	sst s2  }
0x8f: {  	_ = 	snop  }
0x90: {  	(tm) =	ssettm $0x1  }
0x91: {  	s17 =	sld [smem:$0x3FFB];
	_ =	sdelay $0x3  }
0x92: {  	_ =	strace s17  }
0x93: {  	s2 =	sld [smem:$0x3FFC];
	_ =	sdelay $0x3  }
0x94: {  	_ =	strace s2  }
0x95: {  	s2 =	sld [smem:$0x3FFD];
	_ =	sdelay $0x3  }
0x96: {  	_ =	strace s2  }
0x97: {  	_ =	strace $0x8FFFFFFF  }
0x98: {  	s18 =	sld [smem:$0x3FDB];
	_ =	sdelay $0x1  }
0x99: {  	s19 =	simm.s32 $_scs_section_size  }
0x9a: {  	s4 =	simm.s32 $_size__tile_overlayer_lowered;
	s5 =	simm.s32 $_tile_overlayer_lowered  }
0x9b: {  	s22 =	simm.s32 $0x1BFF;
	s21 =	sshll.u32 s5, $0x1;
	s2 =	sadd.s32 s19, s18  }
0x9c: {  	s6 =	simm.s32 $0x0;
	s20 =	sshll.u32 s4, $0x1;
	s4 =	sadd.s32 s21, s2  }
0x9d: {  	[timem:s6], [sflag:s22] =	dma.local [hbm:s4], s20  }
0x9e: {  	_ =	swait.ge [sflag:s22], s20  }
0x9f: {  	s3 =	ssub.s32 $0x0, s20;
	[sflag:s22] =	ssyncset.done $0x0  }
0xa0: {  	[sflag:s22] =	ssyncadd.s32 s3;
	_ =	sdelay $0x1  }
0xa1: {  	s23 =	simm.s32 $0x1B8B  }
0xa2: {  	_ =	swait.ge [sflag:s23], $0x1  }
0xa3: {  	[sflag:s23] =	ssyncset.done $0x0  }
0xa4: {  	s25 =	simm.s32 $0x1B8E;
	s24 =	sld [smem:$0x3FFE];
	[sflag:s23] =	ssyncadd.s32 $0xFFFFFFFF  }
0xa5: {  	s26 =	simm.s32 $execute0_lowered;
	[smem:$0x3FD2] =	sst s25  }
0xa6: {  	s4 =	sshll.u32 s26, $0x1;
	_ =	strace $0x80000046;
	[dreg:$0x1] =	wrdreg $0xFFFFFFFF  }
0xa7: {  	s28 =	simm.s32 $_size_execute0_lowered;
	s2 =	sadd.s32 s2, s4;
	[dreg:$0x0] =	wrdreg $0x0  }
0xa8: {  	s4 =	sshll.u32 s28, $0x1;
	[dreg:$0x2] =	wrdreg s2  }
0xa9: {  	[dreg:$0x3] =	wrdreg s4  }
0xaa: {  	[dreg:$0x4] =	wrdreg $0xC0  }
0xab: {  	_ =	task [dreg:s6], $0x5FFFF  }
0xac: {  	[dreg:$0x1] =	wrdreg $0xFFFFFFFF  }
0xad: {  	[dreg:$0x0] =	wrdreg $0x60  }
0xae: {  	[dreg:$0x2] =	wrdreg s24  }
0xaf: {  	[dreg:$0x3] =	wrdreg $0xA4000  }
0xb0: {  	[dreg:$0x4] =	wrdreg $0xA  }
0xb1: {  	_ =	task.clear_ibuf [dreg:s6], $0x5FFFF;
	_ =	strace $0x90000046  }
0xb2: {  	s29 =	simm.s32 $0xA;
	_ =	strace $0x80000048  }
0xb3: {  	_ =	swait.ge [sflag:s29], $0x1  }
0xb4: {  	[sflag:s29] =	ssyncadd.s32 $0xFFFFFFFF  }
0xb5: {  	_ =	strace $0x90000048  }
0xb6: {  	_ =	sfence  }
0xb7: {  	s30 =	sld [smem:$0x0];
	_ =	sdelay $0x2  }
0xb8: {  	s31 =	sshll.u32 s1, $0xD;
	s1 =	sshrl.u32 s1, $0x2  }
0xb9: {  	s3 =	sand.u32 $0x4000, s31;
	s1 =	sadd.s32 s1, s30  }
0xba: {  	s0 =	sor.u32 s3, s0;
	s1 =	sshll.u32 s1, $0x11  }
0xbb: {  	s0 =	sor.u32 s1, s0  }
0xbc: {  	s0 =	sadd.s32 $0x8F2B, s0  }
0xbd: {  	[sflag:s0] =	ssyncadd.remote.s32 $0x1  }
0xbe: {  	_ =	sfence.sel $0xFFFF  }
0xbf: {  	[dreg:$0x0] =	wrdreg $0xFFFFFFFF;
	(pc) =	sbr.abs _section_cstart, $3  }
0xc0: {  	[dreg:$0x1] =	wrdreg $0xFFFFFFFF  }
0xc1: {  	_ =	task.clear_ibuf [dreg:s6], $0x2FFFF;
	_ =	strace $0x9FFFFFFF  }
0xc2: {  	(tm) =	ssettm $0x7FFFFFFF  }
0xc3: {  	_ =	shalt  }
tec
execute0_lowered:
.L_overlay_start_1:
0x0: {  	(tag) =	ssettag $0x1  }
0x1: {  	s0 =	rddreg [dreg:$0x0]  }
0x2: {  	s1 =	rddreg [dreg:$0x1];
	s2 =	srdreg.scid  }
0x3: {  	s3 =	simm.s32 $0x0;
	s11 =	stileid.u32;
	s29 =	simm.s32 $0x400  }
0x4: {  	s30 =	simm.s32 $0x4;
	s31 =	simm.s32 $0x200;
	s7 =	smul.u32 $0x14000, s11  }
0x5: {  	s2 =	sand.u32 $0x1, s2;
	[smem:$0x7FF] =	sst s3;
	s24 =	smul.u32 $0x4E20, s11  }
0x6: {  	s5 =	sshll.u32 s11, $0x1;
	s4 =	sadd.s32 $0x15800, s0;
	s11 =	smul.u32 $0x50000, s11  }
0x7: {  	s6 =	smul.u32 $0x140000, s2;
	_ =	strace $0x80000047;
	s8 =	sor.u32 s2, s5  }
0x8: {  	s5 =	sadd.s32 $0xBA00, s0;
	s9 =	ssub.s32 $0x2, s2;
	s8 =	smul.u32 $0x2710, s8  }
0x9: {  	s2 =	smul.u32 $0x2710, s2;
	s18 =	sshrl.u32 s9, $0x1;
	s7 =	sadd.s32 s7, s6  }
0xa: {  	s6 =	sadd.s32 $0x1C00, s0;
	s7 =	sshrl.u32 s7, $0x3;
	s8 =	sshrl.u32 s8, $0x3  }
0xb: {  	s2 =	sadd.s32 s2, s24;
	s0 =	sadd.s32 s7, s0;
	s19 =	sadd.s32 s5, s8  }
0xc: {  	s20 =	sadd.s32 $0xA, s8;
	s10 =	sadd.s32 s6, s8;
	[dreg:$0x9] =	wrdreg s19  }
0xd: {  	s7 =	ssub.s32 s9, s18;
	[dreg:$0xa] =	wrdreg s10;
	s21 =	sadd.s32 s5, s20  }
0xe: {  	s22 =	sadd.s32 $0x14, s8;
	s9 =	sadd.s32 s6, s20;
	[dreg:$0xb] =	wrdreg s21  }
0xf: {  	s13 =	sadd.s32 $0x1E0, s2;
	s23 =	sadd.s32 s5, s22;
	[dreg:$0xc] =	wrdreg s9  }
0x10: {  	s25 =	sadd.s32 $0x1E, s8;
	s10 =	sadd.s32 s6, s22;
	[dreg:$0xd] =	wrdreg s23  }
0x11: {  	s8 =	sadd.s32 $0x4D8, s8;
	s12 =	sadd.s32 s5, s25;
	[dreg:$0xe] =	wrdreg s10  }
0x12: {  	s16 =	sadd.s32 $0x190, s2;
	s26 =	sadd.s32 s5, s8;
	[dreg:$0xf] =	wrdreg s12  }
0x13: {  	s14 =	sshrl.u32 s13, $0x3;
	s8 =	sadd.s32 s6, s8;
	[dreg:$0x11] =	wrdreg s26  }
0x14: {  	s13 =	simm.s32 $0x380;
	s0 =	sadd.s32 $0x3D800, s0;
	[dreg:$0x12] =	wrdreg s8  }
0x15: {  	s7 =	smax.u32 s7, $0x1;
	s15 =	sadd.s32 s14, s6;
	[dreg:$0x13] =	wrdreg s0  }
0x16: {  	s17 =	sadd.s32 s14, s5;
	s19 =	sshrl.u32 s16, $0x3;
	[dreg:$0x14] =	wrdreg s7  }
0x17: {  	s14 =	simm.s32 $0x7C00;
	s16 =	simm.s32 $0x3;
	[dreg:$0x5] =	wrdreg s15  }
0x18: {  	s10 =	sadd.s32 s6, s25;
	s9 =	sadd.s32 $0x230, s2;
	[dreg:$0x6] =	wrdreg s17  }
0x19: {  	s21 =	sadd.s32 s19, s6;
	s23 =	sadd.s32 s19, s5;
	s7 =	simm.s32 $0x280  }
0x1a: {  	s8 =	simm.s32 $0x2C00;
	s15 =	simm.s32 $0x1;
	[dreg:$0x10] =	wrdreg s10  }
0x1b: {  	s10 =	sshrl.u32 s11, $0x2;
	s11 =	sshrl.u32 s9, $0x3;
	[dreg:$0x7] =	wrdreg s21  }
0x1c: {  	s17 =	simm.s32 $0x2;
	[dreg:$0x8] =	wrdreg s23;
	s12 =	sadd.s32 s11, s6  }
0x1d: {  	s18 =	sadd.s32 s10, s1;
	s0 =	sadd.s32 s11, s5;
	[dreg:$0x3] =	wrdreg s12  }
0x1e: {  	s19 =	simm.s32 $0x0;
	[dreg:$0x4] =	wrdreg s0;
	s20 =	sadd.s32 $0x2800, s18  }
0x1f: {  	s9 =	simm.s32 $0x100;
	s22 =	sadd.s32 $0x5000, s18;
	[dreg:$0x15] =	wrdreg s20  }
0x20: {  	s10 =	simm.s32 $0x300;
	s24 =	sadd.s32 $0x7800, s18;
	[dreg:$0x16] =	wrdreg s22  }
0x21: {  	s11 =	simm.s32 $0x5400;
	s25 =	sadd.s32 $0xA000, s18;
	[dreg:$0x17] =	wrdreg s24  }
0x22: {  	s26 =	sadd.s32 $0xC800, s18;
	s28 =	sadd.s32 $0x11800, s18;
	[dreg:$0x18] =	wrdreg s25  }
0x23: {  	s0 =	simm.s32 $0x50;
	s12 =	simm.s32 $0x180;
	[dreg:$0x19] =	wrdreg s26  }
0x24: {  	v0 =	vimm.f32 $0.0e+00;
	s25 =	sadd.s32 $0x140, s2;
	s26 =	sadd.s32 $0xF000, s18;
	s2 =	simm.s32 $0x80  }
.LBB2_1:
0x25: {  	s20 =	simm.s32 $0x70;
	s21 =	simm.s32 $0x3C0  }
.LBB2_2:
0x26: {  	p0 =	sne.s32 s21, $0x9FC0;
	[tilespmem:s20+$0x400] =	vst v0  }
0x27: {  	[tilespmem:s20+$0x390] =	vst v0  }
0x28: {  	[tilespmem:s20+$0x3A0] =	vst v0  }
.Ltmp0:
0x29: {  	[tilespmem:s20+$0x3B0] =	vst v0;
	(pc) =	sbr.rel @p0 .LBB2_2-.Ltmp0, $4  }
0x2a: {  	[tilespmem:s20+$0x3C0] =	vst v0  }
0x2b: {  	[tilespmem:s20+$0x3D0] =	vst v0  }
0x2c: {  	[tilespmem:s20+$0x3E0] =	vst v0  }
0x2d: {  	[tilespmem:s20+$0x3F0] =	vst v0;
	s20 =	sshra.s32 s21, $0x2;
	s21 =	sadd.s32 $0x200, s21  }
0x2e: {  	[tilespmem:s20+$0x400] =	vst v0  }
0x2f: {  	[tilespmem:s20+$0x390] =	vst v0  }
0x30: {  	[tilespmem:s20+$0x3A0] =	vst v0  }
0x31: {  	[tilespmem:s20+$0x3B0] =	vst v0  }
0x32: {  	[tilespmem:s20+$0x3C0] =	vst v0  }
0x33: {  	[tilespmem:s20+$0x3D0] =	vst v0  }
0x34: {  	[tilespmem:s20+$0x3E0] =	vst v0  }
0x35: {  	[tilespmem:s20+$0x3F0] =	vst v0  }
0x36: {  	[spmem:s18] =	stream.linear.scatter [tilespmem:s29], [sflag:$0x4], $0x2800, $0x38;
	[tilespmem:$0x1E400] =	vst v63  }
0x37: {  	_ =	swait.ge [sflag:s30], $0x2800  }
0x38: {  	[sflag:s30] =	ssyncset.done $0x0  }
0x39: {  	s22 =	rddreg [dreg:$0x15];
	[sflag:s30] =	ssyncadd.s32 $0xFFFFD800  }
0x3a: {  	[spmem:s22] =	stream.linear.scatter [tilespmem:s29], [sflag:$0x4], $0x2800, $0x38;
	[tilespmem:$0x1E400] =	vst v63  }
0x3b: {  	_ =	swait.ge [sflag:s30], $0x2800  }
0x3c: {  	[sflag:s30] =	ssyncset.done $0x0  }
0x3d: {  	s23 =	rddreg [dreg:$0x16];
	[sflag:s30] =	ssyncadd.s32 $0xFFFFD800  }
0x3e: {  	[spmem:s23] =	stream.linear.scatter [tilespmem:s29], [sflag:$0x4], $0x2800, $0x38;
	[tilespmem:$0x1E400] =	vst v63  }
0x3f: {  	_ =	swait.ge [sflag:s30], $0x2800  }
0x40: {  	[sflag:s30] =	ssyncset.done $0x0  }
0x41: {  	s24 =	rddreg [dreg:$0x17];
	[sflag:s30] =	ssyncadd.s32 $0xFFFFD800  }
0x42: {  	[spmem:s24] =	stream.linear.scatter [tilespmem:s29], [sflag:$0x4], $0x2800, $0x38;
	[tilespmem:$0x1E400] =	vst v63  }
0x43: {  	_ =	swait.ge [sflag:s30], $0x2800  }
0x44: {  	[sflag:s30] =	ssyncset.done $0x0  }
0x45: {  	s21 =	rddreg [dreg:$0x18];
	[sflag:s30] =	ssyncadd.s32 $0xFFFFD800  }
0x46: {  	[spmem:s21] =	stream.linear.scatter [tilespmem:s29], [sflag:$0x4], $0x2800, $0x38;
	[tilespmem:$0x1E400] =	vst v63  }
0x47: {  	_ =	swait.ge [sflag:s30], $0x2800  }
0x48: {  	[sflag:s30] =	ssyncset.done $0x0  }
0x49: {  	s22 =	rddreg [dreg:$0x19];
	[sflag:s30] =	ssyncadd.s32 $0xFFFFD800  }
0x4a: {  	[spmem:s22] =	stream.linear.scatter [tilespmem:s29], [sflag:$0x4], $0x2800, $0x38;
	[tilespmem:$0x1E400] =	vst v63  }
0x4b: {  	_ =	swait.ge [sflag:s30], $0x2800  }
0x4c: {  	[sflag:s30] =	ssyncset.done $0x0  }
0x4d: {  	[sflag:s30] =	ssyncadd.s32 $0xFFFFD800  }
0x4e: {  	[spmem:s26] =	stream.linear.scatter [tilespmem:s29], [sflag:$0x4], $0x2800, $0x38;
	[tilespmem:$0x1E400] =	vst v63  }
0x4f: {  	_ =	swait.ge [sflag:s30], $0x2800  }
0x50: {  	[sflag:s30] =	ssyncset.done $0x0  }
0x51: {  	[sflag:s30] =	ssyncadd.s32 $0xFFFFD800  }
0x52: {  	[spmem:s28] =	stream.linear.scatter [tilespmem:s29], [sflag:$0x4], $0x2800, $0x38;
	[tilespmem:$0x1E400] =	vst v63  }
0x53: {  	_ =	swait.ge [sflag:s30], $0x2800  }
0x54: {  	[sflag:s30] =	ssyncset.done $0x0  }
0x55: {  	[sflag:s30] =	ssyncadd.s32 $0xFFFFD800  }
0x56: {  	[bflag:$0x0] =	sbarrier.arrive $0xFFFF  }
0x57: {  	s20 =	simm.s32 $0x0;
	s21 =	rddreg [dreg:$0x9]  }
0x58: {  	[tilespmem:s20], [sflag:$0x4] =	stream.linear.gather [hbm4b:s21+s20], $0x50, $0x38;
	[tilespmem:$0x1E400] =	vst v63  }
0x59: {  	_ =	swait.ge [sflag:s30], $0x50  }
0x5a: {  	[sflag:s30] =	ssyncset.done $0x0  }
0x5b: {  	s23 =	rddreg [dreg:$0xa];
	[sflag:s30] =	ssyncadd.s32 $0xFFFFFFB0  }
0x5c: {  	[tilespmem:s31], [sflag:$0x4] =	stream.linear.gather [hbm4b:s23+s20], $0x50, $0x38;
	[tilespmem:$0x1E400] =	vst v63  }
0x5d: {  	_ =	swait.ge [sflag:s30], $0x50  }
0x5e: {  	[sflag:s30] =	ssyncset.done $0x0  }
0x5f: {  	[sflag:s30] =	ssyncadd.s32 $0xFFFFFFB0  }
0x60: {  	[tilespmem:s29], [sflag:$0x1] =	stream.indirect.gather [hbm4b:s4+s0], $0x80, s20, s0, $0xb8;
	[tilespmem:$0x1E400] =	vst v63  }
0x61: {  	s24 =	rddreg [dreg:$0xb]  }
0x62: {  	[tilespmem:s2], [sflag:$0x4] =	stream.linear.gather [hbm4b:s24+s20], $0x50, $0x38;
	[tilespmem:$0x1E400] =	vst v63  }
0x63: {  	_ =	swait.ge [sflag:s30], $0x50  }
0x64: {  	[sflag:s30] =	ssyncset.done $0x0  }
0x65: {  	s22 =	rddreg [dreg:$0xc];
	[sflag:s30] =	ssyncadd.s32 $0xFFFFFFB0  }
0x66: {  	[tilespmem:s7], [sflag:$0x4] =	stream.linear.gather [hbm4b:s22+s20], $0x50, $0x38;
	[tilespmem:$0x1E400] =	vst v63  }
0x67: {  	_ =	swait.ge [sflag:s30], $0x50  }
0x68: {  	[sflag:s30] =	ssyncset.done $0x0  }
0x69: {  	[sflag:s30] =	ssyncadd.s32 $0xFFFFFFB0  }
0x6a: {  	[tilespmem:s8], [sflag:$0x1] =	stream.indirect.gather [hbm4b:s4+s0], $0x80, s2, s0, $0xb8;
	[tilespmem:$0x1E400] =	vst v63  }
0x6b: {  	s23 =	rddreg [dreg:$0xd]  }
0x6c: {  	[tilespmem:s9], [sflag:$0x4] =	stream.linear.gather [hbm4b:s23+s20], $0x50, $0x38;
	[tilespmem:$0x1E400] =	vst v63  }
0x6d: {  	_ =	swait.ge [sflag:s30], $0x50  }
0x6e: {  	[sflag:s30] =	ssyncset.done $0x0  }
0x6f: {  	s24 =	rddreg [dreg:$0xe];
	[sflag:s30] =	ssyncadd.s32 $0xFFFFFFB0  }
0x70: {  	[tilespmem:s10], [sflag:$0x4] =	stream.linear.gather [hbm4b:s24+s20], $0x50, $0x38;
	[tilespmem:$0x1E400] =	vst v63  }
0x71: {  	_ =	swait.ge [sflag:s30], $0x50  }
0x72: {  	[sflag:s30] =	ssyncset.done $0x0  }
0x73: {  	[sflag:s30] =	ssyncadd.s32 $0xFFFFFFB0  }
0x74: {  	[tilespmem:s11], [sflag:$0x1] =	stream.indirect.gather [hbm4b:s4+s0], $0x80, s9, s0, $0xb8;
	[tilespmem:$0x1E400] =	vst v63  }
0x75: {  	s22 =	rddreg [dreg:$0xf]  }
0x76: {  	[tilespmem:s12], [sflag:$0x4] =	stream.linear.gather [hbm4b:s22+s20], $0x50, $0x38;
	[tilespmem:$0x1E400] =	vst v63  }
0x77: {  	_ =	swait.ge [sflag:s30], $0x50  }
0x78: {  	[sflag:s30] =	ssyncset.done $0x0  }
0x79: {  	s23 =	rddreg [dreg:$0x10];
	[sflag:s30] =	ssyncadd.s32 $0xFFFFFFB0  }
0x7a: {  	[tilespmem:s13], [sflag:$0x4] =	stream.linear.gather [hbm4b:s23+s20], $0x50, $0x38;
	[tilespmem:$0x1E400] =	vst v63  }
0x7b: {  	_ =	swait.ge [sflag:s30], $0x50  }
0x7c: {  	[sflag:s30] =	ssyncset.done $0x0  }
0x7d: {  	[sflag:s30] =	ssyncadd.s32 $0xFFFFFFB0  }
0x7e: {  	[tilespmem:s14], [sflag:$0x1] =	stream.indirect.gather [hbm4b:s4+s0], $0x80, s12, s0, $0xb8;
	[tilespmem:$0x1E400] =	vst v63  }
0x7f: {  	_ =	swait.ge [sflag:s15], $0x2800  }
0x80: {  	[sflag:s15] =	ssyncset.done $0x0  }
0x81: {  	[sflag:s15] =	ssyncadd.s32 $0xFFFFD800  }
0x82: {  	[spmem:s1] =	stream.indirect.scatter.add.f32 [tilespmem:s29], [sflag:$0x3], $0x80, s31, s0, $0xb8;
	[tilespmem:$0x1E400] =	vst v63  }
0x83: {  	_ =	swait.ge [sflag:s15], $0x2800  }
0x84: {  	[sflag:s15] =	ssyncset.done $0x0  }
0x85: {  	[sflag:s15] =	ssyncadd.s32 $0xFFFFD800  }
0x86: {  	[spmem:s1] =	stream.indirect.scatter.add.f32 [tilespmem:s8], [sflag:$0x3], $0x80, s7, s0, $0xb8;
	[tilespmem:$0x1E400] =	vst v63  }
0x87: {  	_ =	swait.ge [sflag:s15], $0x2800  }
0x88: {  	[sflag:s15] =	ssyncset.done $0x0  }
0x89: {  	[sflag:s15] =	ssyncadd.s32 $0xFFFFD800  }
0x8a: {  	[spmem:s1] =	stream.indirect.scatter.add.f32 [tilespmem:s11], [sflag:$0x3], $0x80, s10, s0, $0xb8;
	[tilespmem:$0x1E400] =	vst v63  }
0x8b: {  	_ =	swait.ge [sflag:s15], $0x2800  }
0x8c: {  	[sflag:s15] =	ssyncset.done $0x0  }
0x8d: {  	[sflag:s15] =	ssyncadd.s32 $0xFFFFD800  }
0x8e: {  	[spmem:s1] =	stream.indirect.scatter.add.f32 [tilespmem:s14], [sflag:$0x3], $0x80, s13, s0, $0xb8;
	[tilespmem:$0x1E400] =	vst v63  }
0x8f: {  	_ =	swait.ge [sflag:s16], $0x2800  }
0x90: {  	s24 =	sshrl.u32 s25, $0x3;
	[sflag:s16] =	ssyncset.done $0x0  }
0x91: {  	s22 =	sadd.s32 s5, s24;
	[sflag:s16] =	ssyncadd.s32 $0xFFFFD800  }
0x92: {  	[tilespmem:s3], [sflag:$0x2] =	stream.linear.gather [hbm4b:s22+s3], $0x50, $0x38;
	[tilespmem:$0x1E400] =	vst v63  }
0x93: {  	s20 =	sadd.s32 s6, s24  }
0x94: {  	[tilespmem:s31], [sflag:$0x2] =	stream.linear.gather [hbm4b:s20+s3], $0x50, $0x38;
	[tilespmem:$0x1E400] =	vst v63  }
0x95: {  	_ =	swait.ge [sflag:s16], $0x2800  }
0x96: {  	s23 =	rddreg [dreg:$0x8];
	[sflag:s16] =	ssyncset.done $0x0  }
0x97: {  	s24 =	rddreg [dreg:$0x7];
	[sflag:s16] =	ssyncadd.s32 $0xFFFFD800;
	s20 =	sadd.s32 $0x0, s23  }
0x98: {  	[tilespmem:s2], [sflag:$0x2] =	stream.linear.gather [hbm4b:s20+s3], $0x50, $0x38;
	[tilespmem:$0x1E400] =	vst v63  }
0x99: {  	s22 =	sadd.s32 $0x0, s24  }
0x9a: {  	[tilespmem:s7], [sflag:$0x2] =	stream.linear.gather [hbm4b:s22+s3], $0x50, $0x38;
	[tilespmem:$0x1E400] =	vst v63  }
0x9b: {  	_ =	swait.ge [sflag:s16], $0x2800  }
0x9c: {  	s23 =	rddreg [dreg:$0x6];
	[sflag:s16] =	ssyncset.done $0x0  }
0x9d: {  	s24 =	rddreg [dreg:$0x5];
	[sflag:s16] =	ssyncadd.s32 $0xFFFFD800;
	s20 =	sadd.s32 $0x0, s23  }
0x9e: {  	[tilespmem:s9], [sflag:$0x2] =	stream.linear.gather [hbm4b:s20+s3], $0x50, $0x38;
	[tilespmem:$0x1E400] =	vst v63  }
0x9f: {  	s21 =	sadd.s32 $0x0, s24  }
0xa0: {  	[tilespmem:s10], [sflag:$0x2] =	stream.linear.gather [hbm4b:s21+s3], $0x50, $0x38;
	[tilespmem:$0x1E400] =	vst v63  }
0xa1: {  	_ =	swait.ge [sflag:s16], $0x2800  }
0xa2: {  	s22 =	rddreg [dreg:$0x4];
	[sflag:s16] =	ssyncset.done $0x0  }
0xa3: {  	s23 =	rddreg [dreg:$0x3];
	[sflag:s16] =	ssyncadd.s32 $0xFFFFD800;
	s20 =	sadd.s32 $0x0, s22  }
0xa4: {  	[tilespmem:s12], [sflag:$0x2] =	stream.linear.gather [hbm4b:s20+s3], $0x50, $0x38;
	[tilespmem:$0x1E400] =	vst v63  }
0xa5: {  	s24 =	sadd.s32 $0x0, s23  }
0xa6: {  	[tilespmem:s13], [sflag:$0x2] =	stream.linear.gather [hbm4b:s24+s3], $0x50, $0x38;
	[tilespmem:$0x1E400] =	vst v63  }
0xa7: {  	_ =	swait.ge [sflag:s17], $0x50  }
0xa8: {  	[sflag:s17] =	ssyncset.done $0x0  }
0xa9: {  	[sflag:s17] =	ssyncadd.s32 $0xFFFFFFB0  }
0xaa: {  	_ =	swait.ge [sflag:s17], $0x50  }
0xab: {  	[sflag:s17] =	ssyncset.done $0x0  }
0xac: {  	[sflag:s17] =	ssyncadd.s32 $0xFFFFFFB0  }
0xad: {  	[tilespmem:s29], [sflag:$0x1] =	stream.indirect.gather [hbm4b:s4+s0], $0x80, s3, s0, $0xb8;
	[tilespmem:$0x1E400] =	vst v63  }
0xae: {  	_ =	swait.ge [sflag:s17], $0x50  }
0xaf: {  	[sflag:s17] =	ssyncset.done $0x0  }
0xb0: {  	[sflag:s17] =	ssyncadd.s32 $0xFFFFFFB0  }
0xb1: {  	_ =	swait.ge [sflag:s17], $0x50  }
0xb2: {  	[sflag:s17] =	ssyncset.done $0x0  }
0xb3: {  	[sflag:s17] =	ssyncadd.s32 $0xFFFFFFB0  }
0xb4: {  	[tilespmem:s8], [sflag:$0x1] =	stream.indirect.gather [hbm4b:s4+s0], $0x80, s2, s0, $0xb8;
	[tilespmem:$0x1E400] =	vst v63  }
0xb5: {  	_ =	swait.ge [sflag:s17], $0x50  }
0xb6: {  	[sflag:s17] =	ssyncset.done $0x0  }
0xb7: {  	[sflag:s17] =	ssyncadd.s32 $0xFFFFFFB0  }
0xb8: {  	_ =	swait.ge [sflag:s17], $0x50  }
0xb9: {  	[sflag:s17] =	ssyncset.done $0x0  }
0xba: {  	[sflag:s17] =	ssyncadd.s32 $0xFFFFFFB0  }
0xbb: {  	[tilespmem:s11], [sflag:$0x1] =	stream.indirect.gather [hbm4b:s4+s0], $0x80, s9, s0, $0xb8;
	[tilespmem:$0x1E400] =	vst v63  }
0xbc: {  	_ =	swait.ge [sflag:s17], $0x50  }
0xbd: {  	[sflag:s17] =	ssyncset.done $0x0  }
0xbe: {  	[sflag:s17] =	ssyncadd.s32 $0xFFFFFFB0  }
0xbf: {  	_ =	swait.ge [sflag:s17], $0x50  }
0xc0: {  	[sflag:s17] =	ssyncset.done $0x0  }
0xc1: {  	s21 =	sadd.s32 $0x140, s25;
	s20 =	simm.s32 $0x28;
	[sflag:s17] =	ssyncadd.s32 $0xFFFFFFB0  }
.LBB2_4:
0xc2: {  	[tilespmem:s14], [sflag:$0x1] =	stream.indirect.gather [hbm4b:s4+s0], $0x80, s12, s0, $0xb8;
	[tilespmem:$0x1E400] =	vst v63  }
0xc3: {  	_ =	swait.ge [sflag:s15], $0x2800  }
0xc4: {  	[sflag:s15] =	ssyncset.done $0x0  }
0xc5: {  	[sflag:s15] =	ssyncadd.s32 $0xFFFFD800  }
0xc6: {  	[spmem:s1] =	stream.indirect.scatter.add.f32 [tilespmem:s29], [sflag:$0x3], $0x80, s31, s0, $0xb8;
	[tilespmem:$0x1E400] =	vst v63  }
0xc7: {  	_ =	swait.ge [sflag:s15], $0x2800  }
0xc8: {  	[sflag:s15] =	ssyncset.done $0x0  }
0xc9: {  	[sflag:s15] =	ssyncadd.s32 $0xFFFFD800  }
0xca: {  	[spmem:s1] =	stream.indirect.scatter.add.f32 [tilespmem:s8], [sflag:$0x3], $0x80, s7, s0, $0xb8;
	[tilespmem:$0x1E400] =	vst v63  }
0xcb: {  	_ =	swait.ge [sflag:s15], $0x2800  }
0xcc: {  	[sflag:s15] =	ssyncset.done $0x0  }
0xcd: {  	[sflag:s15] =	ssyncadd.s32 $0xFFFFD800  }
0xce: {  	[spmem:s1] =	stream.indirect.scatter.add.f32 [tilespmem:s11], [sflag:$0x3], $0x80, s10, s0, $0xb8;
	[tilespmem:$0x1E400] =	vst v63  }
0xcf: {  	_ =	swait.ge [sflag:s15], $0x2800  }
0xd0: {  	[sflag:s15] =	ssyncset.done $0x0  }
0xd1: {  	[sflag:s15] =	ssyncadd.s32 $0xFFFFD800  }
0xd2: {  	[spmem:s1] =	stream.indirect.scatter.add.f32 [tilespmem:s14], [sflag:$0x3], $0x80, s13, s0, $0xb8;
	[tilespmem:$0x1E400] =	vst v63  }
0xd3: {  	_ =	swait.ge [sflag:s16], $0x2800  }
0xd4: {  	s23 =	sshrl.u32 s21, $0x3;
	[sflag:s16] =	ssyncset.done $0x0  }
0xd5: {  	s24 =	sadd.s32 s5, s23;
	[sflag:s16] =	ssyncadd.s32 $0xFFFFD800  }
0xd6: {  	[tilespmem:s3], [sflag:$0x2] =	stream.linear.gather [hbm4b:s24+s3], $0x50, $0x38;
	[tilespmem:$0x1E400] =	vst v63  }
0xd7: {  	s23 =	sadd.s32 s6, s23  }
0xd8: {  	[tilespmem:s31], [sflag:$0x2] =	stream.linear.gather [hbm4b:s23+s3], $0x50, $0x38;
	[tilespmem:$0x1E400] =	vst v63  }
0xd9: {  	_ =	swait.ge [sflag:s16], $0x2800  }
0xda: {  	s22 =	smov.u32 s20;
	s23 =	rddreg [dreg:$0x8];
	[sflag:s16] =	ssyncset.done $0x0  }
0xdb: {  	s24 =	rddreg [dreg:$0x7];
	[sflag:s16] =	ssyncadd.s32 $0xFFFFD800;
	s23 =	sadd.s32 s22, s23  }
0xdc: {  	[tilespmem:s2], [sflag:$0x2] =	stream.linear.gather [hbm4b:s23+s3], $0x50, $0x38;
	[tilespmem:$0x1E400] =	vst v63  }
0xdd: {  	s24 =	sadd.s32 s22, s24  }
0xde: {  	[tilespmem:s7], [sflag:$0x2] =	stream.linear.gather [hbm4b:s24+s3], $0x50, $0x38;
	[tilespmem:$0x1E400] =	vst v63  }
0xdf: {  	_ =	swait.ge [sflag:s16], $0x2800  }
0xe0: {  	s23 =	rddreg [dreg:$0x6];
	[sflag:s16] =	ssyncset.done $0x0  }
0xe1: {  	s24 =	rddreg [dreg:$0x5];
	[sflag:s16] =	ssyncadd.s32 $0xFFFFD800;
	s23 =	sadd.s32 s22, s23  }
0xe2: {  	[tilespmem:s9], [sflag:$0x2] =	stream.linear.gather [hbm4b:s23+s3], $0x50, $0x38;
	[tilespmem:$0x1E400] =	vst v63  }
0xe3: {  	s24 =	sadd.s32 s22, s24  }
0xe4: {  	[tilespmem:s10], [sflag:$0x2] =	stream.linear.gather [hbm4b:s24+s3], $0x50, $0x38;
	[tilespmem:$0x1E400] =	vst v63  }
0xe5: {  	_ =	swait.ge [sflag:s16], $0x2800  }
0xe6: {  	s23 =	rddreg [dreg:$0x4];
	[sflag:s16] =	ssyncset.done $0x0  }
0xe7: {  	s24 =	rddreg [dreg:$0x3];
	[sflag:s16] =	ssyncadd.s32 $0xFFFFD800;
	s23 =	sadd.s32 s22, s23  }
0xe8: {  	[tilespmem:s12], [sflag:$0x2] =	stream.linear.gather [hbm4b:s23+s3], $0x50, $0x38;
	[tilespmem:$0x1E400] =	vst v63  }
0xe9: {  	s22 =	sadd.s32 s22, s24  }
0xea: {  	[tilespmem:s13], [sflag:$0x2] =	stream.linear.gather [hbm4b:s22+s3], $0x50, $0x38;
	[tilespmem:$0x1E400] =	vst v63  }
0xeb: {  	_ =	swait.ge [sflag:s17], $0x50  }
0xec: {  	[sflag:s17] =	ssyncset.done $0x0  }
0xed: {  	[sflag:s17] =	ssyncadd.s32 $0xFFFFFFB0  }
0xee: {  	_ =	swait.ge [sflag:s17], $0x50  }
0xef: {  	[sflag:s17] =	ssyncset.done $0x0  }
0xf0: {  	[sflag:s17] =	ssyncadd.s32 $0xFFFFFFB0  }
0xf1: {  	[tilespmem:s29], [sflag:$0x1] =	stream.indirect.gather [hbm4b:s4+s0], $0x80, s3, s0, $0xb8;
	[tilespmem:$0x1E400] =	vst v63  }
0xf2: {  	_ =	swait.ge [sflag:s17], $0x50  }
0xf3: {  	[sflag:s17] =	ssyncset.done $0x0  }
0xf4: {  	[sflag:s17] =	ssyncadd.s32 $0xFFFFFFB0  }
0xf5: {  	_ =	swait.ge [sflag:s17], $0x50  }
0xf6: {  	[sflag:s17] =	ssyncset.done $0x0  }
0xf7: {  	[sflag:s17] =	ssyncadd.s32 $0xFFFFFFB0  }
0xf8: {  	[tilespmem:s8], [sflag:$0x1] =	stream.indirect.gather [hbm4b:s4+s0], $0x80, s2, s0, $0xb8;
	[tilespmem:$0x1E400] =	vst v63  }
0xf9: {  	_ =	swait.ge [sflag:s17], $0x50  }
0xfa: {  	[sflag:s17] =	ssyncset.done $0x0  }
0xfb: {  	[sflag:s17] =	ssyncadd.s32 $0xFFFFFFB0  }
0xfc: {  	_ =	swait.ge [sflag:s17], $0x50  }
0xfd: {  	[sflag:s17] =	ssyncset.done $0x0  }
0xfe: {  	[sflag:s17] =	ssyncadd.s32 $0xFFFFFFB0  }
0xff: {  	[tilespmem:s11], [sflag:$0x1] =	stream.indirect.gather [hbm4b:s4+s0], $0x80, s9, s0, $0xb8;
	[tilespmem:$0x1E400] =	vst v63  }
0x100: {  	p0 =	sne.s32 s20, $0x488;
	_ =	swait.ge [sflag:s17], $0x50  }
.Ltmp1:
0x101: {  	[sflag:s17] =	ssyncset.done $0x0;
	(pc) =	sbr.rel @p0 .LBB2_4-.Ltmp1, $4  }
0x102: {  	[sflag:s17] =	ssyncadd.s32 $0xFFFFFFB0  }
0x103: {  	_ =	swait.ge [sflag:s17], $0x50  }
0x104: {  	[sflag:s17] =	ssyncset.done $0x0  }
0x105: {  	s20 =	sadd.s32 $0x28, s20;
	s21 =	sadd.s32 $0x140, s21;
	[sflag:s17] =	ssyncadd.s32 $0xFFFFFFB0  }
0x106: {  	[tilespmem:s14], [sflag:$0x1] =	stream.indirect.gather [hbm4b:s4+s0], $0x80, s12, s0, $0xb8;
	[tilespmem:$0x1E400] =	vst v63  }
0x107: {  	_ =	swait.ge [sflag:s15], $0x2800  }
0x108: {  	[sflag:s15] =	ssyncset.done $0x0  }
0x109: {  	[sflag:s15] =	ssyncadd.s32 $0xFFFFD800  }
0x10a: {  	[spmem:s1] =	stream.indirect.scatter.add.f32 [tilespmem:s29], [sflag:$0x3], $0x80, s31, s0, $0xb8;
	[tilespmem:$0x1E400] =	vst v63  }
0x10b: {  	_ =	swait.ge [sflag:s15], $0x2800  }
0x10c: {  	[sflag:s15] =	ssyncset.done $0x0  }
0x10d: {  	[sflag:s15] =	ssyncadd.s32 $0xFFFFD800  }
0x10e: {  	[spmem:s1] =	stream.indirect.scatter.add.f32 [tilespmem:s8], [sflag:$0x3], $0x80, s7, s0, $0xb8;
	[tilespmem:$0x1E400] =	vst v63  }
0x10f: {  	_ =	swait.ge [sflag:s15], $0x2800  }
0x110: {  	[sflag:s15] =	ssyncset.done $0x0  }
0x111: {  	[sflag:s15] =	ssyncadd.s32 $0xFFFFD800  }
0x112: {  	[spmem:s1] =	stream.indirect.scatter.add.f32 [tilespmem:s11], [sflag:$0x3], $0x80, s10, s0, $0xb8;
	[tilespmem:$0x1E400] =	vst v63  }
0x113: {  	_ =	swait.ge [sflag:s15], $0x2800  }
0x114: {  	[sflag:s15] =	ssyncset.done $0x0  }
0x115: {  	[sflag:s15] =	ssyncadd.s32 $0xFFFFD800  }
0x116: {  	[spmem:s1] =	stream.indirect.scatter.add.f32 [tilespmem:s14], [sflag:$0x3], $0x80, s13, s0, $0xb8;
	[tilespmem:$0x1E400] =	vst v63  }
0x117: {  	_ =	swait.ge [sflag:s16], $0x2800  }
0x118: {  	[sflag:s16] =	ssyncset.done $0x0  }
0x119: {  	s20 =	rddreg [dreg:$0x11];
	[sflag:s16] =	ssyncadd.s32 $0xFFFFD800  }
0x11a: {  	[tilespmem:s3], [sflag:$0x4] =	stream.linear.gather [hbm4b:s20+s3], $0x50, $0x38;
	[tilespmem:$0x1E400] =	vst v63  }
0x11b: {  	_ =	swait.ge [sflag:s30], $0x50  }
0x11c: {  	[sflag:s30] =	ssyncset.done $0x0  }
0x11d: {  	s22 =	rddreg [dreg:$0x12];
	[sflag:s30] =	ssyncadd.s32 $0xFFFFFFB0  }
0x11e: {  	[tilespmem:s31], [sflag:$0x4] =	stream.linear.gather [hbm4b:s22+s3], $0x50, $0x38;
	[tilespmem:$0x1E400] =	vst v63  }
0x11f: {  	_ =	swait.ge [sflag:s30], $0x50  }
0x120: {  	[sflag:s30] =	ssyncset.done $0x0  }
0x121: {  	[sflag:s30] =	ssyncadd.s32 $0xFFFFFFB0  }
0x122: {  	[tilespmem:s29], [sflag:$0x1] =	stream.indirect.gather [hbm4b:s4+s0], $0x80, s3, s0, $0xb8;
	[tilespmem:$0x1E400] =	vst v63  }
0x123: {  	_ =	swait.ge [sflag:s15], $0x2800  }
0x124: {  	[sflag:s15] =	ssyncset.done $0x0  }
0x125: {  	[sflag:s15] =	ssyncadd.s32 $0xFFFFD800  }
0x126: {  	[spmem:s1] =	stream.indirect.scatter.add.f32 [tilespmem:s29], [sflag:$0x3], $0x80, s31, s0, $0xb8;
	[tilespmem:$0x1E400] =	vst v63  }
0x127: {  	_ =	swait.ge [sflag:s16], $0x2800  }
0x128: {  	[sflag:s16] =	ssyncset.done $0x0  }
0x129: {  	[sflag:s16] =	ssyncadd.s32 $0xFFFFD800  }
0x12a: {  	_ =	swait.ge [sflag:s16], $0x2800  }
0x12b: {  	[sflag:s16] =	ssyncset.done $0x0  }
0x12c: {  	[sflag:s16] =	ssyncadd.s32 $0xFFFFD800  }
0x12d: {  	_ =	swait.ge [sflag:s16], $0x2800  }
0x12e: {  	[sflag:s16] =	ssyncset.done $0x0  }
0x12f: {  	[sflag:s16] =	ssyncadd.s32 $0xFFFFD800  }
0x130: {  	_ =	swait.ge [sflag:s16], $0x2800  }
0x131: {  	[sflag:s16] =	ssyncset.done $0x0  }
0x132: {  	s23 =	stileid.u32;
	[sflag:s16] =	ssyncadd.s32 $0xFFFFD800  }
0x133: {  	s20 =	sshll.u32 s23, $0x6;
	[bflag:$0x0] =	sbarrier.arrive $0xFFFF  }
0x134: {  	s21 =	sshrl.u32 s18, $0x3;
	s20 =	sor.u32 $0x1C04, s20;
	s22 =	rddreg [dreg:$0x13]  }
0x135: {  	[hbm:s22], [sflag:s20] =	dma.local [spmem:s21], $0x2800  }
0x136: {  	_ =	swait.ge [sflag:s30], $0x2800  }
0x137: {  	s19 =	sadd.s32 $0x1, s19;
	s24 =	rddreg [dreg:$0x14]  }
0x138: {  	p0 =	sne.s32 s19, s24  }
.Ltmp2:
0x139: {  	_ = 	snop;
	(pc) =	sbr.rel @p0 .LBB2_1-.Ltmp2, $3  }
0x13a: {  	_ =	sdelay $0x1  }
0x13b: {  	[sflag:s30] =	ssyncset.done $0x0  }
0x13c: {  	[sflag:s30] =	ssyncadd.s32 $0xFFFFD800  }
0x13d: {  	_ =	sfence.sel $0x180000  }
0x13e: {  	[bflag:$0x0] =	sbarrier.arrive $0xFFFF  }
0x13f: {  	_ =	strace $0x90000047  }
0x140: {  	s0 =	stileid.u32;
	[bflag:$0x2] =	sbarrier.arrive $0xFFFF  }
0x141: {  	p0 =	sne.s32 s0, $0x0;
	s0 =	rddreg [dreg:$0x2]  }
0x142: {  	s0 =	sadd.s32 @!p0 $0x100000, s0  }
0x143: {  	[sflag:s0] =	ssyncadd.tile.s32 @!p0 $0x1;
	_ =	shalt  }
.Lfunc_end2:
_tile_overlayer_lowered:
.L_overlay_start_2:
0x144: {  	(tag) =	ssettag $0x2  }
0x145: {  	s0 =	rddreg [dreg:$0x0];
	s2 =	stileid.u32  }
0x146: {  	s1 =	rddreg [dreg:$0x1];
	p0 =	sne.s32 s2, $0x0  }
0x147: {  	s3 =	rddreg [dreg:$0x2];
	[bflag:$0x3] =	sbarrier.arrive $0xFFFF;
	s2 =	simm.s32 @!p0 $0x1C04  }
0x148: {  	[timem:s3], [sflag:s2] =	dma.local @!p0 [hbm:s0], s1  }
0x149: {  	s0 =	simm.s32 @!p0 $0x4  }
0x14a: {  	_ =	swait.ge @!p0 [sflag:s0], s1  }
0x14b: {  	s1 =	ssub.s32 @!p0 $0x0, s1;
	[sflag:s0] =	ssyncset.done @!p0 $0x0  }
0x14c: {  	[sflag:s0] =	ssyncadd.s32 @!p0 s1  }
0x14d: {  	[bflag:$0x3] =	sbarrier.arrive $0xFFFF  }
0x14e: {  	_ =	shalt  }

// kernel: kernel.14.cloned.1.call-start
scs
__scs_entry_jumppad:
0x0: {  	(pc) =	sbr.rel $0x88, $3  }
0x1: {  	(tag) =	ssettag $0x0;
	lr =	simm.s32 $0x1  }
0x2: {  	[smem:$0x3F97] =	sst lr;
	_ =	strace $0xD0000000  }
0x3: {  	_ = 	snop  }
0x4: {  	_ = 	snop  }
0x5: {  	_ = 	snop  }
0x6: {  	_ = 	snop  }
0x7: {  	_ = 	snop  }
__scs_overlays_trampoline_lowered:
0x8: {  	[smem:$0x3FA6] =	sst s0  }
0x9: {  	[smem:$0x3FA7] =	sst s1  }
0xa: {  	[smem:$0x3FA8] =	sst s2  }
0xb: {  	[smem:$0x3FA9] =	sst s3  }
0xc: {  	[smem:$0x3FAA] =	sst s4  }
0xd: {  	[smem:$0x3FAB] =	sst s5  }
0xe: {  	[smem:$0x3FAC] =	sst s6  }
0xf: {  	[smem:$0x3FAD] =	sst s7  }
0x10: {  	[smem:$0x3FAE] =	sst s8  }
0x11: {  	[smem:$0x3FAF] =	sst s9;
	s0 =	simm.s32 @!p0 $0x0  }
0x12: {  	s1 =	sld [smem:$0x3F95];
	s0 =	simm.s32 @p0 $0x1  }
0x13: {  	[smem:$0x3FB0] =	sst s0;
	s0 =	simm.s32 @!p1 $0x0  }
0x14: {  	s2 =	sld [smem:$0x3F94];
	s0 =	simm.s32 @p1 $0x1  }
0x15: {  	[smem:$0x3FB1] =	sst s0;
	s0 =	simm.s32 @!p2 $0x0  }
0x16: {  	s3 =	sld [smem:$0x3FDB];
	s0 =	simm.s32 @p2 $0x1  }
0x17: {  	s4 =	simm.s32 $0x1BF5;
	[smem:$0x3FB3] =	sst s0  }
0x18: {  	s0 =	sld [smem:$0x3F96];
	_ =	swait.ge [sflag:s4], $0x0  }
0x19: {  	s7 =	sld [smem:$0x3F97]  }
0x1a: {  	s8 =	sadd.s32 $0xFFFFE003, lr  }
0x1b: {  	s9 =	sadd.s32 $0xFFFFFEF7, lr;
	s5 =	simm.s32 $0xFFFFFFFF;
	p2 =	slt.u32 s8, $0xFFFFF086  }
0x1c: {  	p1 =	slt.u32 s9, $0xF7A;
	s5 =	simm.s32 @!p2 $0x0  }
0x1d: {  	s5 =	simm.s32 @p1 $0x1;
	p0 =	seq.s32 s7, s2  }
0x1e: {  	s7 =	smul.u32 @!p0 $0xF7A, s2;
	p2 =	seq.s32 @!p0 s5, $0x0  }
0x1f: {  	s9 =	smul.u32 $0xF7A, s1;
	s8 =	simm.s32 @!p0 $0x1BF5;
	p2 =	por !p2, p0  }
0x20: {  	[sflag:s8] =	ssyncset.s32 @!p0 $0xFFFFF086;
	s6 =	sadd.s32 @!p0 s3, s7;
	s7 =	simm.s32 @!p0 $0x108  }
0x21: {  	s3 =	sadd.s32 s3, s9;
	s6 =	sadd.s32 @!p0 $0x88, s6;
	s7 =	simm.s32 @p2 $0x1082  }
0x22: {  	[simem:s7], [sflag:s8] =	dma.local @!p0 [hbm:s6], $0xF7A  }
0x23: {  	s9 =	sor.u32 $0xD0000000, s2;
	s6 =	simm.s32 $0x108;
	_ =	swait.ge @!p0 [sflag:s8], $0x0  }
0x24: {  	s3 =	sadd.s32 $0x88, s3;
	s6 =	simm.s32 @!p1 $0x1082;
	[sflag:s4] =	ssyncset.s32 $0xFFFFF086  }
0x25: {  	[simem:s6], [sflag:s4] =	dma.local [hbm:s3], $0xF7A  }
0x26: {  	[smem:$0x3F97] =	sst s1;
	(tag) =	ssettag s2;
	_ =	strace s9  }
0x27: {  	s1 =	sld [smem:$0x3FA7]  }
0x28: {  	s2 =	sld [smem:$0x3FA8]  }
0x29: {  	s4 =	sld [smem:$0x3FAA]  }
0x2a: {  	p0 =	seq.s32 s5, $0x0;
	s5 =	sld [smem:$0x3FAB]  }
0x2b: {  	s6 =	sld [smem:$0x3FAC]  }
0x2c: {  	s7 =	sld [smem:$0x3FAD]  }
0x2d: {  	s3 =	simm.s32 $0x108;
	s8 =	sld [smem:$0x3FAE]  }
0x2e: {  	s3 =	simm.s32 @!p0 $0x1082;
	s9 =	sld [smem:$0x3FAF]  }
0x2f: {  	lr =	sadd.s32 s0, s3;
	s0 =	sld [smem:$0x3FA6]  }
0x30: {  	s3 =	sld [smem:$0x3FA9]  }
0x31: {  	[smem:$0x3FB2] =	sst s10  }
0x32: {  	s10 =	sld [smem:$0x3FB0];
	_ =	sdelay $0x3  }
0x33: {  	p0 =	seq.s32 s10, $0x1;
	s10 =	sld [smem:$0x3FB2];
	_ =	sdelay $0x3  }
0x34: {  	[smem:$0x3FB2] =	sst s10  }
0x35: {  	s10 =	sld [smem:$0x3FB1];
	_ =	sdelay $0x3  }
0x36: {  	p1 =	seq.s32 s10, $0x1;
	s10 =	sld [smem:$0x3FB2];
	_ =	sdelay $0x3  }
0x37: {  	[smem:$0x3FB2] =	sst s10  }
0x38: {  	s10 =	sld [smem:$0x3FB3]  }
0x39: {  	_ = 	snop;
	(pc) =	sbr.ind lr, $3  }
0x3a: {  	_ = 	snop  }
0x3b: {  	_ = 	snop  }
0x3c: {  	p2 =	seq.s32 s10, $0x1;
	s10 =	sld [smem:$0x3FB2]  }
0x3d: {  	_ =	shalt  }
0x3e: {  	_ =	shalt  }
0x3f: {  	_ =	shalt  }
0x40: {  	_ =	shalt  }
0x41: {  	_ =	shalt  }
0x42: {  	_ =	shalt  }
0x43: {  	_ =	shalt  }
0x44: {  	_ =	shalt  }
0x45: {  	_ =	shalt  }
0x46: {  	_ =	shalt  }
0x47: {  	_ =	shalt  }
0x48: {  	_ =	shalt  }
0x49: {  	_ =	shalt  }
0x4a: {  	_ =	shalt  }
0x4b: {  	_ =	shalt  }
0x4c: {  	_ =	shalt  }
0x4d: {  	_ =	shalt  }
0x4e: {  	_ =	shalt  }
0x4f: {  	_ =	shalt  }
0x50: {  	_ =	shalt  }
0x51: {  	_ =	shalt  }
0x52: {  	_ =	shalt  }
0x53: {  	_ =	shalt  }
0x54: {  	_ =	shalt  }
0x55: {  	_ =	shalt  }
0x56: {  	_ =	shalt  }
0x57: {  	_ =	shalt  }
0x58: {  	_ =	shalt  }
0x59: {  	_ =	shalt  }
0x5a: {  	_ =	shalt  }
0x5b: {  	_ =	shalt  }
0x5c: {  	_ =	shalt  }
0x5d: {  	_ =	shalt  }
0x5e: {  	_ =	shalt  }
0x5f: {  	_ =	shalt  }
0x60: {  	_ =	shalt  }
0x61: {  	_ =	shalt  }
0x62: {  	_ =	shalt  }
0x63: {  	_ =	shalt  }
0x64: {  	_ =	shalt  }
0x65: {  	_ =	shalt  }
0x66: {  	_ =	shalt  }
0x67: {  	_ =	shalt  }
0x68: {  	_ =	shalt  }
0x69: {  	_ =	shalt  }
0x6a: {  	_ =	shalt  }
0x6b: {  	_ =	shalt  }
0x6c: {  	_ =	shalt  }
0x6d: {  	_ =	shalt  }
0x6e: {  	_ =	shalt  }
0x6f: {  	_ =	shalt  }
0x70: {  	_ =	shalt  }
0x71: {  	_ =	shalt  }
0x72: {  	_ =	shalt  }
0x73: {  	_ =	shalt  }
0x74: {  	_ =	shalt  }
0x75: {  	_ =	shalt  }
0x76: {  	_ =	shalt  }
0x77: {  	_ =	shalt  }
0x78: {  	_ =	shalt  }
0x79: {  	_ =	shalt  }
0x7a: {  	_ =	shalt  }
0x7b: {  	_ =	shalt  }
0x7c: {  	_ =	shalt  }
0x7d: {  	_ =	shalt  }
0x7e: {  	_ =	shalt  }
0x7f: {  	_ =	shalt  }
0x80: {  	_ =	shalt  }
0x81: {  	_ =	shalt  }
0x82: {  	_ =	shalt  }
0x83: {  	_ =	shalt  }
0x84: {  	_ =	shalt  }
0x85: {  	_ =	shalt  }
0x86: {  	_ =	shalt  }
0x87: {  	_ =	shalt  }
.Lfunc_end0:
.L_simem_size_0:
called_computation.2_lowered:
.L_overlay_start_0:
0x88: {  	s2 =	sld [smem:$0x3FD9]  }
0x89: {  	s3 =	sld [smem:$0x3FFE];
	_ =	sdelay $0x1  }
0x8a: {  	s1 =	srdreg.scid  }
0x8b: {  	s0 =	sand.u32 $0x1, s1  }
0x8c: {  	s16 =	sshll.u32 s0, $0xA;
	s2 =	sadd.s32 s3, s2  }
0x8d: {  	s2 =	sadd.s32 s2, s16  }
0x8e: {  	[smem:$0x3FBE] =	sst s2  }
0x8f: {  	_ = 	snop  }
0x90: {  	(tm) =	ssettm $0x1  }
0x91: {  	s17 =	sld [smem:$0x3FFB];
	_ =	sdelay $0x3  }
0x92: {  	_ =	strace s17  }
0x93: {  	s2 =	sld [smem:$0x3FFC];
	_ =	sdelay $0x3  }
0x94: {  	_ =	strace s2  }
0x95: {  	s2 =	sld [smem:$0x3FFD];
	_ =	sdelay $0x3  }
0x96: {  	_ =	strace s2  }
0x97: {  	_ =	strace $0x8FFFFFFF  }
0x98: {  	s18 =	sld [smem:$0x3FDB];
	_ =	sdelay $0x1  }
0x99: {  	s19 =	simm.s32 $_scs_section_size  }
0x9a: {  	s4 =	simm.s32 $_size__tile_overlayer_lowered;
	s5 =	simm.s32 $_tile_overlayer_lowered  }
0x9b: {  	s22 =	simm.s32 $0x1BFF;
	s21 =	sshll.u32 s5, $0x1;
	s2 =	sadd.s32 s19, s18  }
0x9c: {  	s6 =	simm.s32 $0x0;
	s20 =	sshll.u32 s4, $0x1;
	s4 =	sadd.s32 s21, s2  }
0x9d: {  	[timem:s6], [sflag:s22] =	dma.local [hbm:s4], s20  }
0x9e: {  	_ =	swait.ge [sflag:s22], s20  }
0x9f: {  	s3 =	ssub.s32 $0x0, s20;
	[sflag:s22] =	ssyncset.done $0x0  }
0xa0: {  	[sflag:s22] =	ssyncadd.s32 s3;
	_ =	sdelay $0x1  }
0xa1: {  	s23 =	simm.s32 $0x1B8B  }
0xa2: {  	_ =	swait.ge [sflag:s23], $0x1  }
0xa3: {  	[sflag:s23] =	ssyncset.done $0x0  }
0xa4: {  	s25 =	simm.s32 $0x1B8E;
	s24 =	sld [smem:$0x3FFE];
	[sflag:s23] =	ssyncadd.s32 $0xFFFFFFFF  }
0xa5: {  	s26 =	simm.s32 $execute0_lowered;
	[smem:$0x3FD2] =	sst s25  }
0xa6: {  	s4 =	sshll.u32 s26, $0x1;
	_ =	strace $0x8000004C;
	[dreg:$0x1] =	wrdreg $0xFFFFFFFF  }
0xa7: {  	s28 =	simm.s32 $_size_execute0_lowered;
	s2 =	sadd.s32 s2, s4;
	[dreg:$0x0] =	wrdreg $0x0  }
0xa8: {  	s4 =	sshll.u32 s28, $0x1;
	[dreg:$0x2] =	wrdreg s2  }
0xa9: {  	[dreg:$0x3] =	wrdreg s4  }
0xaa: {  	[dreg:$0x4] =	wrdreg $0xC0  }
0xab: {  	_ =	task [dreg:s6], $0x5FFFF  }
0xac: {  	[dreg:$0x1] =	wrdreg $0xFFFFFFFF  }
0xad: {  	[dreg:$0x0] =	wrdreg $0x60  }
0xae: {  	[dreg:$0x2] =	wrdreg s24  }
0xaf: {  	[dreg:$0x3] =	wrdreg $0xA4000  }
0xb0: {  	[dreg:$0x4] =	wrdreg $0x9  }
0xb1: {  	_ =	task.clear_ibuf [dreg:s6], $0x5FFFF;
	_ =	strace $0x9000004C  }
0xb2: {  	s29 =	simm.s32 $0x9;
	_ =	strace $0x8000004E  }
0xb3: {  	_ =	swait.ge [sflag:s29], $0x1  }
0xb4: {  	[sflag:s29] =	ssyncadd.s32 $0xFFFFFFFF  }
0xb5: {  	_ =	strace $0x9000004E  }
0xb6: {  	_ =	sfence  }
0xb7: {  	s30 =	sld [smem:$0x0];
	_ =	sdelay $0x2  }
0xb8: {  	s31 =	sshll.u32 s1, $0xD;
	s1 =	sshrl.u32 s1, $0x2  }
0xb9: {  	s3 =	sand.u32 $0x4000, s31;
	s1 =	sadd.s32 s1, s30  }
0xba: {  	s0 =	sor.u32 s3, s0;
	s1 =	sshll.u32 s1, $0x11  }
0xbb: {  	s0 =	sor.u32 s1, s0  }
0xbc: {  	s0 =	sadd.s32 $0x8F2B, s0  }
0xbd: {  	[sflag:s0] =	ssyncadd.remote.s32 $0x1  }
0xbe: {  	_ =	sfence.sel $0xFFFF  }
0xbf: {  	[dreg:$0x0] =	wrdreg $0xFFFFFFFF;
	(pc) =	sbr.abs _section_cstart, $3  }
0xc0: {  	[dreg:$0x1] =	wrdreg $0xFFFFFFFF  }
0xc1: {  	_ =	task.clear_ibuf [dreg:s6], $0x2FFFF;
	_ =	strace $0x9FFFFFFF  }
0xc2: {  	(tm) =	ssettm $0x7FFFFFFF  }
0xc3: {  	_ =	shalt  }
tec
execute0_lowered:
.L_overlay_start_1:
0x0: {  	(tag) =	ssettag $0x1  }
0x1: {  	s0 =	rddreg [dreg:$0x0]  }
0x2: {  	s1 =	rddreg [dreg:$0x1];
	s2 =	srdreg.scid  }
0x3: {  	s3 =	simm.s32 $0x0;
	s11 =	stileid.u32;
	s29 =	simm.s32 $0x400  }
0x4: {  	s30 =	simm.s32 $0x4;
	s31 =	simm.s32 $0x200;
	s7 =	smul.u32 $0x14000, s11  }
0x5: {  	s2 =	sand.u32 $0x1, s2;
	[smem:$0x7FF] =	sst s3;
	s24 =	smul.u32 $0x4E20, s11  }
0x6: {  	s5 =	sshll.u32 s11, $0x1;
	s4 =	sadd.s32 $0x15800, s0;
	s11 =	smul.u32 $0x50000, s11  }
0x7: {  	s6 =	smul.u32 $0x140000, s2;
	_ =	strace $0x8000004D;
	s8 =	sor.u32 s2, s5  }
0x8: {  	s5 =	sadd.s32 $0xBA00, s0;
	s9 =	ssub.s32 $0x2, s2;
	s8 =	smul.u32 $0x2710, s8  }
0x9: {  	s2 =	smul.u32 $0x2710, s2;
	s18 =	sshrl.u32 s9, $0x1;
	s7 =	sadd.s32 s7, s6  }
0xa: {  	s6 =	sadd.s32 $0x1C00, s0;
	s7 =	sshrl.u32 s7, $0x3;
	s8 =	sshrl.u32 s8, $0x3  }
0xb: {  	s2 =	sadd.s32 s2, s24;
	s0 =	sadd.s32 s7, s0;
	s19 =	sadd.s32 s5, s8  }
0xc: {  	s20 =	sadd.s32 $0xA, s8;
	s10 =	sadd.s32 s6, s8;
	[dreg:$0x9] =	wrdreg s19  }
0xd: {  	s7 =	ssub.s32 s9, s18;
	[dreg:$0xa] =	wrdreg s10;
	s21 =	sadd.s32 s5, s20  }
0xe: {  	s22 =	sadd.s32 $0x14, s8;
	s9 =	sadd.s32 s6, s20;
	[dreg:$0xb] =	wrdreg s21  }
0xf: {  	s13 =	sadd.s32 $0x1E0, s2;
	s23 =	sadd.s32 s5, s22;
	[dreg:$0xc] =	wrdreg s9  }
0x10: {  	s25 =	sadd.s32 $0x1E, s8;
	s10 =	sadd.s32 s6, s22;
	[dreg:$0xd] =	wrdreg s23  }
0x11: {  	s8 =	sadd.s32 $0x4D8, s8;
	s12 =	sadd.s32 s5, s25;
	[dreg:$0xe] =	wrdreg s10  }
0x12: {  	s16 =	sadd.s32 $0x190, s2;
	s26 =	sadd.s32 s5, s8;
	[dreg:$0xf] =	wrdreg s12  }
0x13: {  	s14 =	sshrl.u32 s13, $0x3;
	s8 =	sadd.s32 s6, s8;
	[dreg:$0x11] =	wrdreg s26  }
0x14: {  	s13 =	simm.s32 $0x380;
	s0 =	sadd.s32 $0x3D800, s0;
	[dreg:$0x12] =	wrdreg s8  }
0x15: {  	s7 =	smax.u32 s7, $0x1;
	s15 =	sadd.s32 s14, s6;
	[dreg:$0x13] =	wrdreg s0  }
0x16: {  	s17 =	sadd.s32 s14, s5;
	s19 =	sshrl.u32 s16, $0x3;
	[dreg:$0x14] =	wrdreg s7  }
0x17: {  	s14 =	simm.s32 $0x7C00;
	s16 =	simm.s32 $0x3;
	[dreg:$0x5] =	wrdreg s15  }
0x18: {  	s10 =	sadd.s32 s6, s25;
	s9 =	sadd.s32 $0x230, s2;
	[dreg:$0x6] =	wrdreg s17  }
0x19: {  	s21 =	sadd.s32 s19, s6;
	s23 =	sadd.s32 s19, s5;
	s7 =	simm.s32 $0x280  }
0x1a: {  	s8 =	simm.s32 $0x2C00;
	s15 =	simm.s32 $0x1;
	[dreg:$0x10] =	wrdreg s10  }
0x1b: {  	s10 =	sshrl.u32 s11, $0x2;
	s11 =	sshrl.u32 s9, $0x3;
	[dreg:$0x7] =	wrdreg s21  }
0x1c: {  	s17 =	simm.s32 $0x2;
	[dreg:$0x8] =	wrdreg s23;
	s12 =	sadd.s32 s11, s6  }
0x1d: {  	s18 =	sadd.s32 s10, s1;
	s0 =	sadd.s32 s11, s5;
	[dreg:$0x3] =	wrdreg s12  }
0x1e: {  	s19 =	simm.s32 $0x0;
	[dreg:$0x4] =	wrdreg s0;
	s20 =	sadd.s32 $0x2800, s18  }
0x1f: {  	s9 =	simm.s32 $0x100;
	s22 =	sadd.s32 $0x5000, s18;
	[dreg:$0x15] =	wrdreg s20  }
0x20: {  	s10 =	simm.s32 $0x300;
	s24 =	sadd.s32 $0x7800, s18;
	[dreg:$0x16] =	wrdreg s22  }
0x21: {  	s11 =	simm.s32 $0x5400;
	s25 =	sadd.s32 $0xA000, s18;
	[dreg:$0x17] =	wrdreg s24  }
0x22: {  	s26 =	sadd.s32 $0xC800, s18;
	s28 =	sadd.s32 $0x11800, s18;
	[dreg:$0x18] =	wrdreg s25  }
0x23: {  	s0 =	simm.s32 $0x50;
	s12 =	simm.s32 $0x180;
	[dreg:$0x19] =	wrdreg s26  }
0x24: {  	v0 =	vimm.f32 $0.0e+00;
	s25 =	sadd.s32 $0x140, s2;
	s26 =	sadd.s32 $0xF000, s18;
	s2 =	simm.s32 $0x80  }
.LBB2_1:
0x25: {  	s20 =	simm.s32 $0x70;
	s21 =	simm.s32 $0x3C0  }
.LBB2_2:
0x26: {  	p0 =	sne.s32 s21, $0x9FC0;
	[tilespmem:s20+$0x400] =	vst v0  }
0x27: {  	[tilespmem:s20+$0x390] =	vst v0  }
0x28: {  	[tilespmem:s20+$0x3A0] =	vst v0  }
.Ltmp0:
0x29: {  	[tilespmem:s20+$0x3B0] =	vst v0;
	(pc) =	sbr.rel @p0 .LBB2_2-.Ltmp0, $4  }
0x2a: {  	[tilespmem:s20+$0x3C0] =	vst v0  }
0x2b: {  	[tilespmem:s20+$0x3D0] =	vst v0  }
0x2c: {  	[tilespmem:s20+$0x3E0] =	vst v0  }
0x2d: {  	[tilespmem:s20+$0x3F0] =	vst v0;
	s20 =	sshra.s32 s21, $0x2;
	s21 =	sadd.s32 $0x200, s21  }
0x2e: {  	[tilespmem:s20+$0x400] =	vst v0  }
0x2f: {  	[tilespmem:s20+$0x390] =	vst v0  }
0x30: {  	[tilespmem:s20+$0x3A0] =	vst v0  }
0x31: {  	[tilespmem:s20+$0x3B0] =	vst v0  }
0x32: {  	[tilespmem:s20+$0x3C0] =	vst v0  }
0x33: {  	[tilespmem:s20+$0x3D0] =	vst v0  }
0x34: {  	[tilespmem:s20+$0x3E0] =	vst v0  }
0x35: {  	[tilespmem:s20+$0x3F0] =	vst v0  }
0x36: {  	[spmem:s18] =	stream.linear.scatter [tilespmem:s29], [sflag:$0x4], $0x2800, $0x38;
	[tilespmem:$0x1E400] =	vst v63  }
0x37: {  	_ =	swait.ge [sflag:s30], $0x2800  }
0x38: {  	[sflag:s30] =	ssyncset.done $0x0  }
0x39: {  	s22 =	rddreg [dreg:$0x15];
	[sflag:s30] =	ssyncadd.s32 $0xFFFFD800  }
0x3a: {  	[spmem:s22] =	stream.linear.scatter [tilespmem:s29], [sflag:$0x4], $0x2800, $0x38;
	[tilespmem:$0x1E400] =	vst v63  }
0x3b: {  	_ =	swait.ge [sflag:s30], $0x2800  }
0x3c: {  	[sflag:s30] =	ssyncset.done $0x0  }
0x3d: {  	s23 =	rddreg [dreg:$0x16];
	[sflag:s30] =	ssyncadd.s32 $0xFFFFD800  }
0x3e: {  	[spmem:s23] =	stream.linear.scatter [tilespmem:s29], [sflag:$0x4], $0x2800, $0x38;
	[tilespmem:$0x1E400] =	vst v63  }
0x3f: {  	_ =	swait.ge [sflag:s30], $0x2800  }
0x40: {  	[sflag:s30] =	ssyncset.done $0x0  }
0x41: {  	s24 =	rddreg [dreg:$0x17];
	[sflag:s30] =	ssyncadd.s32 $0xFFFFD800  }
0x42: {  	[spmem:s24] =	stream.linear.scatter [tilespmem:s29], [sflag:$0x4], $0x2800, $0x38;
	[tilespmem:$0x1E400] =	vst v63  }
0x43: {  	_ =	swait.ge [sflag:s30], $0x2800  }
0x44: {  	[sflag:s30] =	ssyncset.done $0x0  }
0x45: {  	s21 =	rddreg [dreg:$0x18];
	[sflag:s30] =	ssyncadd.s32 $0xFFFFD800  }
0x46: {  	[spmem:s21] =	stream.linear.scatter [tilespmem:s29], [sflag:$0x4], $0x2800, $0x38;
	[tilespmem:$0x1E400] =	vst v63  }
0x47: {  	_ =	swait.ge [sflag:s30], $0x2800  }
0x48: {  	[sflag:s30] =	ssyncset.done $0x0  }
0x49: {  	s22 =	rddreg [dreg:$0x19];
	[sflag:s30] =	ssyncadd.s32 $0xFFFFD800  }
0x4a: {  	[spmem:s22] =	stream.linear.scatter [tilespmem:s29], [sflag:$0x4], $0x2800, $0x38;
	[tilespmem:$0x1E400] =	vst v63  }
0x4b: {  	_ =	swait.ge [sflag:s30], $0x2800  }
0x4c: {  	[sflag:s30] =	ssyncset.done $0x0  }
0x4d: {  	[sflag:s30] =	ssyncadd.s32 $0xFFFFD800  }
0x4e: {  	[spmem:s26] =	stream.linear.scatter [tilespmem:s29], [sflag:$0x4], $0x2800, $0x38;
	[tilespmem:$0x1E400] =	vst v63  }
0x4f: {  	_ =	swait.ge [sflag:s30], $0x2800  }
0x50: {  	[sflag:s30] =	ssyncset.done $0x0  }
0x51: {  	[sflag:s30] =	ssyncadd.s32 $0xFFFFD800  }
0x52: {  	[spmem:s28] =	stream.linear.scatter [tilespmem:s29], [sflag:$0x4], $0x2800, $0x38;
	[tilespmem:$0x1E400] =	vst v63  }
0x53: {  	_ =	swait.ge [sflag:s30], $0x2800  }
0x54: {  	[sflag:s30] =	ssyncset.done $0x0  }
0x55: {  	[sflag:s30] =	ssyncadd.s32 $0xFFFFD800  }
0x56: {  	[bflag:$0x0] =	sbarrier.arrive $0xFFFF  }
0x57: {  	s20 =	simm.s32 $0x0;
	s21 =	rddreg [dreg:$0x9]  }
0x58: {  	[tilespmem:s20], [sflag:$0x4] =	stream.linear.gather [hbm4b:s21+s20], $0x50, $0x38;
	[tilespmem:$0x1E400] =	vst v63  }
0x59: {  	_ =	swait.ge [sflag:s30], $0x50  }
0x5a: {  	[sflag:s30] =	ssyncset.done $0x0  }
0x5b: {  	s23 =	rddreg [dreg:$0xa];
	[sflag:s30] =	ssyncadd.s32 $0xFFFFFFB0  }
0x5c: {  	[tilespmem:s31], [sflag:$0x4] =	stream.linear.gather [hbm4b:s23+s20], $0x50, $0x38;
	[tilespmem:$0x1E400] =	vst v63  }
0x5d: {  	_ =	swait.ge [sflag:s30], $0x50  }
0x5e: {  	[sflag:s30] =	ssyncset.done $0x0  }
0x5f: {  	[sflag:s30] =	ssyncadd.s32 $0xFFFFFFB0  }
0x60: {  	[tilespmem:s29], [sflag:$0x1] =	stream.indirect.gather [hbm4b:s4+s0], $0x80, s20, s0, $0xb8;
	[tilespmem:$0x1E400] =	vst v63  }
0x61: {  	s24 =	rddreg [dreg:$0xb]  }
0x62: {  	[tilespmem:s2], [sflag:$0x4] =	stream.linear.gather [hbm4b:s24+s20], $0x50, $0x38;
	[tilespmem:$0x1E400] =	vst v63  }
0x63: {  	_ =	swait.ge [sflag:s30], $0x50  }
0x64: {  	[sflag:s30] =	ssyncset.done $0x0  }
0x65: {  	s22 =	rddreg [dreg:$0xc];
	[sflag:s30] =	ssyncadd.s32 $0xFFFFFFB0  }
0x66: {  	[tilespmem:s7], [sflag:$0x4] =	stream.linear.gather [hbm4b:s22+s20], $0x50, $0x38;
	[tilespmem:$0x1E400] =	vst v63  }
0x67: {  	_ =	swait.ge [sflag:s30], $0x50  }
0x68: {  	[sflag:s30] =	ssyncset.done $0x0  }
0x69: {  	[sflag:s30] =	ssyncadd.s32 $0xFFFFFFB0  }
0x6a: {  	[tilespmem:s8], [sflag:$0x1] =	stream.indirect.gather [hbm4b:s4+s0], $0x80, s2, s0, $0xb8;
	[tilespmem:$0x1E400] =	vst v63  }
0x6b: {  	s23 =	rddreg [dreg:$0xd]  }
0x6c: {  	[tilespmem:s9], [sflag:$0x4] =	stream.linear.gather [hbm4b:s23+s20], $0x50, $0x38;
	[tilespmem:$0x1E400] =	vst v63  }
0x6d: {  	_ =	swait.ge [sflag:s30], $0x50  }
0x6e: {  	[sflag:s30] =	ssyncset.done $0x0  }
0x6f: {  	s24 =	rddreg [dreg:$0xe];
	[sflag:s30] =	ssyncadd.s32 $0xFFFFFFB0  }
0x70: {  	[tilespmem:s10], [sflag:$0x4] =	stream.linear.gather [hbm4b:s24+s20], $0x50, $0x38;
	[tilespmem:$0x1E400] =	vst v63  }
0x71: {  	_ =	swait.ge [sflag:s30], $0x50  }
0x72: {  	[sflag:s30] =	ssyncset.done $0x0  }
0x73: {  	[sflag:s30] =	ssyncadd.s32 $0xFFFFFFB0  }
0x74: {  	[tilespmem:s11], [sflag:$0x1] =	stream.indirect.gather [hbm4b:s4+s0], $0x80, s9, s0, $0xb8;
	[tilespmem:$0x1E400] =	vst v63  }
0x75: {  	s22 =	rddreg [dreg:$0xf]  }
0x76: {  	[tilespmem:s12], [sflag:$0x4] =	stream.linear.gather [hbm4b:s22+s20], $0x50, $0x38;
	[tilespmem:$0x1E400] =	vst v63  }
0x77: {  	_ =	swait.ge [sflag:s30], $0x50  }
0x78: {  	[sflag:s30] =	ssyncset.done $0x0  }
0x79: {  	s23 =	rddreg [dreg:$0x10];
	[sflag:s30] =	ssyncadd.s32 $0xFFFFFFB0  }
0x7a: {  	[tilespmem:s13], [sflag:$0x4] =	stream.linear.gather [hbm4b:s23+s20], $0x50, $0x38;
	[tilespmem:$0x1E400] =	vst v63  }
0x7b: {  	_ =	swait.ge [sflag:s30], $0x50  }
0x7c: {  	[sflag:s30] =	ssyncset.done $0x0  }
0x7d: {  	[sflag:s30] =	ssyncadd.s32 $0xFFFFFFB0  }
0x7e: {  	[tilespmem:s14], [sflag:$0x1] =	stream.indirect.gather [hbm4b:s4+s0], $0x80, s12, s0, $0xb8;
	[tilespmem:$0x1E400] =	vst v63  }
0x7f: {  	_ =	swait.ge [sflag:s15], $0x2800  }
0x80: {  	[sflag:s15] =	ssyncset.done $0x0  }
0x81: {  	[sflag:s15] =	ssyncadd.s32 $0xFFFFD800  }
0x82: {  	[spmem:s1] =	stream.indirect.scatter.add.f32 [tilespmem:s29], [sflag:$0x3], $0x80, s31, s0, $0xb8;
	[tilespmem:$0x1E400] =	vst v63  }
0x83: {  	_ =	swait.ge [sflag:s15], $0x2800  }
0x84: {  	[sflag:s15] =	ssyncset.done $0x0  }
0x85: {  	[sflag:s15] =	ssyncadd.s32 $0xFFFFD800  }
0x86: {  	[spmem:s1] =	stream.indirect.scatter.add.f32 [tilespmem:s8], [sflag:$0x3], $0x80, s7, s0, $0xb8;
	[tilespmem:$0x1E400] =	vst v63  }
0x87: {  	_ =	swait.ge [sflag:s15], $0x2800  }
0x88: {  	[sflag:s15] =	ssyncset.done $0x0  }
0x89: {  	[sflag:s15] =	ssyncadd.s32 $0xFFFFD800  }
0x8a: {  	[spmem:s1] =	stream.indirect.scatter.add.f32 [tilespmem:s11], [sflag:$0x3], $0x80, s10, s0, $0xb8;
	[tilespmem:$0x1E400] =	vst v63  }
0x8b: {  	_ =	swait.ge [sflag:s15], $0x2800  }
0x8c: {  	[sflag:s15] =	ssyncset.done $0x0  }
0x8d: {  	[sflag:s15] =	ssyncadd.s32 $0xFFFFD800  }
0x8e: {  	[spmem:s1] =	stream.indirect.scatter.add.f32 [tilespmem:s14], [sflag:$0x3], $0x80, s13, s0, $0xb8;
	[tilespmem:$0x1E400] =	vst v63  }
0x8f: {  	_ =	swait.ge [sflag:s16], $0x2800  }
0x90: {  	s24 =	sshrl.u32 s25, $0x3;
	[sflag:s16] =	ssyncset.done $0x0  }
0x91: {  	s22 =	sadd.s32 s5, s24;
	[sflag:s16] =	ssyncadd.s32 $0xFFFFD800  }
0x92: {  	[tilespmem:s3], [sflag:$0x2] =	stream.linear.gather [hbm4b:s22+s3], $0x50, $0x38;
	[tilespmem:$0x1E400] =	vst v63  }
0x93: {  	s20 =	sadd.s32 s6, s24  }
0x94: {  	[tilespmem:s31], [sflag:$0x2] =	stream.linear.gather [hbm4b:s20+s3], $0x50, $0x38;
	[tilespmem:$0x1E400] =	vst v63  }
0x95: {  	_ =	swait.ge [sflag:s16], $0x2800  }
0x96: {  	s23 =	rddreg [dreg:$0x8];
	[sflag:s16] =	ssyncset.done $0x0  }
0x97: {  	s24 =	rddreg [dreg:$0x7];
	[sflag:s16] =	ssyncadd.s32 $0xFFFFD800;
	s20 =	sadd.s32 $0x0, s23  }
0x98: {  	[tilespmem:s2], [sflag:$0x2] =	stream.linear.gather [hbm4b:s20+s3], $0x50, $0x38;
	[tilespmem:$0x1E400] =	vst v63  }
0x99: {  	s22 =	sadd.s32 $0x0, s24  }
0x9a: {  	[tilespmem:s7], [sflag:$0x2] =	stream.linear.gather [hbm4b:s22+s3], $0x50, $0x38;
	[tilespmem:$0x1E400] =	vst v63  }
0x9b: {  	_ =	swait.ge [sflag:s16], $0x2800  }
0x9c: {  	s23 =	rddreg [dreg:$0x6];
	[sflag:s16] =	ssyncset.done $0x0  }
0x9d: {  	s24 =	rddreg [dreg:$0x5];
	[sflag:s16] =	ssyncadd.s32 $0xFFFFD800;
	s20 =	sadd.s32 $0x0, s23  }
0x9e: {  	[tilespmem:s9], [sflag:$0x2] =	stream.linear.gather [hbm4b:s20+s3], $0x50, $0x38;
	[tilespmem:$0x1E400] =	vst v63  }
0x9f: {  	s21 =	sadd.s32 $0x0, s24  }
0xa0: {  	[tilespmem:s10], [sflag:$0x2] =	stream.linear.gather [hbm4b:s21+s3], $0x50, $0x38;
	[tilespmem:$0x1E400] =	vst v63  }
0xa1: {  	_ =	swait.ge [sflag:s16], $0x2800  }
0xa2: {  	s22 =	rddreg [dreg:$0x4];
	[sflag:s16] =	ssyncset.done $0x0  }
0xa3: {  	s23 =	rddreg [dreg:$0x3];
	[sflag:s16] =	ssyncadd.s32 $0xFFFFD800;
	s20 =	sadd.s32 $0x0, s22  }
0xa4: {  	[tilespmem:s12], [sflag:$0x2] =	stream.linear.gather [hbm4b:s20+s3], $0x50, $0x38;
	[tilespmem:$0x1E400] =	vst v63  }
0xa5: {  	s24 =	sadd.s32 $0x0, s23  }
0xa6: {  	[tilespmem:s13], [sflag:$0x2] =	stream.linear.gather [hbm4b:s24+s3], $0x50, $0x38;
	[tilespmem:$0x1E400] =	vst v63  }
0xa7: {  	_ =	swait.ge [sflag:s17], $0x50  }
0xa8: {  	[sflag:s17] =	ssyncset.done $0x0  }
0xa9: {  	[sflag:s17] =	ssyncadd.s32 $0xFFFFFFB0  }
0xaa: {  	_ =	swait.ge [sflag:s17], $0x50  }
0xab: {  	[sflag:s17] =	ssyncset.done $0x0  }
0xac: {  	[sflag:s17] =	ssyncadd.s32 $0xFFFFFFB0  }
0xad: {  	[tilespmem:s29], [sflag:$0x1] =	stream.indirect.gather [hbm4b:s4+s0], $0x80, s3, s0, $0xb8;
	[tilespmem:$0x1E400] =	vst v63  }
0xae: {  	_ =	swait.ge [sflag:s17], $0x50  }
0xaf: {  	[sflag:s17] =	ssyncset.done $0x0  }
0xb0: {  	[sflag:s17] =	ssyncadd.s32 $0xFFFFFFB0  }
0xb1: {  	_ =	swait.ge [sflag:s17], $0x50  }
0xb2: {  	[sflag:s17] =	ssyncset.done $0x0  }
0xb3: {  	[sflag:s17] =	ssyncadd.s32 $0xFFFFFFB0  }
0xb4: {  	[tilespmem:s8], [sflag:$0x1] =	stream.indirect.gather [hbm4b:s4+s0], $0x80, s2, s0, $0xb8;
	[tilespmem:$0x1E400] =	vst v63  }
0xb5: {  	_ =	swait.ge [sflag:s17], $0x50  }
0xb6: {  	[sflag:s17] =	ssyncset.done $0x0  }
0xb7: {  	[sflag:s17] =	ssyncadd.s32 $0xFFFFFFB0  }
0xb8: {  	_ =	swait.ge [sflag:s17], $0x50  }
0xb9: {  	[sflag:s17] =	ssyncset.done $0x0  }
0xba: {  	[sflag:s17] =	ssyncadd.s32 $0xFFFFFFB0  }
0xbb: {  	[tilespmem:s11], [sflag:$0x1] =	stream.indirect.gather [hbm4b:s4+s0], $0x80, s9, s0, $0xb8;
	[tilespmem:$0x1E400] =	vst v63  }
0xbc: {  	_ =	swait.ge [sflag:s17], $0x50  }
0xbd: {  	[sflag:s17] =	ssyncset.done $0x0  }
0xbe: {  	[sflag:s17] =	ssyncadd.s32 $0xFFFFFFB0  }
0xbf: {  	_ =	swait.ge [sflag:s17], $0x50  }
0xc0: {  	[sflag:s17] =	ssyncset.done $0x0  }
0xc1: {  	s21 =	sadd.s32 $0x140, s25;
	s20 =	simm.s32 $0x28;
	[sflag:s17] =	ssyncadd.s32 $0xFFFFFFB0  }
.LBB2_4:
0xc2: {  	[tilespmem:s14], [sflag:$0x1] =	stream.indirect.gather [hbm4b:s4+s0], $0x80, s12, s0, $0xb8;
	[tilespmem:$0x1E400] =	vst v63  }
0xc3: {  	_ =	swait.ge [sflag:s15], $0x2800  }
0xc4: {  	[sflag:s15] =	ssyncset.done $0x0  }
0xc5: {  	[sflag:s15] =	ssyncadd.s32 $0xFFFFD800  }
0xc6: {  	[spmem:s1] =	stream.indirect.scatter.add.f32 [tilespmem:s29], [sflag:$0x3], $0x80, s31, s0, $0xb8;
	[tilespmem:$0x1E400] =	vst v63  }
0xc7: {  	_ =	swait.ge [sflag:s15], $0x2800  }
0xc8: {  	[sflag:s15] =	ssyncset.done $0x0  }
0xc9: {  	[sflag:s15] =	ssyncadd.s32 $0xFFFFD800  }
0xca: {  	[spmem:s1] =	stream.indirect.scatter.add.f32 [tilespmem:s8], [sflag:$0x3], $0x80, s7, s0, $0xb8;
	[tilespmem:$0x1E400] =	vst v63  }
0xcb: {  	_ =	swait.ge [sflag:s15], $0x2800  }
0xcc: {  	[sflag:s15] =	ssyncset.done $0x0  }
0xcd: {  	[sflag:s15] =	ssyncadd.s32 $0xFFFFD800  }
0xce: {  	[spmem:s1] =	stream.indirect.scatter.add.f32 [tilespmem:s11], [sflag:$0x3], $0x80, s10, s0, $0xb8;
	[tilespmem:$0x1E400] =	vst v63  }
0xcf: {  	_ =	swait.ge [sflag:s15], $0x2800  }
0xd0: {  	[sflag:s15] =	ssyncset.done $0x0  }
0xd1: {  	[sflag:s15] =	ssyncadd.s32 $0xFFFFD800  }
0xd2: {  	[spmem:s1] =	stream.indirect.scatter.add.f32 [tilespmem:s14], [sflag:$0x3], $0x80, s13, s0, $0xb8;
	[tilespmem:$0x1E400] =	vst v63  }
0xd3: {  	_ =	swait.ge [sflag:s16], $0x2800  }
0xd4: {  	s23 =	sshrl.u32 s21, $0x3;
	[sflag:s16] =	ssyncset.done $0x0  }
0xd5: {  	s24 =	sadd.s32 s5, s23;
	[sflag:s16] =	ssyncadd.s32 $0xFFFFD800  }
0xd6: {  	[tilespmem:s3], [sflag:$0x2] =	stream.linear.gather [hbm4b:s24+s3], $0x50, $0x38;
	[tilespmem:$0x1E400] =	vst v63  }
0xd7: {  	s23 =	sadd.s32 s6, s23  }
0xd8: {  	[tilespmem:s31], [sflag:$0x2] =	stream.linear.gather [hbm4b:s23+s3], $0x50, $0x38;
	[tilespmem:$0x1E400] =	vst v63  }
0xd9: {  	_ =	swait.ge [sflag:s16], $0x2800  }
0xda: {  	s22 =	smov.u32 s20;
	s23 =	rddreg [dreg:$0x8];
	[sflag:s16] =	ssyncset.done $0x0  }
0xdb: {  	s24 =	rddreg [dreg:$0x7];
	[sflag:s16] =	ssyncadd.s32 $0xFFFFD800;
	s23 =	sadd.s32 s22, s23  }
0xdc: {  	[tilespmem:s2], [sflag:$0x2] =	stream.linear.gather [hbm4b:s23+s3], $0x50, $0x38;
	[tilespmem:$0x1E400] =	vst v63  }
0xdd: {  	s24 =	sadd.s32 s22, s24  }
0xde: {  	[tilespmem:s7], [sflag:$0x2] =	stream.linear.gather [hbm4b:s24+s3], $0x50, $0x38;
	[tilespmem:$0x1E400] =	vst v63  }
0xdf: {  	_ =	swait.ge [sflag:s16], $0x2800  }
0xe0: {  	s23 =	rddreg [dreg:$0x6];
	[sflag:s16] =	ssyncset.done $0x0  }
0xe1: {  	s24 =	rddreg [dreg:$0x5];
	[sflag:s16] =	ssyncadd.s32 $0xFFFFD800;
	s23 =	sadd.s32 s22, s23  }
0xe2: {  	[tilespmem:s9], [sflag:$0x2] =	stream.linear.gather [hbm4b:s23+s3], $0x50, $0x38;
	[tilespmem:$0x1E400] =	vst v63  }
0xe3: {  	s24 =	sadd.s32 s22, s24  }
0xe4: {  	[tilespmem:s10], [sflag:$0x2] =	stream.linear.gather [hbm4b:s24+s3], $0x50, $0x38;
	[tilespmem:$0x1E400] =	vst v63  }
0xe5: {  	_ =	swait.ge [sflag:s16], $0x2800  }
0xe6: {  	s23 =	rddreg [dreg:$0x4];
	[sflag:s16] =	ssyncset.done $0x0  }
0xe7: {  	s24 =	rddreg [dreg:$0x3];
	[sflag:s16] =	ssyncadd.s32 $0xFFFFD800;
	s23 =	sadd.s32 s22, s23  }
0xe8: {  	[tilespmem:s12], [sflag:$0x2] =	stream.linear.gather [hbm4b:s23+s3], $0x50, $0x38;
	[tilespmem:$0x1E400] =	vst v63  }
0xe9: {  	s22 =	sadd.s32 s22, s24  }
0xea: {  	[tilespmem:s13], [sflag:$0x2] =	stream.linear.gather [hbm4b:s22+s3], $0x50, $0x38;
	[tilespmem:$0x1E400] =	vst v63  }
0xeb: {  	_ =	swait.ge [sflag:s17], $0x50  }
0xec: {  	[sflag:s17] =	ssyncset.done $0x0  }
0xed: {  	[sflag:s17] =	ssyncadd.s32 $0xFFFFFFB0  }
0xee: {  	_ =	swait.ge [sflag:s17], $0x50  }
0xef: {  	[sflag:s17] =	ssyncset.done $0x0  }
0xf0: {  	[sflag:s17] =	ssyncadd.s32 $0xFFFFFFB0  }
0xf1: {  	[tilespmem:s29], [sflag:$0x1] =	stream.indirect.gather [hbm4b:s4+s0], $0x80, s3, s0, $0xb8;
	[tilespmem:$0x1E400] =	vst v63  }
0xf2: {  	_ =	swait.ge [sflag:s17], $0x50  }
0xf3: {  	[sflag:s17] =	ssyncset.done $0x0  }
0xf4: {  	[sflag:s17] =	ssyncadd.s32 $0xFFFFFFB0  }
0xf5: {  	_ =	swait.ge [sflag:s17], $0x50  }
0xf6: {  	[sflag:s17] =	ssyncset.done $0x0  }
0xf7: {  	[sflag:s17] =	ssyncadd.s32 $0xFFFFFFB0  }
0xf8: {  	[tilespmem:s8], [sflag:$0x1] =	stream.indirect.gather [hbm4b:s4+s0], $0x80, s2, s0, $0xb8;
	[tilespmem:$0x1E400] =	vst v63  }
0xf9: {  	_ =	swait.ge [sflag:s17], $0x50  }
0xfa: {  	[sflag:s17] =	ssyncset.done $0x0  }
0xfb: {  	[sflag:s17] =	ssyncadd.s32 $0xFFFFFFB0  }
0xfc: {  	_ =	swait.ge [sflag:s17], $0x50  }
0xfd: {  	[sflag:s17] =	ssyncset.done $0x0  }
0xfe: {  	[sflag:s17] =	ssyncadd.s32 $0xFFFFFFB0  }
0xff: {  	[tilespmem:s11], [sflag:$0x1] =	stream.indirect.gather [hbm4b:s4+s0], $0x80, s9, s0, $0xb8;
	[tilespmem:$0x1E400] =	vst v63  }
0x100: {  	p0 =	sne.s32 s20, $0x488;
	_ =	swait.ge [sflag:s17], $0x50  }
.Ltmp1:
0x101: {  	[sflag:s17] =	ssyncset.done $0x0;
	(pc) =	sbr.rel @p0 .LBB2_4-.Ltmp1, $4  }
0x102: {  	[sflag:s17] =	ssyncadd.s32 $0xFFFFFFB0  }
0x103: {  	_ =	swait.ge [sflag:s17], $0x50  }
0x104: {  	[sflag:s17] =	ssyncset.done $0x0  }
0x105: {  	s20 =	sadd.s32 $0x28, s20;
	s21 =	sadd.s32 $0x140, s21;
	[sflag:s17] =	ssyncadd.s32 $0xFFFFFFB0  }
0x106: {  	[tilespmem:s14], [sflag:$0x1] =	stream.indirect.gather [hbm4b:s4+s0], $0x80, s12, s0, $0xb8;
	[tilespmem:$0x1E400] =	vst v63  }
0x107: {  	_ =	swait.ge [sflag:s15], $0x2800  }
0x108: {  	[sflag:s15] =	ssyncset.done $0x0  }
0x109: {  	[sflag:s15] =	ssyncadd.s32 $0xFFFFD800  }
0x10a: {  	[spmem:s1] =	stream.indirect.scatter.add.f32 [tilespmem:s29], [sflag:$0x3], $0x80, s31, s0, $0xb8;
	[tilespmem:$0x1E400] =	vst v63  }
0x10b: {  	_ =	swait.ge [sflag:s15], $0x2800  }
0x10c: {  	[sflag:s15] =	ssyncset.done $0x0  }
0x10d: {  	[sflag:s15] =	ssyncadd.s32 $0xFFFFD800  }
0x10e: {  	[spmem:s1] =	stream.indirect.scatter.add.f32 [tilespmem:s8], [sflag:$0x3], $0x80, s7, s0, $0xb8;
	[tilespmem:$0x1E400] =	vst v63  }
0x10f: {  	_ =	swait.ge [sflag:s15], $0x2800  }
0x110: {  	[sflag:s15] =	ssyncset.done $0x0  }
0x111: {  	[sflag:s15] =	ssyncadd.s32 $0xFFFFD800  }
0x112: {  	[spmem:s1] =	stream.indirect.scatter.add.f32 [tilespmem:s11], [sflag:$0x3], $0x80, s10, s0, $0xb8;
	[tilespmem:$0x1E400] =	vst v63  }
0x113: {  	_ =	swait.ge [sflag:s15], $0x2800  }
0x114: {  	[sflag:s15] =	ssyncset.done $0x0  }
0x115: {  	[sflag:s15] =	ssyncadd.s32 $0xFFFFD800  }
0x116: {  	[spmem:s1] =	stream.indirect.scatter.add.f32 [tilespmem:s14], [sflag:$0x3], $0x80, s13, s0, $0xb8;
	[tilespmem:$0x1E400] =	vst v63  }
0x117: {  	_ =	swait.ge [sflag:s16], $0x2800  }
0x118: {  	[sflag:s16] =	ssyncset.done $0x0  }
0x119: {  	s20 =	rddreg [dreg:$0x11];
	[sflag:s16] =	ssyncadd.s32 $0xFFFFD800  }
0x11a: {  	[tilespmem:s3], [sflag:$0x4] =	stream.linear.gather [hbm4b:s20+s3], $0x50, $0x38;
	[tilespmem:$0x1E400] =	vst v63  }
0x11b: {  	_ =	swait.ge [sflag:s30], $0x50  }
0x11c: {  	[sflag:s30] =	ssyncset.done $0x0  }
0x11d: {  	s22 =	rddreg [dreg:$0x12];
	[sflag:s30] =	ssyncadd.s32 $0xFFFFFFB0  }
0x11e: {  	[tilespmem:s31], [sflag:$0x4] =	stream.linear.gather [hbm4b:s22+s3], $0x50, $0x38;
	[tilespmem:$0x1E400] =	vst v63  }
0x11f: {  	_ =	swait.ge [sflag:s30], $0x50  }
0x120: {  	[sflag:s30] =	ssyncset.done $0x0  }
0x121: {  	[sflag:s30] =	ssyncadd.s32 $0xFFFFFFB0  }
0x122: {  	[tilespmem:s29], [sflag:$0x1] =	stream.indirect.gather [hbm4b:s4+s0], $0x80, s3, s0, $0xb8;
	[tilespmem:$0x1E400] =	vst v63  }
0x123: {  	_ =	swait.ge [sflag:s15], $0x2800  }
0x124: {  	[sflag:s15] =	ssyncset.done $0x0  }
0x125: {  	[sflag:s15] =	ssyncadd.s32 $0xFFFFD800  }
0x126: {  	[spmem:s1] =	stream.indirect.scatter.add.f32 [tilespmem:s29], [sflag:$0x3], $0x80, s31, s0, $0xb8;
	[tilespmem:$0x1E400] =	vst v63  }
0x127: {  	_ =	swait.ge [sflag:s16], $0x2800  }
0x128: {  	[sflag:s16] =	ssyncset.done $0x0  }
0x129: {  	[sflag:s16] =	ssyncadd.s32 $0xFFFFD800  }
0x12a: {  	_ =	swait.ge [sflag:s16], $0x2800  }
0x12b: {  	[sflag:s16] =	ssyncset.done $0x0  }
0x12c: {  	[sflag:s16] =	ssyncadd.s32 $0xFFFFD800  }
0x12d: {  	_ =	swait.ge [sflag:s16], $0x2800  }
0x12e: {  	[sflag:s16] =	ssyncset.done $0x0  }
0x12f: {  	[sflag:s16] =	ssyncadd.s32 $0xFFFFD800  }
0x130: {  	_ =	swait.ge [sflag:s16], $0x2800  }
0x131: {  	[sflag:s16] =	ssyncset.done $0x0  }
0x132: {  	s23 =	stileid.u32;
	[sflag:s16] =	ssyncadd.s32 $0xFFFFD800  }
0x133: {  	s20 =	sshll.u32 s23, $0x6;
	[bflag:$0x0] =	sbarrier.arrive $0xFFFF  }
0x134: {  	s21 =	sshrl.u32 s18, $0x3;
	s20 =	sor.u32 $0x1C04, s20;
	s22 =	rddreg [dreg:$0x13]  }
0x135: {  	[hbm:s22], [sflag:s20] =	dma.local [spmem:s21], $0x2800  }
0x136: {  	_ =	swait.ge [sflag:s30], $0x2800  }
0x137: {  	s19 =	sadd.s32 $0x1, s19;
	s24 =	rddreg [dreg:$0x14]  }
0x138: {  	p0 =	sne.s32 s19, s24  }
.Ltmp2:
0x139: {  	_ = 	snop;
	(pc) =	sbr.rel @p0 .LBB2_1-.Ltmp2, $3  }
0x13a: {  	_ =	sdelay $0x1  }
0x13b: {  	[sflag:s30] =	ssyncset.done $0x0  }
0x13c: {  	[sflag:s30] =	ssyncadd.s32 $0xFFFFD800  }
0x13d: {  	_ =	sfence.sel $0x180000  }
0x13e: {  	[bflag:$0x0] =	sbarrier.arrive $0xFFFF  }
0x13f: {  	_ =	strace $0x9000004D  }
0x140: {  	s0 =	stileid.u32;
	[bflag:$0x2] =	sbarrier.arrive $0xFFFF  }
0x141: {  	p0 =	sne.s32 s0, $0x0;
	s0 =	rddreg [dreg:$0x2]  }
0x142: {  	s0 =	sadd.s32 @!p0 $0x100000, s0  }
0x143: {  	[sflag:s0] =	ssyncadd.tile.s32 @!p0 $0x1;
	_ =	shalt  }
.Lfunc_end2:
_tile_overlayer_lowered:
.L_overlay_start_2:
0x144: {  	(tag) =	ssettag $0x2  }
0x145: {  	s0 =	rddreg [dreg:$0x0];
	s2 =	stileid.u32  }
0x146: {  	s1 =	rddreg [dreg:$0x1];
	p0 =	sne.s32 s2, $0x0  }
0x147: {  	s3 =	rddreg [dreg:$0x2];
	[bflag:$0x3] =	sbarrier.arrive $0xFFFF;
	s2 =	simm.s32 @!p0 $0x1C04  }
0x148: {  	[timem:s3], [sflag:s2] =	dma.local @!p0 [hbm:s0], s1  }
0x149: {  	s0 =	simm.s32 @!p0 $0x4  }
0x14a: {  	_ =	swait.ge @!p0 [sflag:s0], s1  }
0x14b: {  	s1 =	ssub.s32 @!p0 $0x0, s1;
	[sflag:s0] =	ssyncset.done @!p0 $0x0  }
0x14c: {  	[sflag:s0] =	ssyncadd.s32 @!p0 s1  }
0x14d: {  	[bflag:$0x3] =	sbarrier.arrive $0xFFFF  }
0x14e: {  	_ =	shalt  }

// kernel: kernel.8.cloned.1.call-start
scs
__scs_entry_jumppad:
0x0: {  	(pc) =	sbr.rel $0x88, $3  }
0x1: {  	(tag) =	ssettag $0x0;
	lr =	simm.s32 $0x1  }
0x2: {  	[smem:$0x3F97] =	sst lr;
	_ =	strace $0xD0000000  }
0x3: {  	_ = 	snop  }
0x4: {  	_ = 	snop  }
0x5: {  	_ = 	snop  }
0x6: {  	_ = 	snop  }
0x7: {  	_ = 	snop  }
__scs_overlays_trampoline_lowered:
0x8: {  	[smem:$0x3FA6] =	sst s0  }
0x9: {  	[smem:$0x3FA7] =	sst s1  }
0xa: {  	[smem:$0x3FA8] =	sst s2  }
0xb: {  	[smem:$0x3FA9] =	sst s3  }
0xc: {  	[smem:$0x3FAA] =	sst s4  }
0xd: {  	[smem:$0x3FAB] =	sst s5  }
0xe: {  	[smem:$0x3FAC] =	sst s6  }
0xf: {  	[smem:$0x3FAD] =	sst s7  }
0x10: {  	[smem:$0x3FAE] =	sst s8  }
0x11: {  	[smem:$0x3FAF] =	sst s9;
	s0 =	simm.s32 @!p0 $0x0  }
0x12: {  	s1 =	sld [smem:$0x3F95];
	s0 =	simm.s32 @p0 $0x1  }
0x13: {  	[smem:$0x3FB0] =	sst s0;
	s0 =	simm.s32 @!p1 $0x0  }
0x14: {  	s2 =	sld [smem:$0x3F94];
	s0 =	simm.s32 @p1 $0x1  }
0x15: {  	[smem:$0x3FB1] =	sst s0;
	s0 =	simm.s32 @!p2 $0x0  }
0x16: {  	s3 =	sld [smem:$0x3FDB];
	s0 =	simm.s32 @p2 $0x1  }
0x17: {  	s4 =	simm.s32 $0x1BF5;
	[smem:$0x3FB3] =	sst s0  }
0x18: {  	s0 =	sld [smem:$0x3F96];
	_ =	swait.ge [sflag:s4], $0x0  }
0x19: {  	s7 =	sld [smem:$0x3F97]  }
0x1a: {  	s8 =	sadd.s32 $0xFFFFE003, lr  }
0x1b: {  	s9 =	sadd.s32 $0xFFFFFEF7, lr;
	s5 =	simm.s32 $0xFFFFFFFF;
	p2 =	slt.u32 s8, $0xFFFFF086  }
0x1c: {  	p1 =	slt.u32 s9, $0xF7A;
	s5 =	simm.s32 @!p2 $0x0  }
0x1d: {  	s5 =	simm.s32 @p1 $0x1;
	p0 =	seq.s32 s7, s2  }
0x1e: {  	s7 =	smul.u32 @!p0 $0xF7A, s2;
	p2 =	seq.s32 @!p0 s5, $0x0  }
0x1f: {  	s9 =	smul.u32 $0xF7A, s1;
	s8 =	simm.s32 @!p0 $0x1BF5;
	p2 =	por !p2, p0  }
0x20: {  	[sflag:s8] =	ssyncset.s32 @!p0 $0xFFFFF086;
	s6 =	sadd.s32 @!p0 s3, s7;
	s7 =	simm.s32 @!p0 $0x108  }
0x21: {  	s3 =	sadd.s32 s3, s9;
	s6 =	sadd.s32 @!p0 $0x88, s6;
	s7 =	simm.s32 @p2 $0x1082  }
0x22: {  	[simem:s7], [sflag:s8] =	dma.local @!p0 [hbm:s6], $0xF7A  }
0x23: {  	s9 =	sor.u32 $0xD0000000, s2;
	s6 =	simm.s32 $0x108;
	_ =	swait.ge @!p0 [sflag:s8], $0x0  }
0x24: {  	s3 =	sadd.s32 $0x88, s3;
	s6 =	simm.s32 @!p1 $0x1082;
	[sflag:s4] =	ssyncset.s32 $0xFFFFF086  }
0x25: {  	[simem:s6], [sflag:s4] =	dma.local [hbm:s3], $0xF7A  }
0x26: {  	[smem:$0x3F97] =	sst s1;
	(tag) =	ssettag s2;
	_ =	strace s9  }
0x27: {  	s1 =	sld [smem:$0x3FA7]  }
0x28: {  	s2 =	sld [smem:$0x3FA8]  }
0x29: {  	s4 =	sld [smem:$0x3FAA]  }
0x2a: {  	p0 =	seq.s32 s5, $0x0;
	s5 =	sld [smem:$0x3FAB]  }
0x2b: {  	s6 =	sld [smem:$0x3FAC]  }
0x2c: {  	s7 =	sld [smem:$0x3FAD]  }
0x2d: {  	s3 =	simm.s32 $0x108;
	s8 =	sld [smem:$0x3FAE]  }
0x2e: {  	s3 =	simm.s32 @!p0 $0x1082;
	s9 =	sld [smem:$0x3FAF]  }
0x2f: {  	lr =	sadd.s32 s0, s3;
	s0 =	sld [smem:$0x3FA6]  }
0x30: {  	s3 =	sld [smem:$0x3FA9]  }
0x31: {  	[smem:$0x3FB2] =	sst s10  }
0x32: {  	s10 =	sld [smem:$0x3FB0];
	_ =	sdelay $0x3  }
0x33: {  	p0 =	seq.s32 s10, $0x1;
	s10 =	sld [smem:$0x3FB2];
	_ =	sdelay $0x3  }
0x34: {  	[smem:$0x3FB2] =	sst s10  }
0x35: {  	s10 =	sld [smem:$0x3FB1];
	_ =	sdelay $0x3  }
0x36: {  	p1 =	seq.s32 s10, $0x1;
	s10 =	sld [smem:$0x3FB2];
	_ =	sdelay $0x3  }
0x37: {  	[smem:$0x3FB2] =	sst s10  }
0x38: {  	s10 =	sld [smem:$0x3FB3]  }
0x39: {  	_ = 	snop;
	(pc) =	sbr.ind lr, $3  }
0x3a: {  	_ = 	snop  }
0x3b: {  	_ = 	snop  }
0x3c: {  	p2 =	seq.s32 s10, $0x1;
	s10 =	sld [smem:$0x3FB2]  }
0x3d: {  	_ =	shalt  }
0x3e: {  	_ =	shalt  }
0x3f: {  	_ =	shalt  }
0x40: {  	_ =	shalt  }
0x41: {  	_ =	shalt  }
0x42: {  	_ =	shalt  }
0x43: {  	_ =	shalt  }
0x44: {  	_ =	shalt  }
0x45: {  	_ =	shalt  }
0x46: {  	_ =	shalt  }
0x47: {  	_ =	shalt  }
0x48: {  	_ =	shalt  }
0x49: {  	_ =	shalt  }
0x4a: {  	_ =	shalt  }
0x4b: {  	_ =	shalt  }
0x4c: {  	_ =	shalt  }
0x4d: {  	_ =	shalt  }
0x4e: {  	_ =	shalt  }
0x4f: {  	_ =	shalt  }
0x50: {  	_ =	shalt  }
0x51: {  	_ =	shalt  }
0x52: {  	_ =	shalt  }
0x53: {  	_ =	shalt  }
0x54: {  	_ =	shalt  }
0x55: {  	_ =	shalt  }
0x56: {  	_ =	shalt  }
0x57: {  	_ =	shalt  }
0x58: {  	_ =	shalt  }
0x59: {  	_ =	shalt  }
0x5a: {  	_ =	shalt  }
0x5b: {  	_ =	shalt  }
0x5c: {  	_ =	shalt  }
0x5d: {  	_ =	shalt  }
0x5e: {  	_ =	shalt  }
0x5f: {  	_ =	shalt  }
0x60: {  	_ =	shalt  }
0x61: {  	_ =	shalt  }
0x62: {  	_ =	shalt  }
0x63: {  	_ =	shalt  }
0x64: {  	_ =	shalt  }
0x65: {  	_ =	shalt  }
0x66: {  	_ =	shalt  }
0x67: {  	_ =	shalt  }
0x68: {  	_ =	shalt  }
0x69: {  	_ =	shalt  }
0x6a: {  	_ =	shalt  }
0x6b: {  	_ =	shalt  }
0x6c: {  	_ =	shalt  }
0x6d: {  	_ =	shalt  }
0x6e: {  	_ =	shalt  }
0x6f: {  	_ =	shalt  }
0x70: {  	_ =	shalt  }
0x71: {  	_ =	shalt  }
0x72: {  	_ =	shalt  }
0x73: {  	_ =	shalt  }
0x74: {  	_ =	shalt  }
0x75: {  	_ =	shalt  }
0x76: {  	_ =	shalt  }
0x77: {  	_ =	shalt  }
0x78: {  	_ =	shalt  }
0x79: {  	_ =	shalt  }
0x7a: {  	_ =	shalt  }
0x7b: {  	_ =	shalt  }
0x7c: {  	_ =	shalt  }
0x7d: {  	_ =	shalt  }
0x7e: {  	_ =	shalt  }
0x7f: {  	_ =	shalt  }
0x80: {  	_ =	shalt  }
0x81: {  	_ =	shalt  }
0x82: {  	_ =	shalt  }
0x83: {  	_ =	shalt  }
0x84: {  	_ =	shalt  }
0x85: {  	_ =	shalt  }
0x86: {  	_ =	shalt  }
0x87: {  	_ =	shalt  }
.Lfunc_end0:
.L_simem_size_0:
called_computation_lowered:
.L_overlay_start_0:
0x88: {  	s2 =	sld [smem:$0x3FD9]  }
0x89: {  	s3 =	sld [smem:$0x3FFE];
	_ =	sdelay $0x1  }
0x8a: {  	s1 =	srdreg.scid  }
0x8b: {  	s0 =	sand.u32 $0x1, s1  }
0x8c: {  	s17 =	sshll.u32 s0, $0xA;
	s2 =	sadd.s32 s3, s2  }
0x8d: {  	s2 =	sadd.s32 s2, s17  }
0x8e: {  	[smem:$0x3FBE] =	sst s2  }
0x8f: {  	_ = 	snop  }
0x90: {  	s18 =	sld [smem:$0x3FD0];
	(tm) =	ssettm $0x1  }
0x91: {  	s19 =	sld [smem:$0x3FFB];
	_ =	sdelay $0x3  }
0x92: {  	_ =	strace s19  }
0x93: {  	s2 =	sld [smem:$0x3FFC];
	_ =	sdelay $0x3  }
0x94: {  	_ =	strace s2  }
0x95: {  	s2 =	sld [smem:$0x3FFD];
	_ =	sdelay $0x3  }
0x96: {  	_ =	strace s2  }
0x97: {  	_ =	strace $0x8FFFFFFF  }
0x98: {  	s20 =	sld [smem:$0x3FDB];
	_ =	sdelay $0x1  }
0x99: {  	s4 =	simm.s32 $_scs_section_size  }
0x9a: {  	s5 =	simm.s32 $_size__tile_overlayer_lowered;
	s6 =	simm.s32 $_tile_overlayer_lowered  }
0x9b: {  	s7 =	simm.s32 $0x1BFF;
	s21 =	sshll.u32 s6, $0x1;
	s4 =	sadd.s32 s4, s20  }
0x9c: {  	s22 =	simm.s32 $0x0;
	s5 =	sshll.u32 s5, $0x1;
	s6 =	sadd.s32 s21, s4  }
0x9d: {  	[timem:s22], [sflag:s7] =	dma.local [hbm:s6], s5  }
0x9e: {  	_ =	swait.ge [sflag:s7], s5  }
0x9f: {  	s5 =	ssub.s32 $0x0, s5;
	[sflag:s7] =	ssyncset.done $0x0  }
0xa0: {  	[sflag:s7] =	ssyncadd.s32 s5;
	_ =	sdelay $0x1  }
0xa1: {  	s23 =	simm.s32 $0x1B8B  }
0xa2: {  	_ =	swait.ge [sflag:s23], $0x1  }
0xa3: {  	[sflag:s23] =	ssyncset.done $0x0  }
0xa4: {  	[sflag:s23] =	ssyncadd.s32 $0xFFFFFFFF  }
0xa5: {  	s5 =	sld [smem:$0x0]  }
0xa6: {  	s6 =	sand.u32 $0xFFFFFFFE, s1  }
0xa7: {  	p0 =	sne.s32 s1, s6  }
0xa8: {  	s6 =	sshll.u32 @p0 s6, $0xE  }
0xa9: {  	s6 =	sadd.s32 @p0 $0x11B8D, s6;
	s7 =	sshll.u32 @p0 s5, $0x11  }
0xaa: {  	s6 =	sor.u32 @p0 s7, s6  }
0xab: {  	[sflag:s6] =	ssyncadd.remote.s32 @p0 $0x1;
	_ =	sdelay $0x1  }
0xac: {  	s6 =	simm.s32 @p0 $0x1B8D  }
0xad: {  	_ =	swait.eq @p0 [sflag:s6], $0x1  }
0xae: {  	[sflag:s6] =	ssyncadd.s32 @p0 $0xFFFFFFFF  }
0xaf: {  	s7 =	sshll.u32 @!p0 s1, $0xE  }
0xb0: {  	s7 =	sor.u32 @!p0 $0x4000, s7;
	s6 =	simm.s32 @!p0 $0x1B8D  }
0xb1: {  	s5 =	sshll.u32 @!p0 s5, $0x11;
	s7 =	sadd.s32 @!p0 $0x11B8D, s7;
	_ =	swait.eq @!p0 [sflag:s6], $0x1  }
0xb2: {  	s5 =	sor.u32 @!p0 s5, s7;
	[sflag:s6] =	ssyncadd.s32 @!p0 $0xFFFFFFFF  }
0xb3: {  	s25 =	simm.s32 $0x1B8E;
	s24 =	sld [smem:$0x3FFE];
	[sflag:s5] =	ssyncadd.remote.s32 @!p0 $0x1  }
0xb4: {  	s26 =	simm.s32 $execute0_lowered;
	[smem:$0x3FD2] =	sst s25  }
0xb5: {  	s6 =	sshll.u32 s26, $0x1;
	_ =	strace $0x80000049;
	[dreg:$0x1] =	wrdreg $0xFFFFFFFF  }
0xb6: {  	s28 =	simm.s32 $_size_execute0_lowered;
	s4 =	sadd.s32 s4, s6;
	[dreg:$0x0] =	wrdreg $0x0  }
0xb7: {  	s6 =	sshll.u32 s28, $0x1;
	[dreg:$0x2] =	wrdreg s4  }
0xb8: {  	[dreg:$0x3] =	wrdreg s6  }
0xb9: {  	[dreg:$0x4] =	wrdreg $0xC0  }
0xba: {  	_ =	task [dreg:s22], $0x5FFFF  }
0xbb: {  	[dreg:$0x1] =	wrdreg $0xFFFFFFFF  }
0xbc: {  	[dreg:$0x0] =	wrdreg $0x60  }
0xbd: {  	[dreg:$0x2] =	wrdreg s18  }
0xbe: {  	[dreg:$0x3] =	wrdreg s24  }
0xbf: {  	[dreg:$0x4] =	wrdreg $0x54000  }
0xc0: {  	[dreg:$0x5] =	wrdreg $0x9  }
0xc1: {  	_ =	task.clear_ibuf [dreg:s22], $0x6FFFF;
	_ =	strace $0x90000049  }
0xc2: {  	s29 =	simm.s32 $0x9;
	_ =	strace $0x8000004B  }
0xc3: {  	_ =	swait.ge [sflag:s29], $0x1  }
0xc4: {  	[sflag:s29] =	ssyncadd.s32 $0xFFFFFFFF  }
0xc5: {  	_ =	strace $0x9000004B  }
0xc6: {  	_ =	sfence  }
0xc7: {  	s30 =	sld [smem:$0x0];
	_ =	sdelay $0x2  }
0xc8: {  	s31 =	sshll.u32 s1, $0xD;
	s1 =	sshrl.u32 s1, $0x2  }
0xc9: {  	s4 =	sand.u32 $0x4000, s31;
	s1 =	sadd.s32 s1, s30  }
0xca: {  	s0 =	sor.u32 s4, s0;
	s1 =	sshll.u32 s1, $0x11  }
0xcb: {  	s0 =	sor.u32 s1, s0  }
0xcc: {  	s0 =	sadd.s32 $0x8F2B, s0  }
0xcd: {  	[sflag:s0] =	ssyncadd.remote.s32 $0x1  }
0xce: {  	_ =	sfence.sel $0xFFFF  }
0xcf: {  	[dreg:$0x0] =	wrdreg $0xFFFFFFFF;
	(pc) =	sbr.abs _section_cstart, $3  }
0xd0: {  	[dreg:$0x1] =	wrdreg $0xFFFFFFFF  }
0xd1: {  	_ =	task.clear_ibuf [dreg:s22], $0x2FFFF;
	_ =	strace $0x9FFFFFFF  }
0xd2: {  	(tm) =	ssettm $0x7FFFFFFF  }
0xd3: {  	_ =	shalt  }
tec
execute0_lowered:
.L_overlay_start_1:
0x0: {  	(tag) =	ssettag $0x1  }
0x1: {  	s0 =	rddreg [dreg:$0x0]  }
0x2: {  	s1 =	rddreg [dreg:$0x1]  }
0x3: {  	s2 =	rddreg [dreg:$0x2];
	s3 =	srdreg.scid  }
0x4: {  	s8 =	stileid.u32;
	s16 =	simm.s32 $0x0;
	s13 =	simm.s32 $0x1400  }
0x5: {  	s14 =	simm.s32 $0x2;
	s15 =	simm.s32 $0x80;
	s9 =	simm.s32 $0x300  }
0x6: {  	s10 =	simm.s32 $0x400;
	s11 =	simm.s32 $0x500;
	s12 =	simm.s32 $0x600  }
0x7: {  	s28 =	simm.s32 $0xA00;
	s29 =	simm.s32 $0xA80;
	s30 =	simm.s32 $0xB00  }
0x8: {  	s31 =	simm.s32 $0xB80;
	s4 =	sand.u32 $0x1, s3;
	s6 =	smul.u32 $0x14000, s8  }
0x9: {  	s7 =	sshll.u32 s8, $0x1;
	[smem:$0x7FF] =	sst s16;
	s18 =	smul.u32 $0x50000, s8  }
0xa: {  	s8 =	simm.s32 $0x200;
	s16 =	simm.s32 $0x280;
	s5 =	smul.u32 $0x140000, s4  }
0xb: {  	s7 =	sor.u32 s4, s7;
	_ =	strace $0x8000004A;
	s4 =	ssub.s32 $0x2, s4  }
0xc: {  	s17 =	smul.u32 $0x2800, s7;
	s19 =	sshrl.u32 s4, $0x1;
	s20 =	sshrl.u32 s18, $0x2  }
0xd: {  	s18 =	simm.s32 $0x480;
	s5 =	sadd.s32 s6, s5;
	s4 =	ssub.s32 s4, s19  }
0xe: {  	s3 =	sadd.s32 s20, s2;
	s19 =	simm.s32 $0x580;
	s20 =	simm.s32 $0x680  }
0xf: {  	s5 =	sshrl.u32 s5, $0x3;
	s22 =	smax.u32 s4, $0x1;
	[dreg:$0xc] =	wrdreg s3  }
0x10: {  	s6 =	sshrl.u32 s17, $0x3;
	s23 =	sadd.s32 $0x4000, s3;
	[dreg:$0x7] =	wrdreg s22  }
0x11: {  	s24 =	sadd.s32 $0x8000, s3;
	s25 =	sadd.s32 $0xC000, s3;
	[dreg:$0x8] =	wrdreg s23  }
0x12: {  	s26 =	sadd.s32 $0x10000, s3;
	s17 =	simm.s32 $0x380;
	[dreg:$0x9] =	wrdreg s24  }
0x13: {  	s4 =	simm.s32 $0x980;
	s1 =	sadd.s32 s5, s1;
	[dreg:$0xa] =	wrdreg s25  }
0x14: {  	s0 =	sadd.s32 s0, s6;
	[dreg:$0xb] =	wrdreg s26;
	s22 =	simm.s32 $0x1  }
0x15: {  	s5 =	simm.s32 $0x0;
	s23 =	simm.s32 $0x780;
	s24 =	simm.s32 $0x800  }
0x16: {  	s25 =	simm.s32 $0x880;
	[dreg:$0x4] =	wrdreg s0;
	s0 =	sadd.s32 $0x280, s0  }
0x17: {  	s26 =	simm.s32 $0x900;
	s21 =	sadd.s32 $0x8D800, s1;
	[dreg:$0x5] =	wrdreg s0  }
0x18: {  	v0 =	vimm.f32 $0.0e+00;
	v1 =	vimm.f32 $1.000000000e+00;
	[dreg:$0x6] =	wrdreg s21;
	s0 =	simm.s32 $0x0;
	s21 =	simm.s32 $0x700  }
.LBB2_1:
0x19: {  	s1 =	simm.s32 $0x0;
	s6 =	simm.s32 $0x200  }
.LBB2_2:
0x1a: {  	p0 =	sne.s32 s6, $0xFE00;
	[tilespmem:s1+$0x1470] =	vst v0  }
0x1b: {  	[tilespmem:s1+$0x1400] =	vst v0  }
0x1c: {  	[tilespmem:s1+$0x1410] =	vst v0  }
.Ltmp0:
0x1d: {  	[tilespmem:s1+$0x1420] =	vst v0;
	(pc) =	sbr.rel @p0 .LBB2_2-.Ltmp0, $4  }
0x1e: {  	[tilespmem:s1+$0x1430] =	vst v0  }
0x1f: {  	[tilespmem:s1+$0x1440] =	vst v0  }
0x20: {  	[tilespmem:s1+$0x1450] =	vst v0  }
0x21: {  	[tilespmem:s1+$0x1460] =	vst v0;
	s1 =	sshra.s32 s6, $0x2;
	s6 =	sadd.s32 $0x200, s6  }
0x22: {  	[tilespmem:s1+$0x1470] =	vst v0  }
0x23: {  	[tilespmem:s1+$0x1400] =	vst v0  }
0x24: {  	[tilespmem:s1+$0x1410] =	vst v0  }
0x25: {  	[tilespmem:s1+$0x1420] =	vst v0  }
0x26: {  	[tilespmem:s1+$0x1430] =	vst v0  }
0x27: {  	[tilespmem:s1+$0x1440] =	vst v0  }
0x28: {  	[tilespmem:s1+$0x1450] =	vst v0  }
0x29: {  	[tilespmem:s1+$0x1460] =	vst v0  }
0x2a: {  	[spmem:s3] =	stream.linear.scatter [tilespmem:s13], [sflag:$0x2], $0x4000, $0x38;
	[tilespmem:$0x19400] =	vst v63  }
0x2b: {  	_ =	swait.ge [sflag:s14], $0x4000  }
0x2c: {  	[sflag:s14] =	ssyncset.done $0x0  }
0x2d: {  	s7 =	rddreg [dreg:$0x8];
	[sflag:s14] =	ssyncadd.s32 $0xFFFFC000  }
0x2e: {  	[spmem:s7] =	stream.linear.scatter [tilespmem:s13], [sflag:$0x2], $0x4000, $0x38;
	[tilespmem:$0x19400] =	vst v63  }
0x2f: {  	_ =	swait.ge [sflag:s14], $0x4000  }
0x30: {  	[sflag:s14] =	ssyncset.done $0x0  }
0x31: {  	s3 =	rddreg [dreg:$0x9];
	[sflag:s14] =	ssyncadd.s32 $0xFFFFC000  }
0x32: {  	[spmem:s3] =	stream.linear.scatter [tilespmem:s13], [sflag:$0x2], $0x4000, $0x38;
	[tilespmem:$0x19400] =	vst v63  }
0x33: {  	_ =	swait.ge [sflag:s14], $0x4000  }
0x34: {  	[sflag:s14] =	ssyncset.done $0x0  }
0x35: {  	s6 =	rddreg [dreg:$0xa];
	[sflag:s14] =	ssyncadd.s32 $0xFFFFC000  }
0x36: {  	[spmem:s6] =	stream.linear.scatter [tilespmem:s13], [sflag:$0x2], $0x4000, $0x38;
	[tilespmem:$0x19400] =	vst v63  }
0x37: {  	_ =	swait.ge [sflag:s14], $0x4000  }
0x38: {  	[sflag:s14] =	ssyncset.done $0x0  }
0x39: {  	s7 =	rddreg [dreg:$0xb];
	[sflag:s14] =	ssyncadd.s32 $0xFFFFC000  }
0x3a: {  	[spmem:s7] =	stream.linear.scatter [tilespmem:s13], [sflag:$0x2], $0x4000, $0x38;
	[tilespmem:$0x19400] =	vst v63  }
0x3b: {  	_ =	swait.ge [sflag:s14], $0x4000  }
0x3c: {  	[sflag:s14] =	ssyncset.done $0x0  }
0x3d: {  	s1 =	simm.s32 $0x0;
	s6 =	simm.s32 $0x200;
	[sflag:s14] =	ssyncadd.s32 $0xFFFFC000  }
.LBB2_4:
0x3e: {  	p0 =	sne.s32 s6, $0xFE00;
	[tilespmem:s1+$0x1470] =	vst v1  }
0x3f: {  	[tilespmem:s1+$0x1400] =	vst v1  }
0x40: {  	[tilespmem:s1+$0x1410] =	vst v1  }
.Ltmp1:
0x41: {  	[tilespmem:s1+$0x1420] =	vst v1;
	(pc) =	sbr.rel @p0 .LBB2_4-.Ltmp1, $4  }
0x42: {  	[tilespmem:s1+$0x1430] =	vst v1  }
0x43: {  	[tilespmem:s1+$0x1440] =	vst v1  }
0x44: {  	[tilespmem:s1+$0x1450] =	vst v1  }
0x45: {  	[tilespmem:s1+$0x1460] =	vst v1;
	s1 =	sshra.s32 s6, $0x2;
	s6 =	sadd.s32 $0x200, s6  }
0x46: {  	[tilespmem:s1+$0x1470] =	vst v1  }
0x47: {  	[tilespmem:s1+$0x1400] =	vst v1  }
0x48: {  	[tilespmem:s1+$0x1410] =	vst v1  }
0x49: {  	[tilespmem:s1+$0x1420] =	vst v1  }
0x4a: {  	[tilespmem:s1+$0x1430] =	vst v1  }
0x4b: {  	[tilespmem:s1+$0x1440] =	vst v1  }
0x4c: {  	[tilespmem:s1+$0x1450] =	vst v1  }
0x4d: {  	[tilespmem:s1+$0x1460] =	vst v1  }
0x4e: {  	[bflag:$0x0] =	sbarrier.arrive $0xFFFF  }
0x4f: {  	s3 =	rddreg [dreg:$0x4]  }
0x50: {  	[tilespmem:s5], [sflag:$0x2] =	stream.linear.gather [hbm4b:s3+s5], $0x1400, $0x38;
	[tilespmem:$0x19400] =	vst v63  }
0x51: {  	_ =	swait.ge [sflag:s14], $0x1400  }
0x52: {  	[sflag:s14] =	ssyncset.done $0x0  }
0x53: {  	[sflag:s14] =	ssyncadd.s32 $0xFFFFEC00  }
0x54: {  	[spmem:s2] =	stream.indirect.scatter.add.f32 [tilespmem:s13], [sflag:$0x1], $0x80, s5, s15, $0xb8;
	[tilespmem:$0x19400] =	vst v63  }
0x55: {  	_ = 	snop  }
0x56: {  	[spmem:s2] =	stream.indirect.scatter.add.f32 [tilespmem:s13], [sflag:$0x1], $0x80, s15, s15, $0xb8;
	[tilespmem:$0x19400] =	vst v63  }
0x57: {  	s6 =	simm.s32 $0x100  }
0x58: {  	[spmem:s2] =	stream.indirect.scatter.add.f32 [tilespmem:s13], [sflag:$0x1], $0x80, s6, s15, $0xb8;
	[tilespmem:$0x19400] =	vst v63  }
0x59: {  	s7 =	simm.s32 $0x180  }
0x5a: {  	[spmem:s2] =	stream.indirect.scatter.add.f32 [tilespmem:s13], [sflag:$0x1], $0x80, s7, s15, $0xb8;
	[tilespmem:$0x19400] =	vst v63  }
0x5b: {  	_ = 	snop  }
0x5c: {  	[spmem:s2] =	stream.indirect.scatter.add.f32 [tilespmem:s13], [sflag:$0x1], $0x80, s8, s15, $0xb8;
	[tilespmem:$0x19400] =	vst v63  }
0x5d: {  	_ = 	snop  }
0x5e: {  	[spmem:s2] =	stream.indirect.scatter.add.f32 [tilespmem:s13], [sflag:$0x1], $0x80, s16, s15, $0xb8;
	[tilespmem:$0x19400] =	vst v63  }
0x5f: {  	_ = 	snop  }
0x60: {  	[spmem:s2] =	stream.indirect.scatter.add.f32 [tilespmem:s13], [sflag:$0x1], $0x80, s9, s15, $0xb8;
	[tilespmem:$0x19400] =	vst v63  }
0x61: {  	_ = 	snop  }
0x62: {  	[spmem:s2] =	stream.indirect.scatter.add.f32 [tilespmem:s13], [sflag:$0x1], $0x80, s17, s15, $0xb8;
	[tilespmem:$0x19400] =	vst v63  }
0x63: {  	_ =	swait.ge [sflag:s22], $0x4000  }
0x64: {  	[sflag:s22] =	ssyncset.done $0x0  }
0x65: {  	[sflag:s22] =	ssyncadd.s32 $0xFFFFC000  }
0x66: {  	_ =	swait.ge [sflag:s22], $0x4000  }
0x67: {  	[sflag:s22] =	ssyncset.done $0x0  }
0x68: {  	[sflag:s22] =	ssyncadd.s32 $0xFFFFC000  }
0x69: {  	_ =	swait.ge [sflag:s22], $0x4000  }
0x6a: {  	[sflag:s22] =	ssyncset.done $0x0  }
0x6b: {  	[sflag:s22] =	ssyncadd.s32 $0xFFFFC000  }
0x6c: {  	_ =	swait.ge [sflag:s22], $0x4000  }
0x6d: {  	[sflag:s22] =	ssyncset.done $0x0  }
0x6e: {  	[sflag:s22] =	ssyncadd.s32 $0xFFFFC000  }
0x6f: {  	_ =	swait.ge [sflag:s22], $0x4000  }
0x70: {  	[sflag:s22] =	ssyncset.done $0x0  }
0x71: {  	[sflag:s22] =	ssyncadd.s32 $0xFFFFC000  }
0x72: {  	_ =	swait.ge [sflag:s22], $0x4000  }
0x73: {  	[sflag:s22] =	ssyncset.done $0x0  }
0x74: {  	[sflag:s22] =	ssyncadd.s32 $0xFFFFC000  }
0x75: {  	_ =	swait.ge [sflag:s22], $0x4000  }
0x76: {  	[sflag:s22] =	ssyncset.done $0x0  }
0x77: {  	[sflag:s22] =	ssyncadd.s32 $0xFFFFC000  }
0x78: {  	_ =	swait.ge [sflag:s22], $0x4000  }
0x79: {  	[sflag:s22] =	ssyncset.done $0x0  }
0x7a: {  	[sflag:s22] =	ssyncadd.s32 $0xFFFFC000  }
0x7b: {  	[spmem:s2] =	stream.indirect.scatter.add.f32 [tilespmem:s13], [sflag:$0x1], $0x80, s10, s15, $0xb8;
	[tilespmem:$0x19400] =	vst v63  }
0x7c: {  	_ = 	snop  }
0x7d: {  	[spmem:s2] =	stream.indirect.scatter.add.f32 [tilespmem:s13], [sflag:$0x1], $0x80, s18, s15, $0xb8;
	[tilespmem:$0x19400] =	vst v63  }
0x7e: {  	_ = 	snop  }
0x7f: {  	[spmem:s2] =	stream.indirect.scatter.add.f32 [tilespmem:s13], [sflag:$0x1], $0x80, s11, s15, $0xb8;
	[tilespmem:$0x19400] =	vst v63  }
0x80: {  	_ = 	snop  }
0x81: {  	[spmem:s2] =	stream.indirect.scatter.add.f32 [tilespmem:s13], [sflag:$0x1], $0x80, s19, s15, $0xb8;
	[tilespmem:$0x19400] =	vst v63  }
0x82: {  	_ = 	snop  }
0x83: {  	[spmem:s2] =	stream.indirect.scatter.add.f32 [tilespmem:s13], [sflag:$0x1], $0x80, s12, s15, $0xb8;
	[tilespmem:$0x19400] =	vst v63  }
0x84: {  	_ = 	snop  }
0x85: {  	[spmem:s2] =	stream.indirect.scatter.add.f32 [tilespmem:s13], [sflag:$0x1], $0x80, s20, s15, $0xb8;
	[tilespmem:$0x19400] =	vst v63  }
0x86: {  	_ = 	snop  }
0x87: {  	[spmem:s2] =	stream.indirect.scatter.add.f32 [tilespmem:s13], [sflag:$0x1], $0x80, s21, s15, $0xb8;
	[tilespmem:$0x19400] =	vst v63  }
0x88: {  	_ = 	snop  }
0x89: {  	[spmem:s2] =	stream.indirect.scatter.add.f32 [tilespmem:s13], [sflag:$0x1], $0x80, s23, s15, $0xb8;
	[tilespmem:$0x19400] =	vst v63  }
0x8a: {  	_ =	swait.ge [sflag:s22], $0x4000  }
0x8b: {  	[sflag:s22] =	ssyncset.done $0x0  }
0x8c: {  	[sflag:s22] =	ssyncadd.s32 $0xFFFFC000  }
0x8d: {  	_ =	swait.ge [sflag:s22], $0x4000  }
0x8e: {  	[sflag:s22] =	ssyncset.done $0x0  }
0x8f: {  	[sflag:s22] =	ssyncadd.s32 $0xFFFFC000  }
0x90: {  	_ =	swait.ge [sflag:s22], $0x4000  }
0x91: {  	[sflag:s22] =	ssyncset.done $0x0  }
0x92: {  	[sflag:s22] =	ssyncadd.s32 $0xFFFFC000  }
0x93: {  	_ =	swait.ge [sflag:s22], $0x4000  }
0x94: {  	[sflag:s22] =	ssyncset.done $0x0  }
0x95: {  	[sflag:s22] =	ssyncadd.s32 $0xFFFFC000  }
0x96: {  	_ =	swait.ge [sflag:s22], $0x4000  }
0x97: {  	[sflag:s22] =	ssyncset.done $0x0  }
0x98: {  	[sflag:s22] =	ssyncadd.s32 $0xFFFFC000  }
0x99: {  	_ =	swait.ge [sflag:s22], $0x4000  }
0x9a: {  	[sflag:s22] =	ssyncset.done $0x0  }
0x9b: {  	[sflag:s22] =	ssyncadd.s32 $0xFFFFC000  }
0x9c: {  	_ =	swait.ge [sflag:s22], $0x4000  }
0x9d: {  	[sflag:s22] =	ssyncset.done $0x0  }
0x9e: {  	[sflag:s22] =	ssyncadd.s32 $0xFFFFC000  }
0x9f: {  	_ =	swait.ge [sflag:s22], $0x4000  }
0xa0: {  	[sflag:s22] =	ssyncset.done $0x0  }
0xa1: {  	[sflag:s22] =	ssyncadd.s32 $0xFFFFC000  }
0xa2: {  	[spmem:s2] =	stream.indirect.scatter.add.f32 [tilespmem:s13], [sflag:$0x1], $0x80, s24, s15, $0xb8;
	[tilespmem:$0x19400] =	vst v63  }
0xa3: {  	_ = 	snop  }
0xa4: {  	[spmem:s2] =	stream.indirect.scatter.add.f32 [tilespmem:s13], [sflag:$0x1], $0x80, s25, s15, $0xb8;
	[tilespmem:$0x19400] =	vst v63  }
0xa5: {  	_ = 	snop  }
0xa6: {  	[spmem:s2] =	stream.indirect.scatter.add.f32 [tilespmem:s13], [sflag:$0x1], $0x80, s26, s15, $0xb8;
	[tilespmem:$0x19400] =	vst v63  }
0xa7: {  	_ = 	snop  }
0xa8: {  	[spmem:s2] =	stream.indirect.scatter.add.f32 [tilespmem:s13], [sflag:$0x1], $0x80, s4, s15, $0xb8;
	[tilespmem:$0x19400] =	vst v63  }
0xa9: {  	_ = 	snop  }
0xaa: {  	[spmem:s2] =	stream.indirect.scatter.add.f32 [tilespmem:s13], [sflag:$0x1], $0x80, s28, s15, $0xb8;
	[tilespmem:$0x19400] =	vst v63  }
0xab: {  	_ = 	snop  }
0xac: {  	[spmem:s2] =	stream.indirect.scatter.add.f32 [tilespmem:s13], [sflag:$0x1], $0x80, s29, s15, $0xb8;
	[tilespmem:$0x19400] =	vst v63  }
0xad: {  	_ = 	snop  }
0xae: {  	[spmem:s2] =	stream.indirect.scatter.add.f32 [tilespmem:s13], [sflag:$0x1], $0x80, s30, s15, $0xb8;
	[tilespmem:$0x19400] =	vst v63  }
0xaf: {  	_ = 	snop  }
0xb0: {  	[spmem:s2] =	stream.indirect.scatter.add.f32 [tilespmem:s13], [sflag:$0x1], $0x80, s31, s15, $0xb8;
	[tilespmem:$0x19400] =	vst v63  }
0xb1: {  	_ =	swait.ge [sflag:s22], $0x4000  }
0xb2: {  	[sflag:s22] =	ssyncset.done $0x0  }
0xb3: {  	[sflag:s22] =	ssyncadd.s32 $0xFFFFC000  }
0xb4: {  	_ =	swait.ge [sflag:s22], $0x4000  }
0xb5: {  	[sflag:s22] =	ssyncset.done $0x0  }
0xb6: {  	[sflag:s22] =	ssyncadd.s32 $0xFFFFC000  }
0xb7: {  	_ =	swait.ge [sflag:s22], $0x4000  }
0xb8: {  	[sflag:s22] =	ssyncset.done $0x0  }
0xb9: {  	[sflag:s22] =	ssyncadd.s32 $0xFFFFC000  }
0xba: {  	_ =	swait.ge [sflag:s22], $0x4000  }
0xbb: {  	[sflag:s22] =	ssyncset.done $0x0  }
0xbc: {  	[sflag:s22] =	ssyncadd.s32 $0xFFFFC000  }
0xbd: {  	_ =	swait.ge [sflag:s22], $0x4000  }
0xbe: {  	[sflag:s22] =	ssyncset.done $0x0  }
0xbf: {  	[sflag:s22] =	ssyncadd.s32 $0xFFFFC000  }
0xc0: {  	_ =	swait.ge [sflag:s22], $0x4000  }
0xc1: {  	[sflag:s22] =	ssyncset.done $0x0  }
0xc2: {  	[sflag:s22] =	ssyncadd.s32 $0xFFFFC000  }
0xc3: {  	_ =	swait.ge [sflag:s22], $0x4000  }
0xc4: {  	[sflag:s22] =	ssyncset.done $0x0  }
0xc5: {  	[sflag:s22] =	ssyncadd.s32 $0xFFFFC000  }
0xc6: {  	_ =	swait.ge [sflag:s22], $0x4000  }
0xc7: {  	[sflag:s22] =	ssyncset.done $0x0  }
0xc8: {  	s3 =	simm.s32 $0xC00;
	[sflag:s22] =	ssyncadd.s32 $0xFFFFC000  }
0xc9: {  	[spmem:s2] =	stream.indirect.scatter.add.f32 [tilespmem:s13], [sflag:$0x1], $0x80, s3, s15, $0xb8;
	[tilespmem:$0x19400] =	vst v63  }
0xca: {  	s1 =	simm.s32 $0xC80  }
0xcb: {  	[spmem:s2] =	stream.indirect.scatter.add.f32 [tilespmem:s13], [sflag:$0x1], $0x80, s1, s15, $0xb8;
	[tilespmem:$0x19400] =	vst v63  }
0xcc: {  	s1 =	simm.s32 $0xD00  }
0xcd: {  	[spmem:s2] =	stream.indirect.scatter.add.f32 [tilespmem:s13], [sflag:$0x1], $0x80, s1, s15, $0xb8;
	[tilespmem:$0x19400] =	vst v63  }
0xce: {  	s1 =	simm.s32 $0xD80  }
0xcf: {  	[spmem:s2] =	stream.indirect.scatter.add.f32 [tilespmem:s13], [sflag:$0x1], $0x80, s1, s15, $0xb8;
	[tilespmem:$0x19400] =	vst v63  }
0xd0: {  	s1 =	simm.s32 $0xE00  }
0xd1: {  	[spmem:s2] =	stream.indirect.scatter.add.f32 [tilespmem:s13], [sflag:$0x1], $0x80, s1, s15, $0xb8;
	[tilespmem:$0x19400] =	vst v63  }
0xd2: {  	s1 =	simm.s32 $0xE80  }
0xd3: {  	[spmem:s2] =	stream.indirect.scatter.add.f32 [tilespmem:s13], [sflag:$0x1], $0x80, s1, s15, $0xb8;
	[tilespmem:$0x19400] =	vst v63  }
0xd4: {  	s1 =	simm.s32 $0xF00  }
0xd5: {  	[spmem:s2] =	stream.indirect.scatter.add.f32 [tilespmem:s13], [sflag:$0x1], $0x80, s1, s15, $0xb8;
	[tilespmem:$0x19400] =	vst v63  }
0xd6: {  	s1 =	simm.s32 $0xF80  }
0xd7: {  	[spmem:s2] =	stream.indirect.scatter.add.f32 [tilespmem:s13], [sflag:$0x1], $0x80, s1, s15, $0xb8;
	[tilespmem:$0x19400] =	vst v63  }
0xd8: {  	_ =	swait.ge [sflag:s22], $0x4000  }
0xd9: {  	[sflag:s22] =	ssyncset.done $0x0  }
0xda: {  	[sflag:s22] =	ssyncadd.s32 $0xFFFFC000  }
0xdb: {  	_ =	swait.ge [sflag:s22], $0x4000  }
0xdc: {  	[sflag:s22] =	ssyncset.done $0x0  }
0xdd: {  	[sflag:s22] =	ssyncadd.s32 $0xFFFFC000  }
0xde: {  	_ =	swait.ge [sflag:s22], $0x4000  }
0xdf: {  	[sflag:s22] =	ssyncset.done $0x0  }
0xe0: {  	[sflag:s22] =	ssyncadd.s32 $0xFFFFC000  }
0xe1: {  	_ =	swait.ge [sflag:s22], $0x4000  }
0xe2: {  	[sflag:s22] =	ssyncset.done $0x0  }
0xe3: {  	[sflag:s22] =	ssyncadd.s32 $0xFFFFC000  }
0xe4: {  	_ =	swait.ge [sflag:s22], $0x4000  }
0xe5: {  	[sflag:s22] =	ssyncset.done $0x0  }
0xe6: {  	[sflag:s22] =	ssyncadd.s32 $0xFFFFC000  }
0xe7: {  	_ =	swait.ge [sflag:s22], $0x4000  }
0xe8: {  	[sflag:s22] =	ssyncset.done $0x0  }
0xe9: {  	[sflag:s22] =	ssyncadd.s32 $0xFFFFC000  }
0xea: {  	_ =	swait.ge [sflag:s22], $0x4000  }
0xeb: {  	[sflag:s22] =	ssyncset.done $0x0  }
0xec: {  	[sflag:s22] =	ssyncadd.s32 $0xFFFFC000  }
0xed: {  	_ =	swait.ge [sflag:s22], $0x4000  }
0xee: {  	[sflag:s22] =	ssyncset.done $0x0  }
0xef: {  	s1 =	simm.s32 $0x1000;
	[sflag:s22] =	ssyncadd.s32 $0xFFFFC000  }
0xf0: {  	[spmem:s2] =	stream.indirect.scatter.add.f32 [tilespmem:s13], [sflag:$0x1], $0x80, s1, s15, $0xb8;
	[tilespmem:$0x19400] =	vst v63  }
0xf1: {  	s1 =	simm.s32 $0x1080  }
0xf2: {  	[spmem:s2] =	stream.indirect.scatter.add.f32 [tilespmem:s13], [sflag:$0x1], $0x80, s1, s15, $0xb8;
	[tilespmem:$0x19400] =	vst v63  }
0xf3: {  	s1 =	simm.s32 $0x1100  }
0xf4: {  	[spmem:s2] =	stream.indirect.scatter.add.f32 [tilespmem:s13], [sflag:$0x1], $0x80, s1, s15, $0xb8;
	[tilespmem:$0x19400] =	vst v63  }
0xf5: {  	s1 =	simm.s32 $0x1180  }
0xf6: {  	[spmem:s2] =	stream.indirect.scatter.add.f32 [tilespmem:s13], [sflag:$0x1], $0x80, s1, s15, $0xb8;
	[tilespmem:$0x19400] =	vst v63  }
0xf7: {  	s1 =	simm.s32 $0x1200  }
0xf8: {  	[spmem:s2] =	stream.indirect.scatter.add.f32 [tilespmem:s13], [sflag:$0x1], $0x80, s1, s15, $0xb8;
	[tilespmem:$0x19400] =	vst v63  }
0xf9: {  	s1 =	simm.s32 $0x1280  }
0xfa: {  	[spmem:s2] =	stream.indirect.scatter.add.f32 [tilespmem:s13], [sflag:$0x1], $0x80, s1, s15, $0xb8;
	[tilespmem:$0x19400] =	vst v63  }
0xfb: {  	s1 =	simm.s32 $0x1300  }
0xfc: {  	[spmem:s2] =	stream.indirect.scatter.add.f32 [tilespmem:s13], [sflag:$0x1], $0x80, s1, s15, $0xb8;
	[tilespmem:$0x19400] =	vst v63  }
0xfd: {  	s1 =	simm.s32 $0x1380  }
0xfe: {  	[spmem:s2] =	stream.indirect.scatter.add.f32 [tilespmem:s13], [sflag:$0x1], $0x80, s1, s15, $0xb8;
	[tilespmem:$0x19400] =	vst v63  }
0xff: {  	_ =	swait.ge [sflag:s22], $0x4000  }
0x100: {  	[sflag:s22] =	ssyncset.done $0x0  }
0x101: {  	[sflag:s22] =	ssyncadd.s32 $0xFFFFC000  }
0x102: {  	_ =	swait.ge [sflag:s22], $0x4000  }
0x103: {  	[sflag:s22] =	ssyncset.done $0x0  }
0x104: {  	[sflag:s22] =	ssyncadd.s32 $0xFFFFC000  }
0x105: {  	_ =	swait.ge [sflag:s22], $0x4000  }
0x106: {  	[sflag:s22] =	ssyncset.done $0x0  }
0x107: {  	[sflag:s22] =	ssyncadd.s32 $0xFFFFC000  }
0x108: {  	_ =	swait.ge [sflag:s22], $0x4000  }
0x109: {  	[sflag:s22] =	ssyncset.done $0x0  }
0x10a: {  	[sflag:s22] =	ssyncadd.s32 $0xFFFFC000  }
0x10b: {  	_ =	swait.ge [sflag:s22], $0x4000  }
0x10c: {  	[sflag:s22] =	ssyncset.done $0x0  }
0x10d: {  	[sflag:s22] =	ssyncadd.s32 $0xFFFFC000  }
0x10e: {  	_ =	swait.ge [sflag:s22], $0x4000  }
0x10f: {  	[sflag:s22] =	ssyncset.done $0x0  }
0x110: {  	[sflag:s22] =	ssyncadd.s32 $0xFFFFC000  }
0x111: {  	_ =	swait.ge [sflag:s22], $0x4000  }
0x112: {  	[sflag:s22] =	ssyncset.done $0x0  }
0x113: {  	[sflag:s22] =	ssyncadd.s32 $0xFFFFC000  }
0x114: {  	_ =	swait.ge [sflag:s22], $0x4000  }
0x115: {  	[sflag:s22] =	ssyncset.done $0x0  }
0x116: {  	s1 =	rddreg [dreg:$0x5];
	[sflag:s22] =	ssyncadd.s32 $0xFFFFC000  }
0x117: {  	[tilespmem:s5], [sflag:$0x2] =	stream.linear.gather [hbm4b:s1+s5], $0x1400, $0x38;
	[tilespmem:$0x19400] =	vst v63  }
0x118: {  	_ =	swait.ge [sflag:s14], $0x1400  }
0x119: {  	[sflag:s14] =	ssyncset.done $0x0  }
0x11a: {  	[sflag:s14] =	ssyncadd.s32 $0xFFFFEC00  }
0x11b: {  	[spmem:s2] =	stream.indirect.scatter.add.f32 [tilespmem:s13], [sflag:$0x1], $0x80, s5, s15, $0xb8;
	[tilespmem:$0x19400] =	vst v63  }
0x11c: {  	_ = 	snop  }
0x11d: {  	[spmem:s2] =	stream.indirect.scatter.add.f32 [tilespmem:s13], [sflag:$0x1], $0x80, s15, s15, $0xb8;
	[tilespmem:$0x19400] =	vst v63  }
0x11e: {  	_ = 	snop  }
0x11f: {  	[spmem:s2] =	stream.indirect.scatter.add.f32 [tilespmem:s13], [sflag:$0x1], $0x80, s6, s15, $0xb8;
	[tilespmem:$0x19400] =	vst v63  }
0x120: {  	_ = 	snop  }
0x121: {  	[spmem:s2] =	stream.indirect.scatter.add.f32 [tilespmem:s13], [sflag:$0x1], $0x80, s7, s15, $0xb8;
	[tilespmem:$0x19400] =	vst v63  }
0x122: {  	_ = 	snop  }
0x123: {  	[spmem:s2] =	stream.indirect.scatter.add.f32 [tilespmem:s13], [sflag:$0x1], $0x80, s8, s15, $0xb8;
	[tilespmem:$0x19400] =	vst v63  }
0x124: {  	_ = 	snop  }
0x125: {  	[spmem:s2] =	stream.indirect.scatter.add.f32 [tilespmem:s13], [sflag:$0x1], $0x80, s16, s15, $0xb8;
	[tilespmem:$0x19400] =	vst v63  }
0x126: {  	_ = 	snop  }
0x127: {  	[spmem:s2] =	stream.indirect.scatter.add.f32 [tilespmem:s13], [sflag:$0x1], $0x80, s9, s15, $0xb8;
	[tilespmem:$0x19400] =	vst v63  }
0x128: {  	_ = 	snop  }
0x129: {  	[spmem:s2] =	stream.indirect.scatter.add.f32 [tilespmem:s13], [sflag:$0x1], $0x80, s17, s15, $0xb8;
	[tilespmem:$0x19400] =	vst v63  }
0x12a: {  	_ =	swait.ge [sflag:s22], $0x4000  }
0x12b: {  	[sflag:s22] =	ssyncset.done $0x0  }
0x12c: {  	[sflag:s22] =	ssyncadd.s32 $0xFFFFC000  }
0x12d: {  	_ =	swait.ge [sflag:s22], $0x4000  }
0x12e: {  	[sflag:s22] =	ssyncset.done $0x0  }
0x12f: {  	[sflag:s22] =	ssyncadd.s32 $0xFFFFC000  }
0x130: {  	_ =	swait.ge [sflag:s22], $0x4000  }
0x131: {  	[sflag:s22] =	ssyncset.done $0x0  }
0x132: {  	[sflag:s22] =	ssyncadd.s32 $0xFFFFC000  }
0x133: {  	_ =	swait.ge [sflag:s22], $0x4000  }
0x134: {  	[sflag:s22] =	ssyncset.done $0x0  }
0x135: {  	[sflag:s22] =	ssyncadd.s32 $0xFFFFC000  }
0x136: {  	_ =	swait.ge [sflag:s22], $0x4000  }
0x137: {  	[sflag:s22] =	ssyncset.done $0x0  }
0x138: {  	[sflag:s22] =	ssyncadd.s32 $0xFFFFC000  }
0x139: {  	_ =	swait.ge [sflag:s22], $0x4000  }
0x13a: {  	[sflag:s22] =	ssyncset.done $0x0  }
0x13b: {  	[sflag:s22] =	ssyncadd.s32 $0xFFFFC000  }
0x13c: {  	_ =	swait.ge [sflag:s22], $0x4000  }
0x13d: {  	[sflag:s22] =	ssyncset.done $0x0  }
0x13e: {  	[sflag:s22] =	ssyncadd.s32 $0xFFFFC000  }
0x13f: {  	_ =	swait.ge [sflag:s22], $0x4000  }
0x140: {  	[sflag:s22] =	ssyncset.done $0x0  }
0x141: {  	[sflag:s22] =	ssyncadd.s32 $0xFFFFC000  }
0x142: {  	[spmem:s2] =	stream.indirect.scatter.add.f32 [tilespmem:s13], [sflag:$0x1], $0x80, s10, s15, $0xb8;
	[tilespmem:$0x19400] =	vst v63  }
0x143: {  	_ = 	snop  }
0x144: {  	[spmem:s2] =	stream.indirect.scatter.add.f32 [tilespmem:s13], [sflag:$0x1], $0x80, s18, s15, $0xb8;
	[tilespmem:$0x19400] =	vst v63  }
0x145: {  	_ = 	snop  }
0x146: {  	[spmem:s2] =	stream.indirect.scatter.add.f32 [tilespmem:s13], [sflag:$0x1], $0x80, s11, s15, $0xb8;
	[tilespmem:$0x19400] =	vst v63  }
0x147: {  	_ = 	snop  }
0x148: {  	[spmem:s2] =	stream.indirect.scatter.add.f32 [tilespmem:s13], [sflag:$0x1], $0x80, s19, s15, $0xb8;
	[tilespmem:$0x19400] =	vst v63  }
0x149: {  	_ = 	snop  }
0x14a: {  	[spmem:s2] =	stream.indirect.scatter.add.f32 [tilespmem:s13], [sflag:$0x1], $0x80, s12, s15, $0xb8;
	[tilespmem:$0x19400] =	vst v63  }
0x14b: {  	_ = 	snop  }
0x14c: {  	[spmem:s2] =	stream.indirect.scatter.add.f32 [tilespmem:s13], [sflag:$0x1], $0x80, s20, s15, $0xb8;
	[tilespmem:$0x19400] =	vst v63  }
0x14d: {  	_ = 	snop  }
0x14e: {  	[spmem:s2] =	stream.indirect.scatter.add.f32 [tilespmem:s13], [sflag:$0x1], $0x80, s21, s15, $0xb8;
	[tilespmem:$0x19400] =	vst v63  }
0x14f: {  	_ = 	snop  }
0x150: {  	[spmem:s2] =	stream.indirect.scatter.add.f32 [tilespmem:s13], [sflag:$0x1], $0x80, s23, s15, $0xb8;
	[tilespmem:$0x19400] =	vst v63  }
0x151: {  	_ =	swait.ge [sflag:s22], $0x4000  }
0x152: {  	[sflag:s22] =	ssyncset.done $0x0  }
0x153: {  	[sflag:s22] =	ssyncadd.s32 $0xFFFFC000  }
0x154: {  	_ =	swait.ge [sflag:s22], $0x4000  }
0x155: {  	[sflag:s22] =	ssyncset.done $0x0  }
0x156: {  	[sflag:s22] =	ssyncadd.s32 $0xFFFFC000  }
0x157: {  	_ =	swait.ge [sflag:s22], $0x4000  }
0x158: {  	[sflag:s22] =	ssyncset.done $0x0  }
0x159: {  	[sflag:s22] =	ssyncadd.s32 $0xFFFFC000  }
0x15a: {  	_ =	swait.ge [sflag:s22], $0x4000  }
0x15b: {  	[sflag:s22] =	ssyncset.done $0x0  }
0x15c: {  	[sflag:s22] =	ssyncadd.s32 $0xFFFFC000  }
0x15d: {  	_ =	swait.ge [sflag:s22], $0x4000  }
0x15e: {  	[sflag:s22] =	ssyncset.done $0x0  }
0x15f: {  	[sflag:s22] =	ssyncadd.s32 $0xFFFFC000  }
0x160: {  	_ =	swait.ge [sflag:s22], $0x4000  }
0x161: {  	[sflag:s22] =	ssyncset.done $0x0  }
0x162: {  	[sflag:s22] =	ssyncadd.s32 $0xFFFFC000  }
0x163: {  	_ =	swait.ge [sflag:s22], $0x4000  }
0x164: {  	[sflag:s22] =	ssyncset.done $0x0  }
0x165: {  	[sflag:s22] =	ssyncadd.s32 $0xFFFFC000  }
0x166: {  	_ =	swait.ge [sflag:s22], $0x4000  }
0x167: {  	[sflag:s22] =	ssyncset.done $0x0  }
0x168: {  	[sflag:s22] =	ssyncadd.s32 $0xFFFFC000  }
0x169: {  	[spmem:s2] =	stream.indirect.scatter.add.f32 [tilespmem:s13], [sflag:$0x1], $0x80, s24, s15, $0xb8;
	[tilespmem:$0x19400] =	vst v63  }
0x16a: {  	_ = 	snop  }
0x16b: {  	[spmem:s2] =	stream.indirect.scatter.add.f32 [tilespmem:s13], [sflag:$0x1], $0x80, s25, s15, $0xb8;
	[tilespmem:$0x19400] =	vst v63  }
0x16c: {  	_ = 	snop  }
0x16d: {  	[spmem:s2] =	stream.indirect.scatter.add.f32 [tilespmem:s13], [sflag:$0x1], $0x80, s26, s15, $0xb8;
	[tilespmem:$0x19400] =	vst v63  }
0x16e: {  	_ = 	snop  }
0x16f: {  	[spmem:s2] =	stream.indirect.scatter.add.f32 [tilespmem:s13], [sflag:$0x1], $0x80, s4, s15, $0xb8;
	[tilespmem:$0x19400] =	vst v63  }
0x170: {  	_ = 	snop  }
0x171: {  	[spmem:s2] =	stream.indirect.scatter.add.f32 [tilespmem:s13], [sflag:$0x1], $0x80, s28, s15, $0xb8;
	[tilespmem:$0x19400] =	vst v63  }
0x172: {  	_ = 	snop  }
0x173: {  	[spmem:s2] =	stream.indirect.scatter.add.f32 [tilespmem:s13], [sflag:$0x1], $0x80, s29, s15, $0xb8;
	[tilespmem:$0x19400] =	vst v63  }
0x174: {  	_ = 	snop  }
0x175: {  	[spmem:s2] =	stream.indirect.scatter.add.f32 [tilespmem:s13], [sflag:$0x1], $0x80, s30, s15, $0xb8;
	[tilespmem:$0x19400] =	vst v63  }
0x176: {  	_ = 	snop  }
0x177: {  	[spmem:s2] =	stream.indirect.scatter.add.f32 [tilespmem:s13], [sflag:$0x1], $0x80, s31, s15, $0xb8;
	[tilespmem:$0x19400] =	vst v63  }
0x178: {  	_ =	swait.ge [sflag:s22], $0x4000  }
0x179: {  	[sflag:s22] =	ssyncset.done $0x0  }
0x17a: {  	[sflag:s22] =	ssyncadd.s32 $0xFFFFC000  }
0x17b: {  	_ =	swait.ge [sflag:s22], $0x4000  }
0x17c: {  	[sflag:s22] =	ssyncset.done $0x0  }
0x17d: {  	[sflag:s22] =	ssyncadd.s32 $0xFFFFC000  }
0x17e: {  	_ =	swait.ge [sflag:s22], $0x4000  }
0x17f: {  	[sflag:s22] =	ssyncset.done $0x0  }
0x180: {  	[sflag:s22] =	ssyncadd.s32 $0xFFFFC000  }
0x181: {  	_ =	swait.ge [sflag:s22], $0x4000  }
0x182: {  	[sflag:s22] =	ssyncset.done $0x0  }
0x183: {  	[sflag:s22] =	ssyncadd.s32 $0xFFFFC000  }
0x184: {  	_ =	swait.ge [sflag:s22], $0x4000  }
0x185: {  	[sflag:s22] =	ssyncset.done $0x0  }
0x186: {  	[sflag:s22] =	ssyncadd.s32 $0xFFFFC000  }
0x187: {  	_ =	swait.ge [sflag:s22], $0x4000  }
0x188: {  	[sflag:s22] =	ssyncset.done $0x0  }
0x189: {  	[sflag:s22] =	ssyncadd.s32 $0xFFFFC000  }
0x18a: {  	_ =	swait.ge [sflag:s22], $0x4000  }
0x18b: {  	[sflag:s22] =	ssyncset.done $0x0  }
0x18c: {  	[sflag:s22] =	ssyncadd.s32 $0xFFFFC000  }
0x18d: {  	_ =	swait.ge [sflag:s22], $0x4000  }
0x18e: {  	[sflag:s22] =	ssyncset.done $0x0  }
0x18f: {  	[sflag:s22] =	ssyncadd.s32 $0xFFFFC000  }
0x190: {  	[spmem:s2] =	stream.indirect.scatter.add.f32 [tilespmem:s13], [sflag:$0x1], $0x80, s3, s15, $0xb8;
	[tilespmem:$0x19400] =	vst v63  }
0x191: {  	s6 =	simm.s32 $0xC80  }
0x192: {  	[spmem:s2] =	stream.indirect.scatter.add.f32 [tilespmem:s13], [sflag:$0x1], $0x80, s6, s15, $0xb8;
	[tilespmem:$0x19400] =	vst v63  }
0x193: {  	s7 =	simm.s32 $0xD00  }
0x194: {  	[spmem:s2] =	stream.indirect.scatter.add.f32 [tilespmem:s13], [sflag:$0x1], $0x80, s7, s15, $0xb8;
	[tilespmem:$0x19400] =	vst v63  }
0x195: {  	s3 =	simm.s32 $0xD80  }
0x196: {  	[spmem:s2] =	stream.indirect.scatter.add.f32 [tilespmem:s13], [sflag:$0x1], $0x80, s3, s15, $0xb8;
	[tilespmem:$0x19400] =	vst v63  }
0x197: {  	s6 =	simm.s32 $0xE00  }
0x198: {  	[spmem:s2] =	stream.indirect.scatter.add.f32 [tilespmem:s13], [sflag:$0x1], $0x80, s6, s15, $0xb8;
	[tilespmem:$0x19400] =	vst v63  }
0x199: {  	s7 =	simm.s32 $0xE80  }
0x19a: {  	[spmem:s2] =	stream.indirect.scatter.add.f32 [tilespmem:s13], [sflag:$0x1], $0x80, s7, s15, $0xb8;
	[tilespmem:$0x19400] =	vst v63  }
0x19b: {  	s3 =	simm.s32 $0xF00  }
0x19c: {  	[spmem:s2] =	stream.indirect.scatter.add.f32 [tilespmem:s13], [sflag:$0x1], $0x80, s3, s15, $0xb8;
	[tilespmem:$0x19400] =	vst v63  }
0x19d: {  	s6 =	simm.s32 $0xF80  }
0x19e: {  	[spmem:s2] =	stream.indirect.scatter.add.f32 [tilespmem:s13], [sflag:$0x1], $0x80, s6, s15, $0xb8;
	[tilespmem:$0x19400] =	vst v63  }
0x19f: {  	_ =	swait.ge [sflag:s22], $0x4000  }
0x1a0: {  	[sflag:s22] =	ssyncset.done $0x0  }
0x1a1: {  	[sflag:s22] =	ssyncadd.s32 $0xFFFFC000  }
0x1a2: {  	_ =	swait.ge [sflag:s22], $0x4000  }
0x1a3: {  	[sflag:s22] =	ssyncset.done $0x0  }
0x1a4: {  	[sflag:s22] =	ssyncadd.s32 $0xFFFFC000  }
0x1a5: {  	_ =	swait.ge [sflag:s22], $0x4000  }
0x1a6: {  	[sflag:s22] =	ssyncset.done $0x0  }
0x1a7: {  	[sflag:s22] =	ssyncadd.s32 $0xFFFFC000  }
0x1a8: {  	_ =	swait.ge [sflag:s22], $0x4000  }
0x1a9: {  	[sflag:s22] =	ssyncset.done $0x0  }
0x1aa: {  	[sflag:s22] =	ssyncadd.s32 $0xFFFFC000  }
0x1ab: {  	_ =	swait.ge [sflag:s22], $0x4000  }
0x1ac: {  	[sflag:s22] =	ssyncset.done $0x0  }
0x1ad: {  	[sflag:s22] =	ssyncadd.s32 $0xFFFFC000  }
0x1ae: {  	_ =	swait.ge [sflag:s22], $0x4000  }
0x1af: {  	[sflag:s22] =	ssyncset.done $0x0  }
0x1b0: {  	[sflag:s22] =	ssyncadd.s32 $0xFFFFC000  }
0x1b1: {  	_ =	swait.ge [sflag:s22], $0x4000  }
0x1b2: {  	[sflag:s22] =	ssyncset.done $0x0  }
0x1b3: {  	[sflag:s22] =	ssyncadd.s32 $0xFFFFC000  }
0x1b4: {  	_ =	swait.ge [sflag:s22], $0x4000  }
0x1b5: {  	[sflag:s22] =	ssyncset.done $0x0  }
0x1b6: {  	s7 =	simm.s32 $0x1000;
	[sflag:s22] =	ssyncadd.s32 $0xFFFFC000  }
0x1b7: {  	[spmem:s2] =	stream.indirect.scatter.add.f32 [tilespmem:s13], [sflag:$0x1], $0x80, s7, s15, $0xb8;
	[tilespmem:$0x19400] =	vst v63  }
0x1b8: {  	s3 =	simm.s32 $0x1080  }
0x1b9: {  	[spmem:s2] =	stream.indirect.scatter.add.f32 [tilespmem:s13], [sflag:$0x1], $0x80, s3, s15, $0xb8;
	[tilespmem:$0x19400] =	vst v63  }
0x1ba: {  	s6 =	simm.s32 $0x1100  }
0x1bb: {  	[spmem:s2] =	stream.indirect.scatter.add.f32 [tilespmem:s13], [sflag:$0x1], $0x80, s6, s15, $0xb8;
	[tilespmem:$0x19400] =	vst v63  }
0x1bc: {  	s7 =	simm.s32 $0x1180  }
0x1bd: {  	[spmem:s2] =	stream.indirect.scatter.add.f32 [tilespmem:s13], [sflag:$0x1], $0x80, s7, s15, $0xb8;
	[tilespmem:$0x19400] =	vst v63  }
0x1be: {  	s3 =	simm.s32 $0x1200  }
0x1bf: {  	[spmem:s2] =	stream.indirect.scatter.add.f32 [tilespmem:s13], [sflag:$0x1], $0x80, s3, s15, $0xb8;
	[tilespmem:$0x19400] =	vst v63  }
0x1c0: {  	s6 =	simm.s32 $0x1280  }
0x1c1: {  	[spmem:s2] =	stream.indirect.scatter.add.f32 [tilespmem:s13], [sflag:$0x1], $0x80, s6, s15, $0xb8;
	[tilespmem:$0x19400] =	vst v63  }
0x1c2: {  	s7 =	simm.s32 $0x1300  }
0x1c3: {  	[spmem:s2] =	stream.indirect.scatter.add.f32 [tilespmem:s13], [sflag:$0x1], $0x80, s7, s15, $0xb8;
	[tilespmem:$0x19400] =	vst v63  }
0x1c4: {  	s3 =	simm.s32 $0x1380  }
0x1c5: {  	[spmem:s2] =	stream.indirect.scatter.add.f32 [tilespmem:s13], [sflag:$0x1], $0x80, s3, s15, $0xb8;
	[tilespmem:$0x19400] =	vst v63  }
0x1c6: {  	_ =	swait.ge [sflag:s22], $0x4000  }
0x1c7: {  	[sflag:s22] =	ssyncset.done $0x0  }
0x1c8: {  	[sflag:s22] =	ssyncadd.s32 $0xFFFFC000  }
0x1c9: {  	_ =	swait.ge [sflag:s22], $0x4000  }
0x1ca: {  	[sflag:s22] =	ssyncset.done $0x0  }
0x1cb: {  	[sflag:s22] =	ssyncadd.s32 $0xFFFFC000  }
0x1cc: {  	_ =	swait.ge [sflag:s22], $0x4000  }
0x1cd: {  	[sflag:s22] =	ssyncset.done $0x0  }
0x1ce: {  	[sflag:s22] =	ssyncadd.s32 $0xFFFFC000  }
0x1cf: {  	_ =	swait.ge [sflag:s22], $0x4000  }
0x1d0: {  	[sflag:s22] =	ssyncset.done $0x0  }
0x1d1: {  	[sflag:s22] =	ssyncadd.s32 $0xFFFFC000  }
0x1d2: {  	_ =	swait.ge [sflag:s22], $0x4000  }
0x1d3: {  	[sflag:s22] =	ssyncset.done $0x0  }
0x1d4: {  	[sflag:s22] =	ssyncadd.s32 $0xFFFFC000  }
0x1d5: {  	_ =	swait.ge [sflag:s22], $0x4000  }
0x1d6: {  	[sflag:s22] =	ssyncset.done $0x0  }
0x1d7: {  	[sflag:s22] =	ssyncadd.s32 $0xFFFFC000  }
0x1d8: {  	_ =	swait.ge [sflag:s22], $0x4000  }
0x1d9: {  	[sflag:s22] =	ssyncset.done $0x0  }
0x1da: {  	[sflag:s22] =	ssyncadd.s32 $0xFFFFC000  }
0x1db: {  	_ =	swait.ge [sflag:s22], $0x4000  }
0x1dc: {  	[sflag:s22] =	ssyncset.done $0x0  }
0x1dd: {  	[sflag:s22] =	ssyncadd.s32 $0xFFFFC000  }
0x1de: {  	s6 =	stileid.u32;
	[bflag:$0x0] =	sbarrier.arrive $0xFFFF  }
0x1df: {  	s1 =	sshll.u32 s6, $0x6;
	s3 =	rddreg [dreg:$0xc]  }
0x1e0: {  	s1 =	sor.u32 $0x1C02, s1;
	s7 =	rddreg [dreg:$0x6];
	s6 =	sshrl.u32 s3, $0x3  }
0x1e1: {  	[hbm:s7], [sflag:s1] =	dma.local [spmem:s6], $0x2800  }
0x1e2: {  	_ =	swait.ge [sflag:s14], $0x2800  }
0x1e3: {  	s0 =	sadd.s32 $0x1, s0;
	s7 =	rddreg [dreg:$0x7]  }
0x1e4: {  	p0 =	sne.s32 s0, s7  }
.Ltmp2:
0x1e5: {  	_ = 	snop;
	(pc) =	sbr.rel @p0 .LBB2_1-.Ltmp2, $3  }
0x1e6: {  	_ =	sdelay $0x1  }
0x1e7: {  	[sflag:s14] =	ssyncset.done $0x0  }
0x1e8: {  	[sflag:s14] =	ssyncadd.s32 $0xFFFFD800  }
0x1e9: {  	_ =	sfence.sel $0x180000  }
0x1ea: {  	[bflag:$0x0] =	sbarrier.arrive $0xFFFF  }
0x1eb: {  	_ =	strace $0x9000004A  }
0x1ec: {  	s0 =	stileid.u32;
	[bflag:$0x2] =	sbarrier.arrive $0xFFFF  }
0x1ed: {  	p0 =	sne.s32 s0, $0x0;
	s0 =	rddreg [dreg:$0x3]  }
0x1ee: {  	s0 =	sadd.s32 @!p0 $0x100000, s0  }
0x1ef: {  	[sflag:s0] =	ssyncadd.tile.s32 @!p0 $0x1;
	_ =	shalt  }
.Lfunc_end2:
_tile_overlayer_lowered:
.L_overlay_start_2:
0x1f0: {  	(tag) =	ssettag $0x2  }
0x1f1: {  	s0 =	rddreg [dreg:$0x0];
	s2 =	stileid.u32  }
0x1f2: {  	s1 =	rddreg [dreg:$0x1];
	p0 =	sne.s32 s2, $0x0  }
0x1f3: {  	s3 =	rddreg [dreg:$0x2];
	[bflag:$0x3] =	sbarrier.arrive $0xFFFF;
	s2 =	simm.s32 @!p0 $0x1C02  }
0x1f4: {  	[timem:s3], [sflag:s2] =	dma.local @!p0 [hbm:s0], s1  }
0x1f5: {  	s0 =	simm.s32 @!p0 $0x2  }
0x1f6: {  	_ =	swait.ge @!p0 [sflag:s0], s1  }
0x1f7: {  	s1 =	ssub.s32 @!p0 $0x0, s1;
	[sflag:s0] =	ssyncset.done @!p0 $0x0  }
0x1f8: {  	[sflag:s0] =	ssyncadd.s32 @!p0 s1  }
0x1f9: {  	[bflag:$0x3] =	sbarrier.arrive $0xFFFF  }
0x1fa: {  	_ =	shalt  }

</sc_bundles>
